<compile_context>
chip_gen: v7x
topology: tpu7x:2x2x1
jax: 0.10.2.dev20260603
libtpu: 0.0.44.dev20260713+nightly
codegen_flags: <defaults>
</compile_context>

<pallas_src>
import functools

import jax
import jax.numpy as jnp
from jax import lax
from jax.experimental import pallas as pl
from jax.experimental.pallas import tpu as pltpu
from jax.experimental.pallas import tpu_sc as plsc

B = 16384
EMB = 32
HID = 128
OUT = 64
NB = 16
BB = B // NB


def _make_sc_gather():
    info = plsc.get_sparse_core_info()
    nc, ns = info.num_cores, info.num_subcores
    nw = nc * ns
    bpw = B // nw
    mesh = plsc.VectorSubcoreMesh(core_axis_name="c", subcore_axis_name="s")

    @functools.partial(
        pl.kernel,
        mesh=mesh,
        out_type=jax.ShapeDtypeStruct((B, EMB), jnp.float32),
        scratch_types=[
            pltpu.VMEM((4, 128), jnp.int32),
            pltpu.VMEM((bpw, EMB), jnp.float32),
            pltpu.SemaphoreType.DMA,
        ],
    )
    def sc_gather(table_hbm, idx_hbm, out_hbm, idx_v, rows_v, sem):
        wid = lax.axis_index("s") * nc + lax.axis_index("c")
        pltpu.sync_copy(idx_hbm.at[pl.ds(wid * 4, 4)], idx_v)
        for r in range(4):
            def issue(c16, _, r=r):
                v16 = idx_v[r, pl.ds(c16 * 16, 16)]
                for l in range(16):
                    idx_s = v16[l]
                    tid = lax.shift_right_logical(idx_s, 3)
                    rid = lax.bitwise_and(idx_s, 7)
                    g = r * 128 + c16 * 16 + l
                    pltpu.async_copy(table_hbm.at[tid, rid], rows_v.at[g],
                                     sem)
                return 0

            lax.fori_loop(0, 8, issue, 0)

        def drain(i, _):
            pltpu.make_async_copy(table_hbm.at[0, 0], rows_v.at[0],
                                  sem).wait()
            return 0

        lax.fori_loop(0, bpw, drain, 0)
        pltpu.sync_copy(rows_v, out_hbm.at[pl.ds(wid * bpw, bpw)])

    return sc_gather


def _tc_fused_body(ue_ref, g_ref, a_ref, o_ref, e_ref, w1t_ref, w1tu_ref,
                   gamma_ref, beta_ref, w2_ref, b2_ref,
                   ot_ref, h_scr, stats_scr, proj_scr):
    p = pl.program_id(0)
    j = pl.program_id(1)

    @pl.when(jnp.logical_and(p == 0, j == 0))
    def _():
        proj_scr[:] = jnp.dot(e_ref[:], w1t_ref[:],
                              preferred_element_type=jnp.float32)
        stats_scr[:] = jnp.zeros_like(stats_scr)

    @pl.when(p == 0)
    def _():
        cols = lax.broadcasted_iota(jnp.int32, (BB, HID), 1)
        g = g_ref[0, 0, :][:, None]
        a = a_ref[0, 0, :][:, None]
        o = o_ref[0, 0, :][:, None]
        oh = ((cols == g) | (cols == a) | (cols == o)).astype(jnp.float32)
        h = (jnp.dot(oh, proj_scr[:], preferred_element_type=jnp.float32)
             + jnp.dot(ue_ref[:], w1tu_ref[:],
                       preferred_element_type=jnp.float32))
        h_scr[pl.ds(j * BB, BB), :] = h
        s0 = jnp.sum(h, axis=0, keepdims=True)
        s1 = jnp.sum(h * h, axis=0, keepdims=True)
        upd = jnp.concatenate([s0, s1, jnp.zeros((6, HID), jnp.float32)],
                              axis=0)
        stats_scr[:] = stats_scr[:] + upd

    @pl.when(p == 1)
    def _():
        stats = stats_scr[:]
        mean = stats[0:1, :] * (1.0 / B)
        var = stats[1:2, :] * (1.0 / B) - mean * mean
        scale = lax.rsqrt(var + 1e-5) * gamma_ref[:]
        h = h_scr[pl.ds(j * BB, BB), :]
        hn = jnp.maximum((h - mean) * scale + beta_ref[:], 0.0)
        ot = lax.dot_general(w2_ref[:], hn, (((1,), (1,)), ((), ())),
                             preferred_element_type=jnp.float32)
        ot = ot + b2_ref[:]
        n2 = jnp.sum(ot * ot, axis=0, keepdims=True)
        ot_ref[:] = ot * lax.rsqrt(jnp.maximum(n2, 1e-24))


def _tc_fused(ue, g3, a3, o3, e_mat, w1t, w1tu, gamma, beta, w2, b2):
    return pl.pallas_call(
        _tc_fused_body,
        grid=(2, NB),
        in_specs=[
            pl.BlockSpec((BB, EMB), lambda p, j: ((1 - p) * j, 0)),
            pl.BlockSpec((1, 1, BB), lambda p, j: ((1 - p) * j, 0, 0)),
            pl.BlockSpec((1, 1, BB), lambda p, j: ((1 - p) * j, 0, 0)),
            pl.BlockSpec((1, 1, BB), lambda p, j: ((1 - p) * j, 0, 0)),
            pl.BlockSpec((HID, HID), lambda p, j: (0, 0)),
            pl.BlockSpec((HID, HID), lambda p, j: (0, 0)),
            pl.BlockSpec((EMB, HID), lambda p, j: (0, 0)),
            pl.BlockSpec((1, HID), lambda p, j: (0, 0)),
            pl.BlockSpec((1, HID), lambda p, j: (0, 0)),
            pl.BlockSpec((OUT, HID), lambda p, j: (0, 0)),
            pl.BlockSpec((OUT, 1), lambda p, j: (0, 0)),
        ],
        out_specs=pl.BlockSpec((OUT, BB), lambda p, j: (0, p * j)),
        out_shape=jax.ShapeDtypeStruct((OUT, B), jnp.float32),
        scratch_shapes=[
            pltpu.VMEM((B, HID), jnp.float32),
            pltpu.VMEM((8, HID), jnp.float32),
            pltpu.VMEM((HID, HID), jnp.float32),
        ],
    )(ue, g3, a3, o3, e_mat, w1t, w1tu, gamma, beta, w2, b2)


def _small_tables_matrix(gender_table, age_table, occupation_table):
    z = jnp.zeros
    r0 = jnp.concatenate([z((4, EMB)), gender_table, z((4, 2 * EMB))], axis=1)
    r1 = jnp.concatenate([z((8, 2 * EMB)), age_table, z((8, EMB))], axis=1)
    r2 = jnp.concatenate([z((32, 3 * EMB)), occupation_table], axis=1)
    r3 = z((HID - 44, HID))
    return jnp.concatenate([r0, r1, r2, r3], axis=0)


def kernel(user_idx, gender_idx, age_idx, occupation_idx,
           user_table, gender_table, age_table, occupation_table,
           W1, b1, gamma, beta, W2, b2):
    del b1
    ut3 = user_table.reshape(user_table.shape[0] // 8, 8, EMB)
    ue = _make_sc_gather()(ut3,
                           user_idx.astype(jnp.int32).reshape(B // 128, 128))
    g3 = gender_idx.astype(jnp.int32).reshape(NB, 1, BB)
    a3 = (age_idx.astype(jnp.int32) + 4).reshape(NB, 1, BB)
    o3 = (occupation_idx.astype(jnp.int32) + 12).reshape(NB, 1, BB)
    e_mat = _small_tables_matrix(gender_table, age_table, occupation_table)
    w1t = W1.T
    w1tu = w1t[:EMB]
    ot = _tc_fused(ue, g3, a3, o3, e_mat, w1t, w1tu,
                   gamma.reshape(1, HID), beta.reshape(1, HID),
                   W2, b2.reshape(OUT, 1))
    return ot.T

# --- scband reference (transcript-rebuilt; emitter-appended) ---
"""Pipeline reference for scband-user-tower-48524540510561 (READ-ONLY COPY).

The authoritative reference and input builder live on the scoring server;
editing this copy changes nothing except your own understanding.
"""

import jax, jax.numpy as jnp
import numpy as np

B = 16384
NUM_USERS = 1000000
NUM_GENDERS = 4
NUM_AGES = 8
NUM_OCC = 32
EMB = 32
HID = 128
OUT = 64


def _xavier(key, shape):
    a = float(np.sqrt(6.0 / (shape[0] + shape[1])))
    return jax.random.uniform(key, shape, jnp.float32, -a, a)


def setup_inputs(seed: int = 0) -> dict:
    key = jax.random.key(seed)
    ks = jax.random.split(key, 10)
    return {
        "user_idx": jax.random.randint(ks[0], (B,), 0, NUM_USERS),
        "gender_idx": jax.random.randint(ks[1], (B,), 0, NUM_GENDERS),
        "age_idx": jax.random.randint(ks[2], (B,), 0, NUM_AGES),
        "occupation_idx": jax.random.randint(ks[3], (B,), 0, NUM_OCC),
        "user_table": _xavier(ks[4], (NUM_USERS, EMB)),
        "gender_table": _xavier(ks[5], (NUM_GENDERS, EMB)),
        "age_table": _xavier(ks[6], (NUM_AGES, EMB)),
        "occupation_table": _xavier(ks[7], (NUM_OCC, EMB)),
        "W1": _xavier(ks[8], (HID, 4 * EMB)),
        "b1": jnp.zeros((HID,), jnp.float32),
        "gamma": jnp.ones((HID,), jnp.float32),
        "beta": jnp.zeros((HID,), jnp.float32),
        "W2": _xavier(ks[9], (OUT, HID)),
        "b2": jnp.zeros((OUT,), jnp.float32),
    }


def reference(user_idx, gender_idx, age_idx, occupation_idx,
              user_table, gender_table, age_table, occupation_table,
              W1, b1, gamma, beta, W2, b2):
    # Embedding lookups (gather)
    x = jnp.concatenate([
        jnp.take(user_table, user_idx, axis=0),
        jnp.take(gender_table, gender_idx, axis=0),
        jnp.take(age_table, age_idx, axis=0),
        jnp.take(occupation_table, occupation_idx, axis=0),
    ], axis=-1)
    # Linear 1
    h = x @ W1.T + b1
    # BatchNorm1d (training mode: batch statistics, biased variance)
    mean = jnp.mean(h, axis=0)
    var = jnp.var(h, axis=0)
    h = (h - mean) / jnp.sqrt(var + 1e-5) * gamma + beta
    # ReLU (Dropout is identity in deterministic reference)
    h = jnp.maximum(h, 0.0)
    # Linear 2
    o = h @ W2.T + b2
    # F.normalize(p=2, dim=-1)
    n = jnp.sqrt(jnp.sum(o * o, axis=-1, keepdims=True))
    return o / jnp.maximum(n, 1e-12)

if __name__ == "__main__":
    import jax
    _d = setup_inputs()
    print(jax.jit(kernel)(*tuple(_d.values())))

</pallas_src>

<mosaic_0001>
#map = affine_map<(d0, d1) -> (0, 0, 0)>
#map1 = affine_map<(d0, d1) -> (0, 0)>
module attributes {stable_mosaic.version = 14 : i64} {
  func.func @sc_gather(%arg0: i32, %arg1: i32, %arg2: memref<125000x8x32xf32, #tpu.memory_space<hbm>>, %arg3: memref<128x128xi32, #tpu.memory_space<hbm>>, %arg4: memref<16384x32xf32, #tpu.memory_space<hbm>>, %arg5: memref<4x128xi32, #tpu.memory_space<vmem>>, %arg6: memref<512x32xf32, #tpu.memory_space<vmem>>, %arg7: memref<!tpu.dma_semaphore, #tpu.memory_space<semaphore_mem>>) attributes {dimension_semantics = [#tpu.dimension_semantics<core_parallel>, #tpu.dimension_semantics<subcore_parallel>], iteration_bounds = array<i64: 2, 16>, scalar_prefetch = 0 : i64, scratch_operands = 3 : i64, tpu.core_type = #tpu.core_type<sc_vector_subcore>, window_params = [{transform_indices = #map}, {transform_indices = #map1}, {transform_indices = #map1}]} {
    %mul3A = arith.constant 2 : i32
    %mul3A_0 = arith.muli %arg1, %mul3A : i32
    %add3A = arith.addi %mul3A_0, %arg0 : i32
    %mul3A_1 = arith.constant 4 : i32
    %mul3A_2 = arith.muli %add3A, %mul3A_1 : i32
    "tpu.region"() ({
      %run_scoped3A = tpu.sem_alloc : memref<!tpu.dma_semaphore, #tpu.memory_space<semaphore_mem>>
      %dma_start3A = arith.constant 0 : i32
      %dma_start3A_39 = tpu.memref_slice %arg3[%mul3A_2, %dma_start3A] : memref<128x128xi32, #tpu.memory_space<hbm>> -> memref<4x128xi32, #tpu.memory_space<hbm>>
      %dma_start3A_40 = arith.constant 0 : i32
      %dma_start3A_41 = tpu.memref_slice %arg3[%mul3A_2, %dma_start3A_40] : memref<128x128xi32, #tpu.memory_space<hbm>> -> memref<4x128xi32, #tpu.memory_space<hbm>>
      tpu.enqueue_dma source(%dma_start3A_41 : memref<4x128xi32, #tpu.memory_space<hbm>>) target(%arg5 : memref<4x128xi32, #tpu.memory_space<vmem>>) target_semaphore(%run_scoped3A : memref<!tpu.dma_semaphore, #tpu.memory_space<semaphore_mem>>)
      %dma_wait3A = arith.constant 0 : i32
      %dma_wait3A_42 = tpu.memref_slice %arg3[%mul3A_2, %dma_wait3A] : memref<128x128xi32, #tpu.memory_space<hbm>> -> memref<4x128xi32, #tpu.memory_space<hbm>>
      %dma_wait3A_43 = arith.constant 0 : i32
      %dma_wait3A_44 = tpu.memref_slice %arg3[%mul3A_2, %dma_wait3A_43] : memref<128x128xi32, #tpu.memory_space<hbm>> -> memref<4x128xi32, #tpu.memory_space<hbm>>
      tpu.wait_dma2 semaphore(%run_scoped3A : memref<!tpu.dma_semaphore, #tpu.memory_space<semaphore_mem>>) src(%dma_wait3A_44 : memref<4x128xi32, #tpu.memory_space<hbm>>) dst(%arg5 : memref<4x128xi32, #tpu.memory_space<vmem>>)
      tpu.yield
    }) : () -> ()
    %scan3A = arith.constant 0 : i32
    %scan3A_3 = arith.constant 0 : i32
    %scan3A_4 = arith.constant 8 : i32
    %scan3A_5 = arith.addi %scan3A_3, %scan3A_4 : i32
    %scan3A_6 = arith.constant 1 : i32
    %scan3A_7 = scf.for %scan3A_39 = %scan3A_3 to %scan3A_5 step %scan3A_6 iter_args(%scan3A_40 = %scan3A) -> (i32)  : i32 {
      %mul3A_41 = arith.constant 16 : i32
      %mul3A_42 = arith.muli %scan3A_39, %mul3A_41 : i32
      %get3A = arith.constant 0 : i32
      %get3A_43 = arith.index_cast %get3A : i32 to index
      %get3A_44 = arith.index_cast %mul3A_42 : i32 to index
      %get3A_45 = tpu.vector_load %arg5[%get3A_43, %get3A_44] {strides = array<i32>} : memref<4x128xi32, #tpu.memory_space<vmem>>, vector<1x16xi32>,
      %get3A_46 = vector.shape_cast %get3A_45 : vector<1x16xi32> to vector<16xi32>
      %slice3A = vector.extract_strided_slice %get3A_46 {offsets = [0], sizes = [1], strides = [1]} : vector<16xi32> to vector<1xi32>
      %squeeze3A = vector.extract %slice3A[0] : i32 from vector<1xi32>
      %shift_right_logical3A = arith.constant 3 : i32
      %shift_right_logical3A_47 = arith.shrui %squeeze3A, %shift_right_logical3A : i32
      %and3A = arith.constant 7 : i32
      %and3A_48 = arith.andi %squeeze3A, %and3A : i32
      %mul3A_49 = arith.constant 16 : i32
      %mul3A_50 = arith.muli %scan3A_39, %mul3A_49 : i32
      %add3A_51 = arith.constant 0 : i32
      %add3A_52 = arith.addi %add3A_51, %mul3A_50 : i32
      %add3A_53 = arith.constant 0 : i32
      %add3A_54 = arith.addi %add3A_52, %add3A_53 : i32
      %dma_start3A = arith.constant 0 : i32
      %dma_start3A_55 = tpu.memref_slice %arg6[%add3A_54, %dma_start3A] : memref<512x32xf32, #tpu.memory_space<vmem>> -> memref<1x32xf32, #tpu.memory_space<vmem>>
      %dma_start3A_56 = tpu.memref_squeeze %dma_start3A_55 : memref<1x32xf32, #tpu.memory_space<vmem>> -> memref<32xf32, #tpu.memory_space<vmem>>
      %dma_start3A_57 = arith.constant 0 : i32
      %dma_start3A_58 = tpu.memref_slice %arg2[%shift_right_logical3A_47, %and3A_48, %dma_start3A_57] : memref<125000x8x32xf32, #tpu.memory_space<hbm>> -> memref<1x1x32xf32, #tpu.memory_space<hbm>>
      %dma_start3A_59 = tpu.memref_squeeze %dma_start3A_58 : memref<1x1x32xf32, #tpu.memory_space<hbm>> -> memref<32xf32, #tpu.memory_space<hbm>>
      %dma_start3A_60 = arith.constant 0 : i32
      %dma_start3A_61 = tpu.memref_slice %arg6[%add3A_54, %dma_start3A_60] : memref<512x32xf32, #tpu.memory_space<vmem>> -> memref<1x32xf32, #tpu.memory_space<vmem>>
      %dma_start3A_62 = tpu.memref_squeeze %dma_start3A_61 : memref<1x32xf32, #tpu.memory_space<vmem>> -> memref<32xf32, #tpu.memory_space<vmem>>
      %dma_start3A_63 = arith.constant 0 : i32
      %dma_start3A_64 = tpu.memref_slice %arg2[%shift_right_logical3A_47, %and3A_48, %dma_start3A_63] : memref<125000x8x32xf32, #tpu.memory_space<hbm>> -> memref<1x1x32xf32, #tpu.memory_space<hbm>>
      %dma_start3A_65 = tpu.memref_squeeze %dma_start3A_64 : memref<1x1x32xf32, #tpu.memory_space<hbm>> -> memref<32xf32, #tpu.memory_space<hbm>>
      tpu.enqueue_dma source(%dma_start3A_65 : memref<32xf32, #tpu.memory_space<hbm>>) target(%dma_start3A_62 : memref<32xf32, #tpu.memory_space<vmem>>) target_semaphore(%arg7 : memref<!tpu.dma_semaphore, #tpu.memory_space<semaphore_mem>>)
      %slice3A_66 = vector.extract_strided_slice %get3A_46 {offsets = [1], sizes = [1], strides = [1]} : vector<16xi32> to vector<1xi32>
      %squeeze3A_67 = vector.extract %slice3A_66[0] : i32 from vector<1xi32>
      %shift_right_logical3A_68 = arith.constant 3 : i32
      %shift_right_logical3A_69 = arith.shrui %squeeze3A_67, %shift_right_logical3A_68 : i32
      %and3A_70 = arith.constant 7 : i32
      %and3A_71 = arith.andi %squeeze3A_67, %and3A_70 : i32
      %mul3A_72 = arith.constant 16 : i32
      %mul3A_73 = arith.muli %scan3A_39, %mul3A_72 : i32
      %add3A_74 = arith.constant 0 : i32
      %add3A_75 = arith.addi %add3A_74, %mul3A_73 : i32
      %add3A_76 = arith.constant 1 : i32
      %add3A_77 = arith.addi %add3A_75, %add3A_76 : i32
      %dma_start3A_78 = arith.constant 0 : i32
      %dma_start3A_79 = tpu.memref_slice %arg6[%add3A_77, %dma_start3A_78] : memref<512x32xf32, #tpu.memory_space<vmem>> -> memref<1x32xf32, #tpu.memory_space<vmem>>
      %dma_start3A_80 = tpu.memref_squeeze %dma_start3A_79 : memref<1x32xf32, #tpu.memory_space<vmem>> -> memref<32xf32, #tpu.memory_space<vmem>>
      %dma_start3A_81 = arith.constant 0 : i32
      %dma_start3A_82 = tpu.memref_slice %arg2[%shift_right_logical3A_69, %and3A_71, %dma_start3A_81] : memref<125000x8x32xf32, #tpu.memory_space<hbm>> -> memref<1x1x32xf32, #tpu.memory_space<hbm>>
      %dma_start3A_83 = tpu.memref_squeeze %dma_start3A_82 : memref<1x1x32xf32, #tpu.memory_space<hbm>> -> memref<32xf32, #tpu.memory_space<hbm>>
      %dma_start3A_84 = arith.constant 0 : i32
      %dma_start3A_85 = tpu.memref_slice %arg6[%add3A_77, %dma_start3A_84] : memref<512x32xf32, #tpu.memory_space<vmem>> -> memref<1x32xf32, #tpu.memory_space<vmem>>
      %dma_start3A_86 = tpu.memref_squeeze %dma_start3A_85 : memref<1x32xf32, #tpu.memory_space<vmem>> -> memref<32xf32, #tpu.memory_space<vmem>>
      %dma_start3A_87 = arith.constant 0 : i32
      %dma_start3A_88 = tpu.memref_slice %arg2[%shift_right_logical3A_69, %and3A_71, %dma_start3A_87] : memref<125000x8x32xf32, #tpu.memory_space<hbm>> -> memref<1x1x32xf32, #tpu.memory_space<hbm>>
      %dma_start3A_89 = tpu.memref_squeeze %dma_start3A_88 : memref<1x1x32xf32, #tpu.memory_space<hbm>> -> memref<32xf32, #tpu.memory_space<hbm>>
      tpu.enqueue_dma source(%dma_start3A_89 : memref<32xf32, #tpu.memory_space<hbm>>) target(%dma_start3A_86 : memref<32xf32, #tpu.memory_space<vmem>>) target_semaphore(%arg7 : memref<!tpu.dma_semaphore, #tpu.memory_space<semaphore_mem>>)
      %slice3A_90 = vector.extract_strided_slice %get3A_46 {offsets = [2], sizes = [1], strides = [1]} : vector<16xi32> to vector<1xi32>
      %squeeze3A_91 = vector.extract %slice3A_90[0] : i32 from vector<1xi32>
      %shift_right_logical3A_92 = arith.constant 3 : i32
      %shift_right_logical3A_93 = arith.shrui %squeeze3A_91, %shift_right_logical3A_92 : i32
      %and3A_94 = arith.constant 7 : i32
      %and3A_95 = arith.andi %squeeze3A_91, %and3A_94 : i32
      %mul3A_96 = arith.constant 16 : i32
      %mul3A_97 = arith.muli %scan3A_39, %mul3A_96 : i32
      %add3A_98 = arith.constant 0 : i32
      %add3A_99 = arith.addi %add3A_98, %mul3A_97 : i32
      %add3A_100 = arith.constant 2 : i32
      %add3A_101 = arith.addi %add3A_99, %add3A_100 : i32
      %dma_start3A_102 = arith.constant 0 : i32
      %dma_start3A_103 = tpu.memref_slice %arg6[%add3A_101, %dma_start3A_102] : memref<512x32xf32, #tpu.memory_space<vmem>> -> memref<1x32xf32, #tpu.memory_space<vmem>>
      %dma_start3A_104 = tpu.memref_squeeze %dma_start3A_103 : memref<1x32xf32, #tpu.memory_space<vmem>> -> memref<32xf32, #tpu.memory_space<vmem>>
      %dma_start3A_105 = arith.constant 0 : i32
      %dma_start3A_106 = tpu.memref_slice %arg2[%shift_right_logical3A_93, %and3A_95, %dma_start3A_105] : memref<125000x8x32xf32, #tpu.memory_space<hbm>> -> memref<1x1x32xf32, #tpu.memory_space<hbm>>
      %dma_start3A_107 = tpu.memref_squeeze %dma_start3A_106 : memref<1x1x32xf32, #tpu.memory_space<hbm>> -> memref<32xf32, #tpu.memory_space<hbm>>
      %dma_start3A_108 = arith.constant 0 : i32
      %dma_start3A_109 = tpu.memref_slice %arg6[%add3A_101, %dma_start3A_108] : memref<512x32xf32, #tpu.memory_space<vmem>> -> memref<1x32xf32, #tpu.memory_space<vmem>>
      %dma_start3A_110 = tpu.memref_squeeze %dma_start3A_109 : memref<1x32xf32, #tpu.memory_space<vmem>> -> memref<32xf32, #tpu.memory_space<vmem>>
      %dma_start3A_111 = arith.constant 0 : i32
      %dma_start3A_112 = tpu.memref_slice %arg2[%shift_right_logical3A_93, %and3A_95, %dma_start3A_111] : memref<125000x8x32xf32, #tpu.memory_space<hbm>> -> memref<1x1x32xf32, #tpu.memory_space<hbm>>
      %dma_start3A_113 = tpu.memref_squeeze %dma_start3A_112 : memref<1x1x32xf32, #tpu.memory_space<hbm>> -> memref<32xf32, #tpu.memory_space<hbm>>
      tpu.enqueue_dma source(%dma_start3A_113 : memref<32xf32, #tpu.memory_space<hbm>>) target(%dma_start3A_110 : memref<32xf32, #tpu.memory_space<vmem>>) target_semaphore(%arg7 : memref<!tpu.dma_semaphore, #tpu.memory_space<semaphore_mem>>)
      %slice3A_114 = vector.extract_strided_slice %get3A_46 {offsets = [3], sizes = [1], strides = [1]} : vector<16xi32> to vector<1xi32>
      %squeeze3A_115 = vector.extract %slice3A_114[0] : i32 from vector<1xi32>
      %shift_right_logical3A_116 = arith.constant 3 : i32
      %shift_right_logical3A_117 = arith.shrui %squeeze3A_115, %shift_right_logical3A_116 : i32
      %and3A_118 = arith.constant 7 : i32
      %and3A_119 = arith.andi %squeeze3A_115, %and3A_118 : i32
      %mul3A_120 = arith.constant 16 : i32
      %mul3A_121 = arith.muli %scan3A_39, %mul3A_120 : i32
      %add3A_122 = arith.constant 0 : i32
      %add3A_123 = arith.addi %add3A_122, %mul3A_121 : i32
      %add3A_124 = arith.constant 3 : i32
      %add3A_125 = arith.addi %add3A_123, %add3A_124 : i32
      %dma_start3A_126 = arith.constant 0 : i32
      %dma_start3A_127 = tpu.memref_slice %arg6[%add3A_125, %dma_start3A_126] : memref<512x32xf32, #tpu.memory_space<vmem>> -> memref<1x32xf32, #tpu.memory_space<vmem>>
      %dma_start3A_128 = tpu.memref_squeeze %dma_start3A_127 : memref<1x32xf32, #tpu.memory_space<vmem>> -> memref<32xf32, #tpu.memory_space<vmem>>
      %dma_start3A_129 = arith.constant 0 : i32
      %dma_start3A_130 = tpu.memref_slice %arg2[%shift_right_logical3A_117, %and3A_119, %dma_start3A_129] : memref<125000x8x32xf32, #tpu.memory_space<hbm>> -> memref<1x1x32xf32, #tpu.memory_space<hbm>>
      %dma_start3A_131 = tpu.memref_squeeze %dma_start3A_130 : memref<1x1x32xf32, #tpu.memory_space<hbm>> -> memref<32xf32, #tpu.memory_space<hbm>>
      %dma_start3A_132 = arith.constant 0 : i32
      %dma_start3A_133 = tpu.memref_slice %arg6[%add3A_125, %dma_start3A_132] : memref<512x32xf32, #tpu.memory_space<vmem>> -> memref<1x32xf32, #tpu.memory_space<vmem>>
      %dma_start3A_134 = tpu.memref_squeeze %dma_start3A_133 : memref<1x32xf32, #tpu.memory_space<vmem>> -> memref<32xf32, #tpu.memory_space<vmem>>
      %dma_start3A_135 = arith.constant 0 : i32
      %dma_start3A_136 = tpu.memref_slice %arg2[%shift_right_logical3A_117, %and3A_119, %dma_start3A_135] : memref<125000x8x32xf32, #tpu.memory_space<hbm>> -> memref<1x1x32xf32, #tpu.memory_space<hbm>>
      %dma_start3A_137 = tpu.memref_squeeze %dma_start3A_136 : memref<1x1x32xf32, #tpu.memory_space<hbm>> -> memref<32xf32, #tpu.memory_space<hbm>>
      tpu.enqueue_dma source(%dma_start3A_137 : memref<32xf32, #tpu.memory_space<hbm>>) target(%dma_start3A_134 : memref<32xf32, #tpu.memory_space<vmem>>) target_semaphore(%arg7 : memref<!tpu.dma_semaphore, #tpu.memory_space<semaphore_mem>>)
      %slice3A_138 = vector.extract_strided_slice %get3A_46 {offsets = [4], sizes = [1], strides = [1]} : vector<16xi32> to vector<1xi32>
      %squeeze3A_139 = vector.extract %slice3A_138[0] : i32 from vector<1xi32>
      %shift_right_logical3A_140 = arith.constant 3 : i32
      %shift_right_logical3A_141 = arith.shrui %squeeze3A_139, %shift_right_logical3A_140 : i32
      %and3A_142 = arith.constant 7 : i32
      %and3A_143 = arith.andi %squeeze3A_139, %and3A_142 : i32
      %mul3A_144 = arith.constant 16 : i32
      %mul3A_145 = arith.muli %scan3A_39, %mul3A_144 : i32
      %add3A_146 = arith.constant 0 : i32
      %add3A_147 = arith.addi %add3A_146, %mul3A_145 : i32
      %add3A_148 = arith.constant 4 : i32
      %add3A_149 = arith.addi %add3A_147, %add3A_148 : i32
      %dma_start3A_150 = arith.constant 0 : i32
      %dma_start3A_151 = tpu.memref_slice %arg6[%add3A_149, %dma_start3A_150] : memref<512x32xf32, #tpu.memory_space<vmem>> -> memref<1x32xf32, #tpu.memory_space<vmem>>
      %dma_start3A_152 = tpu.memref_squeeze %dma_start3A_151 : memref<1x32xf32, #tpu.memory_space<vmem>> -> memref<32xf32, #tpu.memory_space<vmem>>
      %dma_start3A_153 = arith.constant 0 : i32
      %dma_start3A_154 = tpu.memref_slice %arg2[%shift_right_logical3A_141, %and3A_143, %dma_start3A_153] : memref<125000x8x32xf32, #tpu.memory_space<hbm>> -> memref<1x1x32xf32, #tpu.memory_space<hbm>>
      %dma_start3A_155 = tpu.memref_squeeze %dma_start3A_154 : memref<1x1x32xf32, #tpu.memory_space<hbm>> -> memref<32xf32, #tpu.memory_space<hbm>>
      %dma_start3A_156 = arith.constant 0 : i32
      %dma_start3A_157 = tpu.memref_slice %arg6[%add3A_149, %dma_start3A_156] : memref<512x32xf32, #tpu.memory_space<vmem>> -> memref<1x32xf32, #tpu.memory_space<vmem>>
      %dma_start3A_158 = tpu.memref_squeeze %dma_start3A_157 : memref<1x32xf32, #tpu.memory_space<vmem>> -> memref<32xf32, #tpu.memory_space<vmem>>
      %dma_start3A_159 = arith.constant 0 : i32
      %dma_start3A_160 = tpu.memref_slice %arg2[%shift_right_logical3A_141, %and3A_143, %dma_start3A_159] : memref<125000x8x32xf32, #tpu.memory_space<hbm>> -> memref<1x1x32xf32, #tpu.memory_space<hbm>>
      %dma_start3A_161 = tpu.memref_squeeze %dma_start3A_160 : memref<1x1x32xf32, #tpu.memory_space<hbm>> -> memref<32xf32, #tpu.memory_space<hbm>>
      tpu.enqueue_dma source(%dma_start3A_161 : memref<32xf32, #tpu.memory_space<hbm>>) target(%dma_start3A_158 : memref<32xf32, #tpu.memory_space<vmem>>) target_semaphore(%arg7 : memref<!tpu.dma_semaphore, #tpu.memory_space<semaphore_mem>>)
      %slice3A_162 = vector.extract_strided_slice %get3A_46 {offsets = [5], sizes = [1], strides = [1]} : vector<16xi32> to vector<1xi32>
      %squeeze3A_163 = vector.extract %slice3A_162[0] : i32 from vector<1xi32>
      %shift_right_logical3A_164 = arith.constant 3 : i32
      %shift_right_logical3A_165 = arith.shrui %squeeze3A_163, %shift_right_logical3A_164 : i32
      %and3A_166 = arith.constant 7 : i32
      %and3A_167 = arith.andi %squeeze3A_163, %and3A_166 : i32
      %mul3A_168 = arith.constant 16 : i32
      %mul3A_169 = arith.muli %scan3A_39, %mul3A_168 : i32
      %add3A_170 = arith.constant 0 : i32
      %add3A_171 = arith.addi %add3A_170, %mul3A_169 : i32
      %add3A_172 = arith.constant 5 : i32
      %add3A_173 = arith.addi %add3A_171, %add3A_172 : i32
      %dma_start3A_174 = arith.constant 0 : i32
      %dma_start3A_175 = tpu.memref_slice %arg6[%add3A_173, %dma_start3A_174] : memref<512x32xf32, #tpu.memory_space<vmem>> -> memref<1x32xf32, #tpu.memory_space<vmem>>
      %dma_start3A_176 = tpu.memref_squeeze %dma_start3A_175 : memref<1x32xf32, #tpu.memory_space<vmem>> -> memref<32xf32, #tpu.memory_space<vmem>>
      %dma_start3A_177 = arith.constant 0 : i32
      %dma_start3A_178 = tpu.memref_slice %arg2[%shift_right_logical3A_165, %and3A_167, %dma_start3A_177] : memref<125000x8x32xf32, #tpu.memory_space<hbm>> -> memref<1x1x32xf32, #tpu.memory_space<hbm>>
      %dma_start3A_179 = tpu.memref_squeeze %dma_start3A_178 : memref<1x1x32xf32, #tpu.memory_space<hbm>> -> memref<32xf32, #tpu.memory_space<hbm>>
      %dma_start3A_180 = arith.constant 0 : i32
      %dma_start3A_181 = tpu.memref_slice %arg6[%add3A_173, %dma_start3A_180] : memref<512x32xf32, #tpu.memory_space<vmem>> -> memref<1x32xf32, #tpu.memory_space<vmem>>
      %dma_start3A_182 = tpu.memref_squeeze %dma_start3A_181 : memref<1x32xf32, #tpu.memory_space<vmem>> -> memref<32xf32, #tpu.memory_space<vmem>>
      %dma_start3A_183 = arith.constant 0 : i32
      %dma_start3A_184 = tpu.memref_slice %arg2[%shift_right_logical3A_165, %and3A_167, %dma_start3A_183] : memref<125000x8x32xf32, #tpu.memory_space<hbm>> -> memref<1x1x32xf32, #tpu.memory_space<hbm>>
      %dma_start3A_185 = tpu.memref_squeeze %dma_start3A_184 : memref<1x1x32xf32, #tpu.memory_space<hbm>> -> memref<32xf32, #tpu.memory_space<hbm>>
      tpu.enqueue_dma source(%dma_start3A_185 : memref<32xf32, #tpu.memory_space<hbm>>) target(%dma_start3A_182 : memref<32xf32, #tpu.memory_space<vmem>>) target_semaphore(%arg7 : memref<!tpu.dma_semaphore, #tpu.memory_space<semaphore_mem>>)
      %slice3A_186 = vector.extract_strided_slice %get3A_46 {offsets = [6], sizes = [1], strides = [1]} : vector<16xi32> to vector<1xi32>
      %squeeze3A_187 = vector.extract %slice3A_186[0] : i32 from vector<1xi32>
      %shift_right_logical3A_188 = arith.constant 3 : i32
      %shift_right_logical3A_189 = arith.shrui %squeeze3A_187, %shift_right_logical3A_188 : i32
      %and3A_190 = arith.constant 7 : i32
      %and3A_191 = arith.andi %squeeze3A_187, %and3A_190 : i32
      %mul3A_192 = arith.constant 16 : i32
      %mul3A_193 = arith.muli %scan3A_39, %mul3A_192 : i32
      %add3A_194 = arith.constant 0 : i32
      %add3A_195 = arith.addi %add3A_194, %mul3A_193 : i32
      %add3A_196 = arith.constant 6 : i32
      %add3A_197 = arith.addi %add3A_195, %add3A_196 : i32
      %dma_start3A_198 = arith.constant 0 : i32
      %dma_start3A_199 = tpu.memref_slice %arg6[%add3A_197, %dma_start3A_198] : memref<512x32xf32, #tpu.memory_space<vmem>> -> memref<1x32xf32, #tpu.memory_space<vmem>>
      %dma_start3A_200 = tpu.memref_squeeze %dma_start3A_199 : memref<1x32xf32, #tpu.memory_space<vmem>> -> memref<32xf32, #tpu.memory_space<vmem>>
      %dma_start3A_201 = arith.constant 0 : i32
      %dma_start3A_202 = tpu.memref_slice %arg2[%shift_right_logical3A_189, %and3A_191, %dma_start3A_201] : memref<125000x8x32xf32, #tpu.memory_space<hbm>> -> memref<1x1x32xf32, #tpu.memory_space<hbm>>
      %dma_start3A_203 = tpu.memref_squeeze %dma_start3A_202 : memref<1x1x32xf32, #tpu.memory_space<hbm>> -> memref<32xf32, #tpu.memory_space<hbm>>
      %dma_start3A_204 = arith.constant 0 : i32
      %dma_start3A_205 = tpu.memref_slice %arg6[%add3A_197, %dma_start3A_204] : memref<512x32xf32, #tpu.memory_space<vmem>> -> memref<1x32xf32, #tpu.memory_space<vmem>>
      %dma_start3A_206 = tpu.memref_squeeze %dma_start3A_205 : memref<1x32xf32, #tpu.memory_space<vmem>> -> memref<32xf32, #tpu.memory_space<vmem>>
      %dma_start3A_207 = arith.constant 0 : i32
      %dma_start3A_208 = tpu.memref_slice %arg2[%shift_right_logical3A_189, %and3A_191, %dma_start3A_207] : memref<125000x8x32xf32, #tpu.memory_space<hbm>> -> memref<1x1x32xf32, #tpu.memory_space<hbm>>
      %dma_start3A_209 = tpu.memref_squeeze %dma_start3A_208 : memref<1x1x32xf32, #tpu.memory_space<hbm>> -> memref<32xf32, #tpu.memory_space<hbm>>
      tpu.enqueue_dma source(%dma_start3A_209 : memref<32xf32, #tpu.memory_space<hbm>>) target(%dma_start3A_206 : memref<32xf32, #tpu.memory_space<vmem>>) target_semaphore(%arg7 : memref<!tpu.dma_semaphore, #tpu.memory_space<semaphore_mem>>)
      %slice3A_210 = vector.extract_strided_slice %get3A_46 {offsets = [7], sizes = [1], strides = [1]} : vector<16xi32> to vector<1xi32>
      %squeeze3A_211 = vector.extract %slice3A_210[0] : i32 from vector<1xi32>
      %shift_right_logical3A_212 = arith.constant 3 : i32
      %shift_right_logical3A_213 = arith.shrui %squeeze3A_211, %shift_right_logical3A_212 : i32
      %and3A_214 = arith.constant 7 : i32
      %and3A_215 = arith.andi %squeeze3A_211, %and3A_214 : i32
      %mul3A_216 = arith.constant 16 : i32
      %mul3A_217 = arith.muli %scan3A_39, %mul3A_216 : i32
      %add3A_218 = arith.constant 0 : i32
      %add3A_219 = arith.addi %add3A_218, %mul3A_217 : i32
      %add3A_220 = arith.constant 7 : i32
      %add3A_221 = arith.addi %add3A_219, %add3A_220 : i32
      %dma_start3A_222 = arith.constant 0 : i32
      %dma_start3A_223 = tpu.memref_slice %arg6[%add3A_221, %dma_start3A_222] : memref<512x32xf32, #tpu.memory_space<vmem>> -> memref<1x32xf32, #tpu.memory_space<vmem>>
      %dma_start3A_224 = tpu.memref_squeeze %dma_start3A_223 : memref<1x32xf32, #tpu.memory_space<vmem>> -> memref<32xf32, #tpu.memory_space<vmem>>
      %dma_start3A_225 = arith.constant 0 : i32
      %dma_start3A_226 = tpu.memref_slice %arg2[%shift_right_logical3A_213, %and3A_215, %dma_start3A_225] : memref<125000x8x32xf32, #tpu.memory_space<hbm>> -> memref<1x1x32xf32, #tpu.memory_space<hbm>>
      %dma_start3A_227 = tpu.memref_squeeze %dma_start3A_226 : memref<1x1x32xf32, #tpu.memory_space<hbm>> -> memref<32xf32, #tpu.memory_space<hbm>>
      %dma_start3A_228 = arith.constant 0 : i32
      %dma_start3A_229 = tpu.memref_slice %arg6[%add3A_221, %dma_start3A_228] : memref<512x32xf32, #tpu.memory_space<vmem>> -> memref<1x32xf32, #tpu.memory_space<vmem>>
      %dma_start3A_230 = tpu.memref_squeeze %dma_start3A_229 : memref<1x32xf32, #tpu.memory_space<vmem>> -> memref<32xf32, #tpu.memory_space<vmem>>
      %dma_start3A_231 = arith.constant 0 : i32
      %dma_start3A_232 = tpu.memref_slice %arg2[%shift_right_logical3A_213, %and3A_215, %dma_start3A_231] : memref<125000x8x32xf32, #tpu.memory_space<hbm>> -> memref<1x1x32xf32, #tpu.memory_space<hbm>>
      %dma_start3A_233 = tpu.memref_squeeze %dma_start3A_232 : memref<1x1x32xf32, #tpu.memory_space<hbm>> -> memref<32xf32, #tpu.memory_space<hbm>>
      tpu.enqueue_dma source(%dma_start3A_233 : memref<32xf32, #tpu.memory_space<hbm>>) target(%dma_start3A_230 : memref<32xf32, #tpu.memory_space<vmem>>) target_semaphore(%arg7 : memref<!tpu.dma_semaphore, #tpu.memory_space<semaphore_mem>>)
      %slice3A_234 = vector.extract_strided_slice %get3A_46 {offsets = [8], sizes = [1], strides = [1]} : vector<16xi32> to vector<1xi32>
      %squeeze3A_235 = vector.extract %slice3A_234[0] : i32 from vector<1xi32>
      %shift_right_logical3A_236 = arith.constant 3 : i32
      %shift_right_logical3A_237 = arith.shrui %squeeze3A_235, %shift_right_logical3A_236 : i32
      %and3A_238 = arith.constant 7 : i32
      %and3A_239 = arith.andi %squeeze3A_235, %and3A_238 : i32
      %mul3A_240 = arith.constant 16 : i32
      %mul3A_241 = arith.muli %scan3A_39, %mul3A_240 : i32
      %add3A_242 = arith.constant 0 : i32
      %add3A_243 = arith.addi %add3A_242, %mul3A_241 : i32
      %add3A_244 = arith.constant 8 : i32
      %add3A_245 = arith.addi %add3A_243, %add3A_244 : i32
      %dma_start3A_246 = arith.constant 0 : i32
      %dma_start3A_247 = tpu.memref_slice %arg6[%add3A_245, %dma_start3A_246] : memref<512x32xf32, #tpu.memory_space<vmem>> -> memref<1x32xf32, #tpu.memory_space<vmem>>
      %dma_start3A_248 = tpu.memref_squeeze %dma_start3A_247 : memref<1x32xf32, #tpu.memory_space<vmem>> -> memref<32xf32, #tpu.memory_space<vmem>>
      %dma_start3A_249 = arith.constant 0 : i32
      %dma_start3A_250 = tpu.memref_slice %arg2[%shift_right_logical3A_237, %and3A_239, %dma_start3A_249] : memref<125000x8x32xf32, #tpu.memory_space<hbm>> -> memref<1x1x32xf32, #tpu.memory_space<hbm>>
      %dma_start3A_251 = tpu.memref_squeeze %dma_start3A_250 : memref<1x1x32xf32, #tpu.memory_space<hbm>> -> memref<32xf32, #tpu.memory_space<hbm>>
      %dma_start3A_252 = arith.constant 0 : i32
      %dma_start3A_253 = tpu.memref_slice %arg6[%add3A_245, %dma_start3A_252] : memref<512x32xf32, #tpu.memory_space<vmem>> -> memref<1x32xf32, #tpu.memory_space<vmem>>
      %dma_start3A_254 = tpu.memref_squeeze %dma_start3A_253 : memref<1x32xf32, #tpu.memory_space<vmem>> -> memref<32xf32, #tpu.memory_space<vmem>>
      %dma_start3A_255 = arith.constant 0 : i32
      %dma_start3A_256 = tpu.memref_slice %arg2[%shift_right_logical3A_237, %and3A_239, %dma_start3A_255] : memref<125000x8x32xf32, #tpu.memory_space<hbm>> -> memref<1x1x32xf32, #tpu.memory_space<hbm>>
      %dma_start3A_257 = tpu.memref_squeeze %dma_start3A_256 : memref<1x1x32xf32, #tpu.memory_space<hbm>> -> memref<32xf32, #tpu.memory_space<hbm>>
      tpu.enqueue_dma source(%dma_start3A_257 : memref<32xf32, #tpu.memory_space<hbm>>) target(%dma_start3A_254 : memref<32xf32, #tpu.memory_space<vmem>>) target_semaphore(%arg7 : memref<!tpu.dma_semaphore, #tpu.memory_space<semaphore_mem>>)
      %slice3A_258 = vector.extract_strided_slice %get3A_46 {offsets = [9], sizes = [1], strides = [1]} : vector<16xi32> to vector<1xi32>
      %squeeze3A_259 = vector.extract %slice3A_258[0] : i32 from vector<1xi32>
      %shift_right_logical3A_260 = arith.constant 3 : i32
      %shift_right_logical3A_261 = arith.shrui %squeeze3A_259, %shift_right_logical3A_260 : i32
      %and3A_262 = arith.constant 7 : i32
      %and3A_263 = arith.andi %squeeze3A_259, %and3A_262 : i32
      %mul3A_264 = arith.constant 16 : i32
      %mul3A_265 = arith.muli %scan3A_39, %mul3A_264 : i32
      %add3A_266 = arith.constant 0 : i32
      %add3A_267 = arith.addi %add3A_266, %mul3A_265 : i32
      %add3A_268 = arith.constant 9 : i32
      %add3A_269 = arith.addi %add3A_267, %add3A_268 : i32
      %dma_start3A_270 = arith.constant 0 : i32
      %dma_start3A_271 = tpu.memref_slice %arg6[%add3A_269, %dma_start3A_270] : memref<512x32xf32, #tpu.memory_space<vmem>> -> memref<1x32xf32, #tpu.memory_space<vmem>>
      %dma_start3A_272 = tpu.memref_squeeze %dma_start3A_271 : memref<1x32xf32, #tpu.memory_space<vmem>> -> memref<32xf32, #tpu.memory_space<vmem>>
      %dma_start3A_273 = arith.constant 0 : i32
      %dma_start3A_274 = tpu.memref_slice %arg2[%shift_right_logical3A_261, %and3A_263, %dma_start3A_273] : memref<125000x8x32xf32, #tpu.memory_space<hbm>> -> memref<1x1x32xf32, #tpu.memory_space<hbm>>
      %dma_start3A_275 = tpu.memref_squeeze %dma_start3A_274 : memref<1x1x32xf32, #tpu.memory_space<hbm>> -> memref<32xf32, #tpu.memory_space<hbm>>
      %dma_start3A_276 = arith.constant 0 : i32
      %dma_start3A_277 = tpu.memref_slice %arg6[%add3A_269, %dma_start3A_276] : memref<512x32xf32, #tpu.memory_space<vmem>> -> memref<1x32xf32, #tpu.memory_space<vmem>>
      %dma_start3A_278 = tpu.memref_squeeze %dma_start3A_277 : memref<1x32xf32, #tpu.memory_space<vmem>> -> memref<32xf32, #tpu.memory_space<vmem>>
      %dma_start3A_279 = arith.constant 0 : i32
      %dma_start3A_280 = tpu.memref_slice %arg2[%shift_right_logical3A_261, %and3A_263, %dma_start3A_279] : memref<125000x8x32xf32, #tpu.memory_space<hbm>> -> memref<1x1x32xf32, #tpu.memory_space<hbm>>
      %dma_start3A_281 = tpu.memref_squeeze %dma_start3A_280 : memref<1x1x32xf32, #tpu.memory_space<hbm>> -> memref<32xf32, #tpu.memory_space<hbm>>
      tpu.enqueue_dma source(%dma_start3A_281 : memref<32xf32, #tpu.memory_space<hbm>>) target(%dma_start3A_278 : memref<32xf32, #tpu.memory_space<vmem>>) target_semaphore(%arg7 : memref<!tpu.dma_semaphore, #tpu.memory_space<semaphore_mem>>)
      %slice3A_282 = vector.extract_strided_slice %get3A_46 {offsets = [10], sizes = [1], strides = [1]} : vector<16xi32> to vector<1xi32>
      %squeeze3A_283 = vector.extract %slice3A_282[0] : i32 from vector<1xi32>
      %shift_right_logical3A_284 = arith.constant 3 : i32
      %shift_right_logical3A_285 = arith.shrui %squeeze3A_283, %shift_right_logical3A_284 : i32
      %and3A_286 = arith.constant 7 : i32
      %and3A_287 = arith.andi %squeeze3A_283, %and3A_286 : i32
      %mul3A_288 = arith.constant 16 : i32
      %mul3A_289 = arith.muli %scan3A_39, %mul3A_288 : i32
      %add3A_290 = arith.constant 0 : i32
      %add3A_291 = arith.addi %add3A_290, %mul3A_289 : i32
      %add3A_292 = arith.constant 10 : i32
      %add3A_293 = arith.addi %add3A_291, %add3A_292 : i32
      %dma_start3A_294 = arith.constant 0 : i32
      %dma_start3A_295 = tpu.memref_slice %arg6[%add3A_293, %dma_start3A_294] : memref<512x32xf32, #tpu.memory_space<vmem>> -> memref<1x32xf32, #tpu.memory_space<vmem>>
      %dma_start3A_296 = tpu.memref_squeeze %dma_start3A_295 : memref<1x32xf32, #tpu.memory_space<vmem>> -> memref<32xf32, #tpu.memory_space<vmem>>
      %dma_start3A_297 = arith.constant 0 : i32
      %dma_start3A_298 = tpu.memref_slice %arg2[%shift_right_logical3A_285, %and3A_287, %dma_start3A_297] : memref<125000x8x32xf32, #tpu.memory_space<hbm>> -> memref<1x1x32xf32, #tpu.memory_space<hbm>>
      %dma_start3A_299 = tpu.memref_squeeze %dma_start3A_298 : memref<1x1x32xf32, #tpu.memory_space<hbm>> -> memref<32xf32, #tpu.memory_space<hbm>>
      %dma_start3A_300 = arith.constant 0 : i32
      %dma_start3A_301 = tpu.memref_slice %arg6[%add3A_293, %dma_start3A_300] : memref<512x32xf32, #tpu.memory_space<vmem>> -> memref<1x32xf32, #tpu.memory_space<vmem>>
      %dma_start3A_302 = tpu.memref_squeeze %dma_start3A_301 : memref<1x32xf32, #tpu.memory_space<vmem>> -> memref<32xf32, #tpu.memory_space<vmem>>
      %dma_start3A_303 = arith.constant 0 : i32
      %dma_start3A_304 = tpu.memref_slice %arg2[%shift_right_logical3A_285, %and3A_287, %dma_start3A_303] : memref<125000x8x32xf32, #tpu.memory_space<hbm>> -> memref<1x1x32xf32, #tpu.memory_space<hbm>>
      %dma_start3A_305 = tpu.memref_squeeze %dma_start3A_304 : memref<1x1x32xf32, #tpu.memory_space<hbm>> -> memref<32xf32, #tpu.memory_space<hbm>>
      tpu.enqueue_dma source(%dma_start3A_305 : memref<32xf32, #tpu.memory_space<hbm>>) target(%dma_start3A_302 : memref<32xf32, #tpu.memory_space<vmem>>) target_semaphore(%arg7 : memref<!tpu.dma_semaphore, #tpu.memory_space<semaphore_mem>>)
      %slice3A_306 = vector.extract_strided_slice %get3A_46 {offsets = [11], sizes = [1], strides = [1]} : vector<16xi32> to vector<1xi32>
      %squeeze3A_307 = vector.extract %slice3A_306[0] : i32 from vector<1xi32>
      %shift_right_logical3A_308 = arith.constant 3 : i32
      %shift_right_logical3A_309 = arith.shrui %squeeze3A_307, %shift_right_logical3A_308 : i32
      %and3A_310 = arith.constant 7 : i32
      %and3A_311 = arith.andi %squeeze3A_307, %and3A_310 : i32
      %mul3A_312 = arith.constant 16 : i32
      %mul3A_313 = arith.muli %scan3A_39, %mul3A_312 : i32
      %add3A_314 = arith.constant 0 : i32
      %add3A_315 = arith.addi %add3A_314, %mul3A_313 : i32
      %add3A_316 = arith.constant 11 : i32
      %add3A_317 = arith.addi %add3A_315, %add3A_316 : i32
      %dma_start3A_318 = arith.constant 0 : i32
      %dma_start3A_319 = tpu.memref_slice %arg6[%add3A_317, %dma_start3A_318] : memref<512x32xf32, #tpu.memory_space<vmem>> -> memref<1x32xf32, #tpu.memory_space<vmem>>
      %dma_start3A_320 = tpu.memref_squeeze %dma_start3A_319 : memref<1x32xf32, #tpu.memory_space<vmem>> -> memref<32xf32, #tpu.memory_space<vmem>>
      %dma_start3A_321 = arith.constant 0 : i32
      %dma_start3A_322 = tpu.memref_slice %arg2[%shift_right_logical3A_309, %and3A_311, %dma_start3A_321] : memref<125000x8x32xf32, #tpu.memory_space<hbm>> -> memref<1x1x32xf32, #tpu.memory_space<hbm>>
      %dma_start3A_323 = tpu.memref_squeeze %dma_start3A_322 : memref<1x1x32xf32, #tpu.memory_space<hbm>> -> memref<32xf32, #tpu.memory_space<hbm>>
      %dma_start3A_324 = arith.constant 0 : i32
      %dma_start3A_325 = tpu.memref_slice %arg6[%add3A_317, %dma_start3A_324] : memref<512x32xf32, #tpu.memory_space<vmem>> -> memref<1x32xf32, #tpu.memory_space<vmem>>
      %dma_start3A_326 = tpu.memref_squeeze %dma_start3A_325 : memref<1x32xf32, #tpu.memory_space<vmem>> -> memref<32xf32, #tpu.memory_space<vmem>>
      %dma_start3A_327 = arith.constant 0 : i32
      %dma_start3A_328 = tpu.memref_slice %arg2[%shift_right_logical3A_309, %and3A_311, %dma_start3A_327] : memref<125000x8x32xf32, #tpu.memory_space<hbm>> -> memref<1x1x32xf32, #tpu.memory_space<hbm>>
      %dma_start3A_329 = tpu.memref_squeeze %dma_start3A_328 : memref<1x1x32xf32, #tpu.memory_space<hbm>> -> memref<32xf32, #tpu.memory_space<hbm>>
      tpu.enqueue_dma source(%dma_start3A_329 : memref<32xf32, #tpu.memory_space<hbm>>) target(%dma_start3A_326 : memref<32xf32, #tpu.memory_space<vmem>>) target_semaphore(%arg7 : memref<!tpu.dma_semaphore, #tpu.memory_space<semaphore_mem>>)
      %slice3A_330 = vector.extract_strided_slice %get3A_46 {offsets = [12], sizes = [1], strides = [1]} : vector<16xi32> to vector<1xi32>
      %squeeze3A_331 = vector.extract %slice3A_330[0] : i32 from vector<1xi32>
      %shift_right_logical3A_332 = arith.constant 3 : i32
      %shift_right_logical3A_333 = arith.shrui %squeeze3A_331, %shift_right_logical3A_332 : i32
      %and3A_334 = arith.constant 7 : i32
      %and3A_335 = arith.andi %squeeze3A_331, %and3A_334 : i32
      %mul3A_336 = arith.constant 16 : i32
      %mul3A_337 = arith.muli %scan3A_39, %mul3A_336 : i32
      %add3A_338 = arith.constant 0 : i32
      %add3A_339 = arith.addi %add3A_338, %mul3A_337 : i32
      %add3A_340 = arith.constant 12 : i32
      %add3A_341 = arith.addi %add3A_339, %add3A_340 : i32
      %dma_start3A_342 = arith.constant 0 : i32
      %dma_start3A_343 = tpu.memref_slice %arg6[%add3A_341, %dma_start3A_342] : memref<512x32xf32, #tpu.memory_space<vmem>> -> memref<1x32xf32, #tpu.memory_space<vmem>>
      %dma_start3A_344 = tpu.memref_squeeze %dma_start3A_343 : memref<1x32xf32, #tpu.memory_space<vmem>> -> memref<32xf32, #tpu.memory_space<vmem>>
      %dma_start3A_345 = arith.constant 0 : i32
      %dma_start3A_346 = tpu.memref_slice %arg2[%shift_right_logical3A_333, %and3A_335, %dma_start3A_345] : memref<125000x8x32xf32, #tpu.memory_space<hbm>> -> memref<1x1x32xf32, #tpu.memory_space<hbm>>
      %dma_start3A_347 = tpu.memref_squeeze %dma_start3A_346 : memref<1x1x32xf32, #tpu.memory_space<hbm>> -> memref<32xf32, #tpu.memory_space<hbm>>
      %dma_start3A_348 = arith.constant 0 : i32
      %dma_start3A_349 = tpu.memref_slice %arg6[%add3A_341, %dma_start3A_348] : memref<512x32xf32, #tpu.memory_space<vmem>> -> memref<1x32xf32, #tpu.memory_space<vmem>>
      %dma_start3A_350 = tpu.memref_squeeze %dma_start3A_349 : memref<1x32xf32, #tpu.memory_space<vmem>> -> memref<32xf32, #tpu.memory_space<vmem>>
      %dma_start3A_351 = arith.constant 0 : i32
      %dma_start3A_352 = tpu.memref_slice %arg2[%shift_right_logical3A_333, %and3A_335, %dma_start3A_351] : memref<125000x8x32xf32, #tpu.memory_space<hbm>> -> memref<1x1x32xf32, #tpu.memory_space<hbm>>
      %dma_start3A_353 = tpu.memref_squeeze %dma_start3A_352 : memref<1x1x32xf32, #tpu.memory_space<hbm>> -> memref<32xf32, #tpu.memory_space<hbm>>
      tpu.enqueue_dma source(%dma_start3A_353 : memref<32xf32, #tpu.memory_space<hbm>>) target(%dma_start3A_350 : memref<32xf32, #tpu.memory_space<vmem>>) target_semaphore(%arg7 : memref<!tpu.dma_semaphore, #tpu.memory_space<semaphore_mem>>)
      %slice3A_354 = vector.extract_strided_slice %get3A_46 {offsets = [13], sizes = [1], strides = [1]} : vector<16xi32> to vector<1xi32>
      %squeeze3A_355 = vector.extract %slice3A_354[0] : i32 from vector<1xi32>
      %shift_right_logical3A_356 = arith.constant 3 : i32
      %shift_right_logical3A_357 = arith.shrui %squeeze3A_355, %shift_right_logical3A_356 : i32
      %and3A_358 = arith.constant 7 : i32
      %and3A_359 = arith.andi %squeeze3A_355, %and3A_358 : i32
      %mul3A_360 = arith.constant 16 : i32
      %mul3A_361 = arith.muli %scan3A_39, %mul3A_360 : i32
      %add3A_362 = arith.constant 0 : i32
      %add3A_363 = arith.addi %add3A_362, %mul3A_361 : i32
      %add3A_364 = arith.constant 13 : i32
      %add3A_365 = arith.addi %add3A_363, %add3A_364 : i32
      %dma_start3A_366 = arith.constant 0 : i32
      %dma_start3A_367 = tpu.memref_slice %arg6[%add3A_365, %dma_start3A_366] : memref<512x32xf32, #tpu.memory_space<vmem>> -> memref<1x32xf32, #tpu.memory_space<vmem>>
      %dma_start3A_368 = tpu.memref_squeeze %dma_start3A_367 : memref<1x32xf32, #tpu.memory_space<vmem>> -> memref<32xf32, #tpu.memory_space<vmem>>
      %dma_start3A_369 = arith.constant 0 : i32
      %dma_start3A_370 = tpu.memref_slice %arg2[%shift_right_logical3A_357, %and3A_359, %dma_start3A_369] : memref<125000x8x32xf32, #tpu.memory_space<hbm>> -> memref<1x1x32xf32, #tpu.memory_space<hbm>>
      %dma_start3A_371 = tpu.memref_squeeze %dma_start3A_370 : memref<1x1x32xf32, #tpu.memory_space<hbm>> -> memref<32xf32, #tpu.memory_space<hbm>>
      %dma_start3A_372 = arith.constant 0 : i32
      %dma_start3A_373 = tpu.memref_slice %arg6[%add3A_365, %dma_start3A_372] : memref<512x32xf32, #tpu.memory_space<vmem>> -> memref<1x32xf32, #tpu.memory_space<vmem>>
      %dma_start3A_374 = tpu.memref_squeeze %dma_start3A_373 : memref<1x32xf32, #tpu.memory_space<vmem>> -> memref<32xf32, #tpu.memory_space<vmem>>
      %dma_start3A_375 = arith.constant 0 : i32
      %dma_start3A_376 = tpu.memref_slice %arg2[%shift_right_logical3A_357, %and3A_359, %dma_start3A_375] : memref<125000x8x32xf32, #tpu.memory_space<hbm>> -> memref<1x1x32xf32, #tpu.memory_space<hbm>>
      %dma_start3A_377 = tpu.memref_squeeze %dma_start3A_376 : memref<1x1x32xf32, #tpu.memory_space<hbm>> -> memref<32xf32, #tpu.memory_space<hbm>>
      tpu.enqueue_dma source(%dma_start3A_377 : memref<32xf32, #tpu.memory_space<hbm>>) target(%dma_start3A_374 : memref<32xf32, #tpu.memory_space<vmem>>) target_semaphore(%arg7 : memref<!tpu.dma_semaphore, #tpu.memory_space<semaphore_mem>>)
      %slice3A_378 = vector.extract_strided_slice %get3A_46 {offsets = [14], sizes = [1], strides = [1]} : vector<16xi32> to vector<1xi32>
      %squeeze3A_379 = vector.extract %slice3A_378[0] : i32 from vector<1xi32>
      %shift_right_logical3A_380 = arith.constant 3 : i32
      %shift_right_logical3A_381 = arith.shrui %squeeze3A_379, %shift_right_logical3A_380 : i32
      %and3A_382 = arith.constant 7 : i32
      %and3A_383 = arith.andi %squeeze3A_379, %and3A_382 : i32
      %mul3A_384 = arith.constant 16 : i32
      %mul3A_385 = arith.muli %scan3A_39, %mul3A_384 : i32
      %add3A_386 = arith.constant 0 : i32
      %add3A_387 = arith.addi %add3A_386, %mul3A_385 : i32
      %add3A_388 = arith.constant 14 : i32
      %add3A_389 = arith.addi %add3A_387, %add3A_388 : i32
      %dma_start3A_390 = arith.constant 0 : i32
      %dma_start3A_391 = tpu.memref_slice %arg6[%add3A_389, %dma_start3A_390] : memref<512x32xf32, #tpu.memory_space<vmem>> -> memref<1x32xf32, #tpu.memory_space<vmem>>
      %dma_start3A_392 = tpu.memref_squeeze %dma_start3A_391 : memref<1x32xf32, #tpu.memory_space<vmem>> -> memref<32xf32, #tpu.memory_space<vmem>>
      %dma_start3A_393 = arith.constant 0 : i32
      %dma_start3A_394 = tpu.memref_slice %arg2[%shift_right_logical3A_381, %and3A_383, %dma_start3A_393] : memref<125000x8x32xf32, #tpu.memory_space<hbm>> -> memref<1x1x32xf32, #tpu.memory_space<hbm>>
      %dma_start3A_395 = tpu.memref_squeeze %dma_start3A_394 : memref<1x1x32xf32, #tpu.memory_space<hbm>> -> memref<32xf32, #tpu.memory_space<hbm>>
      %dma_start3A_396 = arith.constant 0 : i32
      %dma_start3A_397 = tpu.memref_slice %arg6[%add3A_389, %dma_start3A_396] : memref<512x32xf32, #tpu.memory_space<vmem>> -> memref<1x32xf32, #tpu.memory_space<vmem>>
      %dma_start3A_398 = tpu.memref_squeeze %dma_start3A_397 : memref<1x32xf32, #tpu.memory_space<vmem>> -> memref<32xf32, #tpu.memory_space<vmem>>
      %dma_start3A_399 = arith.constant 0 : i32
      %dma_start3A_400 = tpu.memref_slice %arg2[%shift_right_logical3A_381, %and3A_383, %dma_start3A_399] : memref<125000x8x32xf32, #tpu.memory_space<hbm>> -> memref<1x1x32xf32, #tpu.memory_space<hbm>>
      %dma_start3A_401 = tpu.memref_squeeze %dma_start3A_400 : memref<1x1x32xf32, #tpu.memory_space<hbm>> -> memref<32xf32, #tpu.memory_space<hbm>>
      tpu.enqueue_dma source(%dma_start3A_401 : memref<32xf32, #tpu.memory_space<hbm>>) target(%dma_start3A_398 : memref<32xf32, #tpu.memory_space<vmem>>) target_semaphore(%arg7 : memref<!tpu.dma_semaphore, #tpu.memory_space<semaphore_mem>>)
      %slice3A_402 = vector.extract_strided_slice %get3A_46 {offsets = [15], sizes = [1], strides = [1]} : vector<16xi32> to vector<1xi32>
      %squeeze3A_403 = vector.extract %slice3A_402[0] : i32 from vector<1xi32>
      %shift_right_logical3A_404 = arith.constant 3 : i32
      %shift_right_logical3A_405 = arith.shrui %squeeze3A_403, %shift_right_logical3A_404 : i32
      %and3A_406 = arith.constant 7 : i32
      %and3A_407 = arith.andi %squeeze3A_403, %and3A_406 : i32
      %mul3A_408 = arith.constant 16 : i32
      %mul3A_409 = arith.muli %scan3A_39, %mul3A_408 : i32
      %add3A_410 = arith.constant 0 : i32
      %add3A_411 = arith.addi %add3A_410, %mul3A_409 : i32
      %add3A_412 = arith.constant 15 : i32
      %add3A_413 = arith.addi %add3A_411, %add3A_412 : i32
      %dma_start3A_414 = arith.constant 0 : i32
      %dma_start3A_415 = tpu.memref_slice %arg6[%add3A_413, %dma_start3A_414] : memref<512x32xf32, #tpu.memory_space<vmem>> -> memref<1x32xf32, #tpu.memory_space<vmem>>
      %dma_start3A_416 = tpu.memref_squeeze %dma_start3A_415 : memref<1x32xf32, #tpu.memory_space<vmem>> -> memref<32xf32, #tpu.memory_space<vmem>>
      %dma_start3A_417 = arith.constant 0 : i32
      %dma_start3A_418 = tpu.memref_slice %arg2[%shift_right_logical3A_405, %and3A_407, %dma_start3A_417] : memref<125000x8x32xf32, #tpu.memory_space<hbm>> -> memref<1x1x32xf32, #tpu.memory_space<hbm>>
      %dma_start3A_419 = tpu.memref_squeeze %dma_start3A_418 : memref<1x1x32xf32, #tpu.memory_space<hbm>> -> memref<32xf32, #tpu.memory_space<hbm>>
      %dma_start3A_420 = arith.constant 0 : i32
      %dma_start3A_421 = tpu.memref_slice %arg6[%add3A_413, %dma_start3A_420] : memref<512x32xf32, #tpu.memory_space<vmem>> -> memref<1x32xf32, #tpu.memory_space<vmem>>
      %dma_start3A_422 = tpu.memref_squeeze %dma_start3A_421 : memref<1x32xf32, #tpu.memory_space<vmem>> -> memref<32xf32, #tpu.memory_space<vmem>>
      %dma_start3A_423 = arith.constant 0 : i32
      %dma_start3A_424 = tpu.memref_slice %arg2[%shift_right_logical3A_405, %and3A_407, %dma_start3A_423] : memref<125000x8x32xf32, #tpu.memory_space<hbm>> -> memref<1x1x32xf32, #tpu.memory_space<hbm>>
      %dma_start3A_425 = tpu.memref_squeeze %dma_start3A_424 : memref<1x1x32xf32, #tpu.memory_space<hbm>> -> memref<32xf32, #tpu.memory_space<hbm>>
      tpu.enqueue_dma source(%dma_start3A_425 : memref<32xf32, #tpu.memory_space<hbm>>) target(%dma_start3A_422 : memref<32xf32, #tpu.memory_space<vmem>>) target_semaphore(%arg7 : memref<!tpu.dma_semaphore, #tpu.memory_space<semaphore_mem>>)
      %scan3A_426 = arith.constant 0 : i32
      scf.yield %scan3A_426 : i32
    }
    %scan3A_8 = arith.constant 8 : i32
    %scan3A_9 = arith.constant 0 : i32
    %scan3A_10 = arith.constant 0 : i32
    %scan3A_11 = arith.constant 8 : i32
    %scan3A_12 = arith.addi %scan3A_10, %scan3A_11 : i32
    %scan3A_13 = arith.constant 1 : i32
    %scan3A_14 = scf.for %scan3A_39 = %scan3A_10 to %scan3A_12 step %scan3A_13 iter_args(%scan3A_40 = %scan3A_9) -> (i32)  : i32 {
      %mul3A_41 = arith.constant 16 : i32
      %mul3A_42 = arith.muli %scan3A_39, %mul3A_41 : i32
      %get3A = arith.constant 1 : i32
      %get3A_43 = arith.index_cast %get3A : i32 to index
      %get3A_44 = arith.index_cast %mul3A_42 : i32 to index
      %get3A_45 = tpu.vector_load %arg5[%get3A_43, %get3A_44] {strides = array<i32>} : memref<4x128xi32, #tpu.memory_space<vmem>>, vector<1x16xi32>,
      %get3A_46 = vector.shape_cast %get3A_45 : vector<1x16xi32> to vector<16xi32>
      %slice3A = vector.extract_strided_slice %get3A_46 {offsets = [0], sizes = [1], strides = [1]} : vector<16xi32> to vector<1xi32>
      %squeeze3A = vector.extract %slice3A[0] : i32 from vector<1xi32>
      %shift_right_logical3A = arith.constant 3 : i32
      %shift_right_logical3A_47 = arith.shrui %squeeze3A, %shift_right_logical3A : i32
      %and3A = arith.constant 7 : i32
      %and3A_48 = arith.andi %squeeze3A, %and3A : i32
      %mul3A_49 = arith.constant 16 : i32
      %mul3A_50 = arith.muli %scan3A_39, %mul3A_49 : i32
      %add3A_51 = arith.constant 128 : i32
      %add3A_52 = arith.addi %add3A_51, %mul3A_50 : i32
      %add3A_53 = arith.constant 0 : i32
      %add3A_54 = arith.addi %add3A_52, %add3A_53 : i32
      %dma_start3A = arith.constant 0 : i32
      %dma_start3A_55 = tpu.memref_slice %arg6[%add3A_54, %dma_start3A] : memref<512x32xf32, #tpu.memory_space<vmem>> -> memref<1x32xf32, #tpu.memory_space<vmem>>
      %dma_start3A_56 = tpu.memref_squeeze %dma_start3A_55 : memref<1x32xf32, #tpu.memory_space<vmem>> -> memref<32xf32, #tpu.memory_space<vmem>>
      %dma_start3A_57 = arith.constant 0 : i32
      %dma_start3A_58 = tpu.memref_slice %arg2[%shift_right_logical3A_47, %and3A_48, %dma_start3A_57] : memref<125000x8x32xf32, #tpu.memory_space<hbm>> -> memref<1x1x32xf32, #tpu.memory_space<hbm>>
      %dma_start3A_59 = tpu.memref_squeeze %dma_start3A_58 : memref<1x1x32xf32, #tpu.memory_space<hbm>> -> memref<32xf32, #tpu.memory_space<hbm>>
      %dma_start3A_60 = arith.constant 0 : i32
      %dma_start3A_61 = tpu.memref_slice %arg6[%add3A_54, %dma_start3A_60] : memref<512x32xf32, #tpu.memory_space<vmem>> -> memref<1x32xf32, #tpu.memory_space<vmem>>
      %dma_start3A_62 = tpu.memref_squeeze %dma_start3A_61 : memref<1x32xf32, #tpu.memory_space<vmem>> -> memref<32xf32, #tpu.memory_space<vmem>>
      %dma_start3A_63 = arith.constant 0 : i32
      %dma_start3A_64 = tpu.memref_slice %arg2[%shift_right_logical3A_47, %and3A_48, %dma_start3A_63] : memref<125000x8x32xf32, #tpu.memory_space<hbm>> -> memref<1x1x32xf32, #tpu.memory_space<hbm>>
      %dma_start3A_65 = tpu.memref_squeeze %dma_start3A_64 : memref<1x1x32xf32, #tpu.memory_space<hbm>> -> memref<32xf32, #tpu.memory_space<hbm>>
      tpu.enqueue_dma source(%dma_start3A_65 : memref<32xf32, #tpu.memory_space<hbm>>) target(%dma_start3A_62 : memref<32xf32, #tpu.memory_space<vmem>>) target_semaphore(%arg7 : memref<!tpu.dma_semaphore, #tpu.memory_space<semaphore_mem>>)
      %slice3A_66 = vector.extract_strided_slice %get3A_46 {offsets = [1], sizes = [1], strides = [1]} : vector<16xi32> to vector<1xi32>
      %squeeze3A_67 = vector.extract %slice3A_66[0] : i32 from vector<1xi32>
      %shift_right_logical3A_68 = arith.constant 3 : i32
      %shift_right_logical3A_69 = arith.shrui %squeeze3A_67, %shift_right_logical3A_68 : i32
      %and3A_70 = arith.constant 7 : i32
      %and3A_71 = arith.andi %squeeze3A_67, %and3A_70 : i32
      %mul3A_72 = arith.constant 16 : i32
      %mul3A_73 = arith.muli %scan3A_39, %mul3A_72 : i32
      %add3A_74 = arith.constant 128 : i32
      %add3A_75 = arith.addi %add3A_74, %mul3A_73 : i32
      %add3A_76 = arith.constant 1 : i32
      %add3A_77 = arith.addi %add3A_75, %add3A_76 : i32
      %dma_start3A_78 = arith.constant 0 : i32
      %dma_start3A_79 = tpu.memref_slice %arg6[%add3A_77, %dma_start3A_78] : memref<512x32xf32, #tpu.memory_space<vmem>> -> memref<1x32xf32, #tpu.memory_space<vmem>>
      %dma_start3A_80 = tpu.memref_squeeze %dma_start3A_79 : memref<1x32xf32, #tpu.memory_space<vmem>> -> memref<32xf32, #tpu.memory_space<vmem>>
      %dma_start3A_81 = arith.constant 0 : i32
      %dma_start3A_82 = tpu.memref_slice %arg2[%shift_right_logical3A_69, %and3A_71, %dma_start3A_81] : memref<125000x8x32xf32, #tpu.memory_space<hbm>> -> memref<1x1x32xf32, #tpu.memory_space<hbm>>
      %dma_start3A_83 = tpu.memref_squeeze %dma_start3A_82 : memref<1x1x32xf32, #tpu.memory_space<hbm>> -> memref<32xf32, #tpu.memory_space<hbm>>
      %dma_start3A_84 = arith.constant 0 : i32
      %dma_start3A_85 = tpu.memref_slice %arg6[%add3A_77, %dma_start3A_84] : memref<512x32xf32, #tpu.memory_space<vmem>> -> memref<1x32xf32, #tpu.memory_space<vmem>>
      %dma_start3A_86 = tpu.memref_squeeze %dma_start3A_85 : memref<1x32xf32, #tpu.memory_space<vmem>> -> memref<32xf32, #tpu.memory_space<vmem>>
      %dma_start3A_87 = arith.constant 0 : i32
      %dma_start3A_88 = tpu.memref_slice %arg2[%shift_right_logical3A_69, %and3A_71, %dma_start3A_87] : memref<125000x8x32xf32, #tpu.memory_space<hbm>> -> memref<1x1x32xf32, #tpu.memory_space<hbm>>
      %dma_start3A_89 = tpu.memref_squeeze %dma_start3A_88 : memref<1x1x32xf32, #tpu.memory_space<hbm>> -> memref<32xf32, #tpu.memory_space<hbm>>
      tpu.enqueue_dma source(%dma_start3A_89 : memref<32xf32, #tpu.memory_space<hbm>>) target(%dma_start3A_86 : memref<32xf32, #tpu.memory_space<vmem>>) target_semaphore(%arg7 : memref<!tpu.dma_semaphore, #tpu.memory_space<semaphore_mem>>)
      %slice3A_90 = vector.extract_strided_slice %get3A_46 {offsets = [2], sizes = [1], strides = [1]} : vector<16xi32> to vector<1xi32>
      %squeeze3A_91 = vector.extract %slice3A_90[0] : i32 from vector<1xi32>
      %shift_right_logical3A_92 = arith.constant 3 : i32
      %shift_right_logical3A_93 = arith.shrui %squeeze3A_91, %shift_right_logical3A_92 : i32
      %and3A_94 = arith.constant 7 : i32
      %and3A_95 = arith.andi %squeeze3A_91, %and3A_94 : i32
      %mul3A_96 = arith.constant 16 : i32
      %mul3A_97 = arith.muli %scan3A_39, %mul3A_96 : i32
      %add3A_98 = arith.constant 128 : i32
      %add3A_99 = arith.addi %add3A_98, %mul3A_97 : i32
      %add3A_100 = arith.constant 2 : i32
      %add3A_101 = arith.addi %add3A_99, %add3A_100 : i32
      %dma_start3A_102 = arith.constant 0 : i32
      %dma_start3A_103 = tpu.memref_slice %arg6[%add3A_101, %dma_start3A_102] : memref<512x32xf32, #tpu.memory_space<vmem>> -> memref<1x32xf32, #tpu.memory_space<vmem>>
      %dma_start3A_104 = tpu.memref_squeeze %dma_start3A_103 : memref<1x32xf32, #tpu.memory_space<vmem>> -> memref<32xf32, #tpu.memory_space<vmem>>
      %dma_start3A_105 = arith.constant 0 : i32
      %dma_start3A_106 = tpu.memref_slice %arg2[%shift_right_logical3A_93, %and3A_95, %dma_start3A_105] : memref<125000x8x32xf32, #tpu.memory_space<hbm>> -> memref<1x1x32xf32, #tpu.memory_space<hbm>>
      %dma_start3A_107 = tpu.memref_squeeze %dma_start3A_106 : memref<1x1x32xf32, #tpu.memory_space<hbm>> -> memref<32xf32, #tpu.memory_space<hbm>>
      %dma_start3A_108 = arith.constant 0 : i32
      %dma_start3A_109 = tpu.memref_slice %arg6[%add3A_101, %dma_start3A_108] : memref<512x32xf32, #tpu.memory_space<vmem>> -> memref<1x32xf32, #tpu.memory_space<vmem>>
      %dma_start3A_110 = tpu.memref_squeeze %dma_start3A_109 : memref<1x32xf32, #tpu.memory_space<vmem>> -> memref<32xf32, #tpu.memory_space<vmem>>
      %dma_start3A_111 = arith.constant 0 : i32
      %dma_start3A_112 = tpu.memref_slice %arg2[%shift_right_logical3A_93, %and3A_95, %dma_start3A_111] : memref<125000x8x32xf32, #tpu.memory_space<hbm>> -> memref<1x1x32xf32, #tpu.memory_space<hbm>>
      %dma_start3A_113 = tpu.memref_squeeze %dma_start3A_112 : memref<1x1x32xf32, #tpu.memory_space<hbm>> -> memref<32xf32, #tpu.memory_space<hbm>>
      tpu.enqueue_dma source(%dma_start3A_113 : memref<32xf32, #tpu.memory_space<hbm>>) target(%dma_start3A_110 : memref<32xf32, #tpu.memory_space<vmem>>) target_semaphore(%arg7 : memref<!tpu.dma_semaphore, #tpu.memory_space<semaphore_mem>>)
      %slice3A_114 = vector.extract_strided_slice %get3A_46 {offsets = [3], sizes = [1], strides = [1]} : vector<16xi32> to vector<1xi32>
      %squeeze3A_115 = vector.extract %slice3A_114[0] : i32 from vector<1xi32>
      %shift_right_logical3A_116 = arith.constant 3 : i32
      %shift_right_logical3A_117 = arith.shrui %squeeze3A_115, %shift_right_logical3A_116 : i32
      %and3A_118 = arith.constant 7 : i32
      %and3A_119 = arith.andi %squeeze3A_115, %and3A_118 : i32
      %mul3A_120 = arith.constant 16 : i32
      %mul3A_121 = arith.muli %scan3A_39, %mul3A_120 : i32
      %add3A_122 = arith.constant 128 : i32
      %add3A_123 = arith.addi %add3A_122, %mul3A_121 : i32
      %add3A_124 = arith.constant 3 : i32
      %add3A_125 = arith.addi %add3A_123, %add3A_124 : i32
      %dma_start3A_126 = arith.constant 0 : i32
      %dma_start3A_127 = tpu.memref_slice %arg6[%add3A_125, %dma_start3A_126] : memref<512x32xf32, #tpu.memory_space<vmem>> -> memref<1x32xf32, #tpu.memory_space<vmem>>
      %dma_start3A_128 = tpu.memref_squeeze %dma_start3A_127 : memref<1x32xf32, #tpu.memory_space<vmem>> -> memref<32xf32, #tpu.memory_space<vmem>>
      %dma_start3A_129 = arith.constant 0 : i32
      %dma_start3A_130 = tpu.memref_slice %arg2[%shift_right_logical3A_117, %and3A_119, %dma_start3A_129] : memref<125000x8x32xf32, #tpu.memory_space<hbm>> -> memref<1x1x32xf32, #tpu.memory_space<hbm>>
      %dma_start3A_131 = tpu.memref_squeeze %dma_start3A_130 : memref<1x1x32xf32, #tpu.memory_space<hbm>> -> memref<32xf32, #tpu.memory_space<hbm>>
      %dma_start3A_132 = arith.constant 0 : i32
      %dma_start3A_133 = tpu.memref_slice %arg6[%add3A_125, %dma_start3A_132] : memref<512x32xf32, #tpu.memory_space<vmem>> -> memref<1x32xf32, #tpu.memory_space<vmem>>
      %dma_start3A_134 = tpu.memref_squeeze %dma_start3A_133 : memref<1x32xf32, #tpu.memory_space<vmem>> -> memref<32xf32, #tpu.memory_space<vmem>>
      %dma_start3A_135 = arith.constant 0 : i32
      %dma_start3A_136 = tpu.memref_slice %arg2[%shift_right_logical3A_117, %and3A_119, %dma_start3A_135] : memref<125000x8x32xf32, #tpu.memory_space<hbm>> -> memref<1x1x32xf32, #tpu.memory_space<hbm>>
      %dma_start3A_137 = tpu.memref_squeeze %dma_start3A_136 : memref<1x1x32xf32, #tpu.memory_space<hbm>> -> memref<32xf32, #tpu.memory_space<hbm>>
      tpu.enqueue_dma source(%dma_start3A_137 : memref<32xf32, #tpu.memory_space<hbm>>) target(%dma_start3A_134 : memref<32xf32, #tpu.memory_space<vmem>>) target_semaphore(%arg7 : memref<!tpu.dma_semaphore, #tpu.memory_space<semaphore_mem>>)
      %slice3A_138 = vector.extract_strided_slice %get3A_46 {offsets = [4], sizes = [1], strides = [1]} : vector<16xi32> to vector<1xi32>
      %squeeze3A_139 = vector.extract %slice3A_138[0] : i32 from vector<1xi32>
      %shift_right_logical3A_140 = arith.constant 3 : i32
      %shift_right_logical3A_141 = arith.shrui %squeeze3A_139, %shift_right_logical3A_140 : i32
      %and3A_142 = arith.constant 7 : i32
      %and3A_143 = arith.andi %squeeze3A_139, %and3A_142 : i32
      %mul3A_144 = arith.constant 16 : i32
      %mul3A_145 = arith.muli %scan3A_39, %mul3A_144 : i32
      %add3A_146 = arith.constant 128 : i32
      %add3A_147 = arith.addi %add3A_146, %mul3A_145 : i32
      %add3A_148 = arith.constant 4 : i32
      %add3A_149 = arith.addi %add3A_147, %add3A_148 : i32
      %dma_start3A_150 = arith.constant 0 : i32
      %dma_start3A_151 = tpu.memref_slice %arg6[%add3A_149, %dma_start3A_150] : memref<512x32xf32, #tpu.memory_space<vmem>> -> memref<1x32xf32, #tpu.memory_space<vmem>>
      %dma_start3A_152 = tpu.memref_squeeze %dma_start3A_151 : memref<1x32xf32, #tpu.memory_space<vmem>> -> memref<32xf32, #tpu.memory_space<vmem>>
      %dma_start3A_153 = arith.constant 0 : i32
      %dma_start3A_154 = tpu.memref_slice %arg2[%shift_right_logical3A_141, %and3A_143, %dma_start3A_153] : memref<125000x8x32xf32, #tpu.memory_space<hbm>> -> memref<1x1x32xf32, #tpu.memory_space<hbm>>
      %dma_start3A_155 = tpu.memref_squeeze %dma_start3A_154 : memref<1x1x32xf32, #tpu.memory_space<hbm>> -> memref<32xf32, #tpu.memory_space<hbm>>
      %dma_start3A_156 = arith.constant 0 : i32
      %dma_start3A_157 = tpu.memref_slice %arg6[%add3A_149, %dma_start3A_156] : memref<512x32xf32, #tpu.memory_space<vmem>> -> memref<1x32xf32, #tpu.memory_space<vmem>>
      %dma_start3A_158 = tpu.memref_squeeze %dma_start3A_157 : memref<1x32xf32, #tpu.memory_space<vmem>> -> memref<32xf32, #tpu.memory_space<vmem>>
      %dma_start3A_159 = arith.constant 0 : i32
      %dma_start3A_160 = tpu.memref_slice %arg2[%shift_right_logical3A_141, %and3A_143, %dma_start3A_159] : memref<125000x8x32xf32, #tpu.memory_space<hbm>> -> memref<1x1x32xf32, #tpu.memory_space<hbm>>
      %dma_start3A_161 = tpu.memref_squeeze %dma_start3A_160 : memref<1x1x32xf32, #tpu.memory_space<hbm>> -> memref<32xf32, #tpu.memory_space<hbm>>
      tpu.enqueue_dma source(%dma_start3A_161 : memref<32xf32, #tpu.memory_space<hbm>>) target(%dma_start3A_158 : memref<32xf32, #tpu.memory_space<vmem>>) target_semaphore(%arg7 : memref<!tpu.dma_semaphore, #tpu.memory_space<semaphore_mem>>)
      %slice3A_162 = vector.extract_strided_slice %get3A_46 {offsets = [5], sizes = [1], strides = [1]} : vector<16xi32> to vector<1xi32>
      %squeeze3A_163 = vector.extract %slice3A_162[0] : i32 from vector<1xi32>
      %shift_right_logical3A_164 = arith.constant 3 : i32
      %shift_right_logical3A_165 = arith.shrui %squeeze3A_163, %shift_right_logical3A_164 : i32
      %and3A_166 = arith.constant 7 : i32
      %and3A_167 = arith.andi %squeeze3A_163, %and3A_166 : i32
      %mul3A_168 = arith.constant 16 : i32
      %mul3A_169 = arith.muli %scan3A_39, %mul3A_168 : i32
      %add3A_170 = arith.constant 128 : i32
      %add3A_171 = arith.addi %add3A_170, %mul3A_169 : i32
      %add3A_172 = arith.constant 5 : i32
      %add3A_173 = arith.addi %add3A_171, %add3A_172 : i32
      %dma_start3A_174 = arith.constant 0 : i32
      %dma_start3A_175 = tpu.memref_slice %arg6[%add3A_173, %dma_start3A_174] : memref<512x32xf32, #tpu.memory_space<vmem>> -> memref<1x32xf32, #tpu.memory_space<vmem>>
      %dma_start3A_176 = tpu.memref_squeeze %dma_start3A_175 : memref<1x32xf32, #tpu.memory_space<vmem>> -> memref<32xf32, #tpu.memory_space<vmem>>
      %dma_start3A_177 = arith.constant 0 : i32
      %dma_start3A_178 = tpu.memref_slice %arg2[%shift_right_logical3A_165, %and3A_167, %dma_start3A_177] : memref<125000x8x32xf32, #tpu.memory_space<hbm>> -> memref<1x1x32xf32, #tpu.memory_space<hbm>>
      %dma_start3A_179 = tpu.memref_squeeze %dma_start3A_178 : memref<1x1x32xf32, #tpu.memory_space<hbm>> -> memref<32xf32, #tpu.memory_space<hbm>>
      %dma_start3A_180 = arith.constant 0 : i32
      %dma_start3A_181 = tpu.memref_slice %arg6[%add3A_173, %dma_start3A_180] : memref<512x32xf32, #tpu.memory_space<vmem>> -> memref<1x32xf32, #tpu.memory_space<vmem>>
      %dma_start3A_182 = tpu.memref_squeeze %dma_start3A_181 : memref<1x32xf32, #tpu.memory_space<vmem>> -> memref<32xf32, #tpu.memory_space<vmem>>
      %dma_start3A_183 = arith.constant 0 : i32
      %dma_start3A_184 = tpu.memref_slice %arg2[%shift_right_logical3A_165, %and3A_167, %dma_start3A_183] : memref<125000x8x32xf32, #tpu.memory_space<hbm>> -> memref<1x1x32xf32, #tpu.memory_space<hbm>>
      %dma_start3A_185 = tpu.memref_squeeze %dma_start3A_184 : memref<1x1x32xf32, #tpu.memory_space<hbm>> -> memref<32xf32, #tpu.memory_space<hbm>>
      tpu.enqueue_dma source(%dma_start3A_185 : memref<32xf32, #tpu.memory_space<hbm>>) target(%dma_start3A_182 : memref<32xf32, #tpu.memory_space<vmem>>) target_semaphore(%arg7 : memref<!tpu.dma_semaphore, #tpu.memory_space<semaphore_mem>>)
      %slice3A_186 = vector.extract_strided_slice %get3A_46 {offsets = [6], sizes = [1], strides = [1]} : vector<16xi32> to vector<1xi32>
      %squeeze3A_187 = vector.extract %slice3A_186[0] : i32 from vector<1xi32>
      %shift_right_logical3A_188 = arith.constant 3 : i32
      %shift_right_logical3A_189 = arith.shrui %squeeze3A_187, %shift_right_logical3A_188 : i32
      %and3A_190 = arith.constant 7 : i32
      %and3A_191 = arith.andi %squeeze3A_187, %and3A_190 : i32
      %mul3A_192 = arith.constant 16 : i32
      %mul3A_193 = arith.muli %scan3A_39, %mul3A_192 : i32
      %add3A_194 = arith.constant 128 : i32
      %add3A_195 = arith.addi %add3A_194, %mul3A_193 : i32
      %add3A_196 = arith.constant 6 : i32
      %add3A_197 = arith.addi %add3A_195, %add3A_196 : i32
      %dma_start3A_198 = arith.constant 0 : i32
      %dma_start3A_199 = tpu.memref_slice %arg6[%add3A_197, %dma_start3A_198] : memref<512x32xf32, #tpu.memory_space<vmem>> -> memref<1x32xf32, #tpu.memory_space<vmem>>
      %dma_start3A_200 = tpu.memref_squeeze %dma_start3A_199 : memref<1x32xf32, #tpu.memory_space<vmem>> -> memref<32xf32, #tpu.memory_space<vmem>>
      %dma_start3A_201 = arith.constant 0 : i32
      %dma_start3A_202 = tpu.memref_slice %arg2[%shift_right_logical3A_189, %and3A_191, %dma_start3A_201] : memref<125000x8x32xf32, #tpu.memory_space<hbm>> -> memref<1x1x32xf32, #tpu.memory_space<hbm>>
      %dma_start3A_203 = tpu.memref_squeeze %dma_start3A_202 : memref<1x1x32xf32, #tpu.memory_space<hbm>> -> memref<32xf32, #tpu.memory_space<hbm>>
      %dma_start3A_204 = arith.constant 0 : i32
      %dma_start3A_205 = tpu.memref_slice %arg6[%add3A_197, %dma_start3A_204] : memref<512x32xf32, #tpu.memory_space<vmem>> -> memref<1x32xf32, #tpu.memory_space<vmem>>
      %dma_start3A_206 = tpu.memref_squeeze %dma_start3A_205 : memref<1x32xf32, #tpu.memory_space<vmem>> -> memref<32xf32, #tpu.memory_space<vmem>>
      %dma_start3A_207 = arith.constant 0 : i32
      %dma_start3A_208 = tpu.memref_slice %arg2[%shift_right_logical3A_189, %and3A_191, %dma_start3A_207] : memref<125000x8x32xf32, #tpu.memory_space<hbm>> -> memref<1x1x32xf32, #tpu.memory_space<hbm>>
      %dma_start3A_209 = tpu.memref_squeeze %dma_start3A_208 : memref<1x1x32xf32, #tpu.memory_space<hbm>> -> memref<32xf32, #tpu.memory_space<hbm>>
      tpu.enqueue_dma source(%dma_start3A_209 : memref<32xf32, #tpu.memory_space<hbm>>) target(%dma_start3A_206 : memref<32xf32, #tpu.memory_space<vmem>>) target_semaphore(%arg7 : memref<!tpu.dma_semaphore, #tpu.memory_space<semaphore_mem>>)
      %slice3A_210 = vector.extract_strided_slice %get3A_46 {offsets = [7], sizes = [1], strides = [1]} : vector<16xi32> to vector<1xi32>
      %squeeze3A_211 = vector.extract %slice3A_210[0] : i32 from vector<1xi32>
      %shift_right_logical3A_212 = arith.constant 3 : i32
      %shift_right_logical3A_213 = arith.shrui %squeeze3A_211, %shift_right_logical3A_212 : i32
      %and3A_214 = arith.constant 7 : i32
      %and3A_215 = arith.andi %squeeze3A_211, %and3A_214 : i32
      %mul3A_216 = arith.constant 16 : i32
      %mul3A_217 = arith.muli %scan3A_39, %mul3A_216 : i32
      %add3A_218 = arith.constant 128 : i32
      %add3A_219 = arith.addi %add3A_218, %mul3A_217 : i32
      %add3A_220 = arith.constant 7 : i32
      %add3A_221 = arith.addi %add3A_219, %add3A_220 : i32
      %dma_start3A_222 = arith.constant 0 : i32
      %dma_start3A_223 = tpu.memref_slice %arg6[%add3A_221, %dma_start3A_222] : memref<512x32xf32, #tpu.memory_space<vmem>> -> memref<1x32xf32, #tpu.memory_space<vmem>>
      %dma_start3A_224 = tpu.memref_squeeze %dma_start3A_223 : memref<1x32xf32, #tpu.memory_space<vmem>> -> memref<32xf32, #tpu.memory_space<vmem>>
      %dma_start3A_225 = arith.constant 0 : i32
      %dma_start3A_226 = tpu.memref_slice %arg2[%shift_right_logical3A_213, %and3A_215, %dma_start3A_225] : memref<125000x8x32xf32, #tpu.memory_space<hbm>> -> memref<1x1x32xf32, #tpu.memory_space<hbm>>
      %dma_start3A_227 = tpu.memref_squeeze %dma_start3A_226 : memref<1x1x32xf32, #tpu.memory_space<hbm>> -> memref<32xf32, #tpu.memory_space<hbm>>
      %dma_start3A_228 = arith.constant 0 : i32
      %dma_start3A_229 = tpu.memref_slice %arg6[%add3A_221, %dma_start3A_228] : memref<512x32xf32, #tpu.memory_space<vmem>> -> memref<1x32xf32, #tpu.memory_space<vmem>>
      %dma_start3A_230 = tpu.memref_squeeze %dma_start3A_229 : memref<1x32xf32, #tpu.memory_space<vmem>> -> memref<32xf32, #tpu.memory_space<vmem>>
      %dma_start3A_231 = arith.constant 0 : i32
      %dma_start3A_232 = tpu.memref_slice %arg2[%shift_right_logical3A_213, %and3A_215, %dma_start3A_231] : memref<125000x8x32xf32, #tpu.memory_space<hbm>> -> memref<1x1x32xf32, #tpu.memory_space<hbm>>
      %dma_start3A_233 = tpu.memref_squeeze %dma_start3A_232 : memref<1x1x32xf32, #tpu.memory_space<hbm>> -> memref<32xf32, #tpu.memory_space<hbm>>
      tpu.enqueue_dma source(%dma_start3A_233 : memref<32xf32, #tpu.memory_space<hbm>>) target(%dma_start3A_230 : memref<32xf32, #tpu.memory_space<vmem>>) target_semaphore(%arg7 : memref<!tpu.dma_semaphore, #tpu.memory_space<semaphore_mem>>)
      %slice3A_234 = vector.extract_strided_slice %get3A_46 {offsets = [8], sizes = [1], strides = [1]} : vector<16xi32> to vector<1xi32>
      %squeeze3A_235 = vector.extract %slice3A_234[0] : i32 from vector<1xi32>
      %shift_right_logical3A_236 = arith.constant 3 : i32
      %shift_right_logical3A_237 = arith.shrui %squeeze3A_235, %shift_right_logical3A_236 : i32
      %and3A_238 = arith.constant 7 : i32
      %and3A_239 = arith.andi %squeeze3A_235, %and3A_238 : i32
      %mul3A_240 = arith.constant 16 : i32
      %mul3A_241 = arith.muli %scan3A_39, %mul3A_240 : i32
      %add3A_242 = arith.constant 128 : i32
      %add3A_243 = arith.addi %add3A_242, %mul3A_241 : i32
      %add3A_244 = arith.constant 8 : i32
      %add3A_245 = arith.addi %add3A_243, %add3A_244 : i32
      %dma_start3A_246 = arith.constant 0 : i32
      %dma_start3A_247 = tpu.memref_slice %arg6[%add3A_245, %dma_start3A_246] : memref<512x32xf32, #tpu.memory_space<vmem>> -> memref<1x32xf32, #tpu.memory_space<vmem>>
      %dma_start3A_248 = tpu.memref_squeeze %dma_start3A_247 : memref<1x32xf32, #tpu.memory_space<vmem>> -> memref<32xf32, #tpu.memory_space<vmem>>
      %dma_start3A_249 = arith.constant 0 : i32
      %dma_start3A_250 = tpu.memref_slice %arg2[%shift_right_logical3A_237, %and3A_239, %dma_start3A_249] : memref<125000x8x32xf32, #tpu.memory_space<hbm>> -> memref<1x1x32xf32, #tpu.memory_space<hbm>>
      %dma_start3A_251 = tpu.memref_squeeze %dma_start3A_250 : memref<1x1x32xf32, #tpu.memory_space<hbm>> -> memref<32xf32, #tpu.memory_space<hbm>>
      %dma_start3A_252 = arith.constant 0 : i32
      %dma_start3A_253 = tpu.memref_slice %arg6[%add3A_245, %dma_start3A_252] : memref<512x32xf32, #tpu.memory_space<vmem>> -> memref<1x32xf32, #tpu.memory_space<vmem>>
      %dma_start3A_254 = tpu.memref_squeeze %dma_start3A_253 : memref<1x32xf32, #tpu.memory_space<vmem>> -> memref<32xf32, #tpu.memory_space<vmem>>
      %dma_start3A_255 = arith.constant 0 : i32
      %dma_start3A_256 = tpu.memref_slice %arg2[%shift_right_logical3A_237, %and3A_239, %dma_start3A_255] : memref<125000x8x32xf32, #tpu.memory_space<hbm>> -> memref<1x1x32xf32, #tpu.memory_space<hbm>>
      %dma_start3A_257 = tpu.memref_squeeze %dma_start3A_256 : memref<1x1x32xf32, #tpu.memory_space<hbm>> -> memref<32xf32, #tpu.memory_space<hbm>>
      tpu.enqueue_dma source(%dma_start3A_257 : memref<32xf32, #tpu.memory_space<hbm>>) target(%dma_start3A_254 : memref<32xf32, #tpu.memory_space<vmem>>) target_semaphore(%arg7 : memref<!tpu.dma_semaphore, #tpu.memory_space<semaphore_mem>>)
      %slice3A_258 = vector.extract_strided_slice %get3A_46 {offsets = [9], sizes = [1], strides = [1]} : vector<16xi32> to vector<1xi32>
      %squeeze3A_259 = vector.extract %slice3A_258[0] : i32 from vector<1xi32>
      %shift_right_logical3A_260 = arith.constant 3 : i32
      %shift_right_logical3A_261 = arith.shrui %squeeze3A_259, %shift_right_logical3A_260 : i32
      %and3A_262 = arith.constant 7 : i32
      %and3A_263 = arith.andi %squeeze3A_259, %and3A_262 : i32
      %mul3A_264 = arith.constant 16 : i32
      %mul3A_265 = arith.muli %scan3A_39, %mul3A_264 : i32
      %add3A_266 = arith.constant 128 : i32
      %add3A_267 = arith.addi %add3A_266, %mul3A_265 : i32
      %add3A_268 = arith.constant 9 : i32
      %add3A_269 = arith.addi %add3A_267, %add3A_268 : i32
      %dma_start3A_270 = arith.constant 0 : i32
      %dma_start3A_271 = tpu.memref_slice %arg6[%add3A_269, %dma_start3A_270] : memref<512x32xf32, #tpu.memory_space<vmem>> -> memref<1x32xf32, #tpu.memory_space<vmem>>
      %dma_start3A_272 = tpu.memref_squeeze %dma_start3A_271 : memref<1x32xf32, #tpu.memory_space<vmem>> -> memref<32xf32, #tpu.memory_space<vmem>>
      %dma_start3A_273 = arith.constant 0 : i32
      %dma_start3A_274 = tpu.memref_slice %arg2[%shift_right_logical3A_261, %and3A_263, %dma_start3A_273] : memref<125000x8x32xf32, #tpu.memory_space<hbm>> -> memref<1x1x32xf32, #tpu.memory_space<hbm>>
      %dma_start3A_275 = tpu.memref_squeeze %dma_start3A_274 : memref<1x1x32xf32, #tpu.memory_space<hbm>> -> memref<32xf32, #tpu.memory_space<hbm>>
      %dma_start3A_276 = arith.constant 0 : i32
      %dma_start3A_277 = tpu.memref_slice %arg6[%add3A_269, %dma_start3A_276] : memref<512x32xf32, #tpu.memory_space<vmem>> -> memref<1x32xf32, #tpu.memory_space<vmem>>
      %dma_start3A_278 = tpu.memref_squeeze %dma_start3A_277 : memref<1x32xf32, #tpu.memory_space<vmem>> -> memref<32xf32, #tpu.memory_space<vmem>>
      %dma_start3A_279 = arith.constant 0 : i32
      %dma_start3A_280 = tpu.memref_slice %arg2[%shift_right_logical3A_261, %and3A_263, %dma_start3A_279] : memref<125000x8x32xf32, #tpu.memory_space<hbm>> -> memref<1x1x32xf32, #tpu.memory_space<hbm>>
      %dma_start3A_281 = tpu.memref_squeeze %dma_start3A_280 : memref<1x1x32xf32, #tpu.memory_space<hbm>> -> memref<32xf32, #tpu.memory_space<hbm>>
      tpu.enqueue_dma source(%dma_start3A_281 : memref<32xf32, #tpu.memory_space<hbm>>) target(%dma_start3A_278 : memref<32xf32, #tpu.memory_space<vmem>>) target_semaphore(%arg7 : memref<!tpu.dma_semaphore, #tpu.memory_space<semaphore_mem>>)
      %slice3A_282 = vector.extract_strided_slice %get3A_46 {offsets = [10], sizes = [1], strides = [1]} : vector<16xi32> to vector<1xi32>
      %squeeze3A_283 = vector.extract %slice3A_282[0] : i32 from vector<1xi32>
      %shift_right_logical3A_284 = arith.constant 3 : i32
      %shift_right_logical3A_285 = arith.shrui %squeeze3A_283, %shift_right_logical3A_284 : i32
      %and3A_286 = arith.constant 7 : i32
      %and3A_287 = arith.andi %squeeze3A_283, %and3A_286 : i32
      %mul3A_288 = arith.constant 16 : i32
      %mul3A_289 = arith.muli %scan3A_39, %mul3A_288 : i32
      %add3A_290 = arith.constant 128 : i32
      %add3A_291 = arith.addi %add3A_290, %mul3A_289 : i32
      %add3A_292 = arith.constant 10 : i32
      %add3A_293 = arith.addi %add3A_291, %add3A_292 : i32
      %dma_start3A_294 = arith.constant 0 : i32
      %dma_start3A_295 = tpu.memref_slice %arg6[%add3A_293, %dma_start3A_294] : memref<512x32xf32, #tpu.memory_space<vmem>> -> memref<1x32xf32, #tpu.memory_space<vmem>>
      %dma_start3A_296 = tpu.memref_squeeze %dma_start3A_295 : memref<1x32xf32, #tpu.memory_space<vmem>> -> memref<32xf32, #tpu.memory_space<vmem>>
      %dma_start3A_297 = arith.constant 0 : i32
      %dma_start3A_298 = tpu.memref_slice %arg2[%shift_right_logical3A_285, %and3A_287, %dma_start3A_297] : memref<125000x8x32xf32, #tpu.memory_space<hbm>> -> memref<1x1x32xf32, #tpu.memory_space<hbm>>
      %dma_start3A_299 = tpu.memref_squeeze %dma_start3A_298 : memref<1x1x32xf32, #tpu.memory_space<hbm>> -> memref<32xf32, #tpu.memory_space<hbm>>
      %dma_start3A_300 = arith.constant 0 : i32
      %dma_start3A_301 = tpu.memref_slice %arg6[%add3A_293, %dma_start3A_300] : memref<512x32xf32, #tpu.memory_space<vmem>> -> memref<1x32xf32, #tpu.memory_space<vmem>>
      %dma_start3A_302 = tpu.memref_squeeze %dma_start3A_301 : memref<1x32xf32, #tpu.memory_space<vmem>> -> memref<32xf32, #tpu.memory_space<vmem>>
      %dma_start3A_303 = arith.constant 0 : i32
      %dma_start3A_304 = tpu.memref_slice %arg2[%shift_right_logical3A_285, %and3A_287, %dma_start3A_303] : memref<125000x8x32xf32, #tpu.memory_space<hbm>> -> memref<1x1x32xf32, #tpu.memory_space<hbm>>
      %dma_start3A_305 = tpu.memref_squeeze %dma_start3A_304 : memref<1x1x32xf32, #tpu.memory_space<hbm>> -> memref<32xf32, #tpu.memory_space<hbm>>
      tpu.enqueue_dma source(%dma_start3A_305 : memref<32xf32, #tpu.memory_space<hbm>>) target(%dma_start3A_302 : memref<32xf32, #tpu.memory_space<vmem>>) target_semaphore(%arg7 : memref<!tpu.dma_semaphore, #tpu.memory_space<semaphore_mem>>)
      %slice3A_306 = vector.extract_strided_slice %get3A_46 {offsets = [11], sizes = [1], strides = [1]} : vector<16xi32> to vector<1xi32>
      %squeeze3A_307 = vector.extract %slice3A_306[0] : i32 from vector<1xi32>
      %shift_right_logical3A_308 = arith.constant 3 : i32
      %shift_right_logical3A_309 = arith.shrui %squeeze3A_307, %shift_right_logical3A_308 : i32
      %and3A_310 = arith.constant 7 : i32
      %and3A_311 = arith.andi %squeeze3A_307, %and3A_310 : i32
      %mul3A_312 = arith.constant 16 : i32
      %mul3A_313 = arith.muli %scan3A_39, %mul3A_312 : i32
      %add3A_314 = arith.constant 128 : i32
      %add3A_315 = arith.addi %add3A_314, %mul3A_313 : i32
      %add3A_316 = arith.constant 11 : i32
      %add3A_317 = arith.addi %add3A_315, %add3A_316 : i32
      %dma_start3A_318 = arith.constant 0 : i32
      %dma_start3A_319 = tpu.memref_slice %arg6[%add3A_317, %dma_start3A_318] : memref<512x32xf32, #tpu.memory_space<vmem>> -> memref<1x32xf32, #tpu.memory_space<vmem>>
      %dma_start3A_320 = tpu.memref_squeeze %dma_start3A_319 : memref<1x32xf32, #tpu.memory_space<vmem>> -> memref<32xf32, #tpu.memory_space<vmem>>
      %dma_start3A_321 = arith.constant 0 : i32
      %dma_start3A_322 = tpu.memref_slice %arg2[%shift_right_logical3A_309, %and3A_311, %dma_start3A_321] : memref<125000x8x32xf32, #tpu.memory_space<hbm>> -> memref<1x1x32xf32, #tpu.memory_space<hbm>>
      %dma_start3A_323 = tpu.memref_squeeze %dma_start3A_322 : memref<1x1x32xf32, #tpu.memory_space<hbm>> -> memref<32xf32, #tpu.memory_space<hbm>>
      %dma_start3A_324 = arith.constant 0 : i32
      %dma_start3A_325 = tpu.memref_slice %arg6[%add3A_317, %dma_start3A_324] : memref<512x32xf32, #tpu.memory_space<vmem>> -> memref<1x32xf32, #tpu.memory_space<vmem>>
      %dma_start3A_326 = tpu.memref_squeeze %dma_start3A_325 : memref<1x32xf32, #tpu.memory_space<vmem>> -> memref<32xf32, #tpu.memory_space<vmem>>
      %dma_start3A_327 = arith.constant 0 : i32
      %dma_start3A_328 = tpu.memref_slice %arg2[%shift_right_logical3A_309, %and3A_311, %dma_start3A_327] : memref<125000x8x32xf32, #tpu.memory_space<hbm>> -> memref<1x1x32xf32, #tpu.memory_space<hbm>>
      %dma_start3A_329 = tpu.memref_squeeze %dma_start3A_328 : memref<1x1x32xf32, #tpu.memory_space<hbm>> -> memref<32xf32, #tpu.memory_space<hbm>>
      tpu.enqueue_dma source(%dma_start3A_329 : memref<32xf32, #tpu.memory_space<hbm>>) target(%dma_start3A_326 : memref<32xf32, #tpu.memory_space<vmem>>) target_semaphore(%arg7 : memref<!tpu.dma_semaphore, #tpu.memory_space<semaphore_mem>>)
      %slice3A_330 = vector.extract_strided_slice %get3A_46 {offsets = [12], sizes = [1], strides = [1]} : vector<16xi32> to vector<1xi32>
      %squeeze3A_331 = vector.extract %slice3A_330[0] : i32 from vector<1xi32>
      %shift_right_logical3A_332 = arith.constant 3 : i32
      %shift_right_logical3A_333 = arith.shrui %squeeze3A_331, %shift_right_logical3A_332 : i32
      %and3A_334 = arith.constant 7 : i32
      %and3A_335 = arith.andi %squeeze3A_331, %and3A_334 : i32
      %mul3A_336 = arith.constant 16 : i32
      %mul3A_337 = arith.muli %scan3A_39, %mul3A_336 : i32
      %add3A_338 = arith.constant 128 : i32
      %add3A_339 = arith.addi %add3A_338, %mul3A_337 : i32
      %add3A_340 = arith.constant 12 : i32
      %add3A_341 = arith.addi %add3A_339, %add3A_340 : i32
      %dma_start3A_342 = arith.constant 0 : i32
      %dma_start3A_343 = tpu.memref_slice %arg6[%add3A_341, %dma_start3A_342] : memref<512x32xf32, #tpu.memory_space<vmem>> -> memref<1x32xf32, #tpu.memory_space<vmem>>
      %dma_start3A_344 = tpu.memref_squeeze %dma_start3A_343 : memref<1x32xf32, #tpu.memory_space<vmem>> -> memref<32xf32, #tpu.memory_space<vmem>>
      %dma_start3A_345 = arith.constant 0 : i32
      %dma_start3A_346 = tpu.memref_slice %arg2[%shift_right_logical3A_333, %and3A_335, %dma_start3A_345] : memref<125000x8x32xf32, #tpu.memory_space<hbm>> -> memref<1x1x32xf32, #tpu.memory_space<hbm>>
      %dma_start3A_347 = tpu.memref_squeeze %dma_start3A_346 : memref<1x1x32xf32, #tpu.memory_space<hbm>> -> memref<32xf32, #tpu.memory_space<hbm>>
      %dma_start3A_348 = arith.constant 0 : i32
      %dma_start3A_349 = tpu.memref_slice %arg6[%add3A_341, %dma_start3A_348] : memref<512x32xf32, #tpu.memory_space<vmem>> -> memref<1x32xf32, #tpu.memory_space<vmem>>
      %dma_start3A_350 = tpu.memref_squeeze %dma_start3A_349 : memref<1x32xf32, #tpu.memory_space<vmem>> -> memref<32xf32, #tpu.memory_space<vmem>>
      %dma_start3A_351 = arith.constant 0 : i32
      %dma_start3A_352 = tpu.memref_slice %arg2[%shift_right_logical3A_333, %and3A_335, %dma_start3A_351] : memref<125000x8x32xf32, #tpu.memory_space<hbm>> -> memref<1x1x32xf32, #tpu.memory_space<hbm>>
      %dma_start3A_353 = tpu.memref_squeeze %dma_start3A_352 : memref<1x1x32xf32, #tpu.memory_space<hbm>> -> memref<32xf32, #tpu.memory_space<hbm>>
      tpu.enqueue_dma source(%dma_start3A_353 : memref<32xf32, #tpu.memory_space<hbm>>) target(%dma_start3A_350 : memref<32xf32, #tpu.memory_space<vmem>>) target_semaphore(%arg7 : memref<!tpu.dma_semaphore, #tpu.memory_space<semaphore_mem>>)
      %slice3A_354 = vector.extract_strided_slice %get3A_46 {offsets = [13], sizes = [1], strides = [1]} : vector<16xi32> to vector<1xi32>
      %squeeze3A_355 = vector.extract %slice3A_354[0] : i32 from vector<1xi32>
      %shift_right_logical3A_356 = arith.constant 3 : i32
      %shift_right_logical3A_357 = arith.shrui %squeeze3A_355, %shift_right_logical3A_356 : i32
      %and3A_358 = arith.constant 7 : i32
      %and3A_359 = arith.andi %squeeze3A_355, %and3A_358 : i32
      %mul3A_360 = arith.constant 16 : i32
      %mul3A_361 = arith.muli %scan3A_39, %mul3A_360 : i32
      %add3A_362 = arith.constant 128 : i32
      %add3A_363 = arith.addi %add3A_362, %mul3A_361 : i32
      %add3A_364 = arith.constant 13 : i32
      %add3A_365 = arith.addi %add3A_363, %add3A_364 : i32
      %dma_start3A_366 = arith.constant 0 : i32
      %dma_start3A_367 = tpu.memref_slice %arg6[%add3A_365, %dma_start3A_366] : memref<512x32xf32, #tpu.memory_space<vmem>> -> memref<1x32xf32, #tpu.memory_space<vmem>>
      %dma_start3A_368 = tpu.memref_squeeze %dma_start3A_367 : memref<1x32xf32, #tpu.memory_space<vmem>> -> memref<32xf32, #tpu.memory_space<vmem>>
      %dma_start3A_369 = arith.constant 0 : i32
      %dma_start3A_370 = tpu.memref_slice %arg2[%shift_right_logical3A_357, %and3A_359, %dma_start3A_369] : memref<125000x8x32xf32, #tpu.memory_space<hbm>> -> memref<1x1x32xf32, #tpu.memory_space<hbm>>
      %dma_start3A_371 = tpu.memref_squeeze %dma_start3A_370 : memref<1x1x32xf32, #tpu.memory_space<hbm>> -> memref<32xf32, #tpu.memory_space<hbm>>
      %dma_start3A_372 = arith.constant 0 : i32
      %dma_start3A_373 = tpu.memref_slice %arg6[%add3A_365, %dma_start3A_372] : memref<512x32xf32, #tpu.memory_space<vmem>> -> memref<1x32xf32, #tpu.memory_space<vmem>>
      %dma_start3A_374 = tpu.memref_squeeze %dma_start3A_373 : memref<1x32xf32, #tpu.memory_space<vmem>> -> memref<32xf32, #tpu.memory_space<vmem>>
      %dma_start3A_375 = arith.constant 0 : i32
      %dma_start3A_376 = tpu.memref_slice %arg2[%shift_right_logical3A_357, %and3A_359, %dma_start3A_375] : memref<125000x8x32xf32, #tpu.memory_space<hbm>> -> memref<1x1x32xf32, #tpu.memory_space<hbm>>
      %dma_start3A_377 = tpu.memref_squeeze %dma_start3A_376 : memref<1x1x32xf32, #tpu.memory_space<hbm>> -> memref<32xf32, #tpu.memory_space<hbm>>
      tpu.enqueue_dma source(%dma_start3A_377 : memref<32xf32, #tpu.memory_space<hbm>>) target(%dma_start3A_374 : memref<32xf32, #tpu.memory_space<vmem>>) target_semaphore(%arg7 : memref<!tpu.dma_semaphore, #tpu.memory_space<semaphore_mem>>)
      %slice3A_378 = vector.extract_strided_slice %get3A_46 {offsets = [14], sizes = [1], strides = [1]} : vector<16xi32> to vector<1xi32>
      %squeeze3A_379 = vector.extract %slice3A_378[0] : i32 from vector<1xi32>
      %shift_right_logical3A_380 = arith.constant 3 : i32
      %shift_right_logical3A_381 = arith.shrui %squeeze3A_379, %shift_right_logical3A_380 : i32
      %and3A_382 = arith.constant 7 : i32
      %and3A_383 = arith.andi %squeeze3A_379, %and3A_382 : i32
      %mul3A_384 = arith.constant 16 : i32
      %mul3A_385 = arith.muli %scan3A_39, %mul3A_384 : i32
      %add3A_386 = arith.constant 128 : i32
      %add3A_387 = arith.addi %add3A_386, %mul3A_385 : i32
      %add3A_388 = arith.constant 14 : i32
      %add3A_389 = arith.addi %add3A_387, %add3A_388 : i32
      %dma_start3A_390 = arith.constant 0 : i32
      %dma_start3A_391 = tpu.memref_slice %arg6[%add3A_389, %dma_start3A_390] : memref<512x32xf32, #tpu.memory_space<vmem>> -> memref<1x32xf32, #tpu.memory_space<vmem>>
      %dma_start3A_392 = tpu.memref_squeeze %dma_start3A_391 : memref<1x32xf32, #tpu.memory_space<vmem>> -> memref<32xf32, #tpu.memory_space<vmem>>
      %dma_start3A_393 = arith.constant 0 : i32
      %dma_start3A_394 = tpu.memref_slice %arg2[%shift_right_logical3A_381, %and3A_383, %dma_start3A_393] : memref<125000x8x32xf32, #tpu.memory_space<hbm>> -> memref<1x1x32xf32, #tpu.memory_space<hbm>>
      %dma_start3A_395 = tpu.memref_squeeze %dma_start3A_394 : memref<1x1x32xf32, #tpu.memory_space<hbm>> -> memref<32xf32, #tpu.memory_space<hbm>>
      %dma_start3A_396 = arith.constant 0 : i32
      %dma_start3A_397 = tpu.memref_slice %arg6[%add3A_389, %dma_start3A_396] : memref<512x32xf32, #tpu.memory_space<vmem>> -> memref<1x32xf32, #tpu.memory_space<vmem>>
      %dma_start3A_398 = tpu.memref_squeeze %dma_start3A_397 : memref<1x32xf32, #tpu.memory_space<vmem>> -> memref<32xf32, #tpu.memory_space<vmem>>
      %dma_start3A_399 = arith.constant 0 : i32
      %dma_start3A_400 = tpu.memref_slice %arg2[%shift_right_logical3A_381, %and3A_383, %dma_start3A_399] : memref<125000x8x32xf32, #tpu.memory_space<hbm>> -> memref<1x1x32xf32, #tpu.memory_space<hbm>>
      %dma_start3A_401 = tpu.memref_squeeze %dma_start3A_400 : memref<1x1x32xf32, #tpu.memory_space<hbm>> -> memref<32xf32, #tpu.memory_space<hbm>>
      tpu.enqueue_dma source(%dma_start3A_401 : memref<32xf32, #tpu.memory_space<hbm>>) target(%dma_start3A_398 : memref<32xf32, #tpu.memory_space<vmem>>) target_semaphore(%arg7 : memref<!tpu.dma_semaphore, #tpu.memory_space<semaphore_mem>>)
      %slice3A_402 = vector.extract_strided_slice %get3A_46 {offsets = [15], sizes = [1], strides = [1]} : vector<16xi32> to vector<1xi32>
      %squeeze3A_403 = vector.extract %slice3A_402[0] : i32 from vector<1xi32>
      %shift_right_logical3A_404 = arith.constant 3 : i32
      %shift_right_logical3A_405 = arith.shrui %squeeze3A_403, %shift_right_logical3A_404 : i32
      %and3A_406 = arith.constant 7 : i32
      %and3A_407 = arith.andi %squeeze3A_403, %and3A_406 : i32
      %mul3A_408 = arith.constant 16 : i32
      %mul3A_409 = arith.muli %scan3A_39, %mul3A_408 : i32
      %add3A_410 = arith.constant 128 : i32
      %add3A_411 = arith.addi %add3A_410, %mul3A_409 : i32
      %add3A_412 = arith.constant 15 : i32
      %add3A_413 = arith.addi %add3A_411, %add3A_412 : i32
      %dma_start3A_414 = arith.constant 0 : i32
      %dma_start3A_415 = tpu.memref_slice %arg6[%add3A_413, %dma_start3A_414] : memref<512x32xf32, #tpu.memory_space<vmem>> -> memref<1x32xf32, #tpu.memory_space<vmem>>
      %dma_start3A_416 = tpu.memref_squeeze %dma_start3A_415 : memref<1x32xf32, #tpu.memory_space<vmem>> -> memref<32xf32, #tpu.memory_space<vmem>>
      %dma_start3A_417 = arith.constant 0 : i32
      %dma_start3A_418 = tpu.memref_slice %arg2[%shift_right_logical3A_405, %and3A_407, %dma_start3A_417] : memref<125000x8x32xf32, #tpu.memory_space<hbm>> -> memref<1x1x32xf32, #tpu.memory_space<hbm>>
      %dma_start3A_419 = tpu.memref_squeeze %dma_start3A_418 : memref<1x1x32xf32, #tpu.memory_space<hbm>> -> memref<32xf32, #tpu.memory_space<hbm>>
      %dma_start3A_420 = arith.constant 0 : i32
      %dma_start3A_421 = tpu.memref_slice %arg6[%add3A_413, %dma_start3A_420] : memref<512x32xf32, #tpu.memory_space<vmem>> -> memref<1x32xf32, #tpu.memory_space<vmem>>
      %dma_start3A_422 = tpu.memref_squeeze %dma_start3A_421 : memref<1x32xf32, #tpu.memory_space<vmem>> -> memref<32xf32, #tpu.memory_space<vmem>>
      %dma_start3A_423 = arith.constant 0 : i32
      %dma_start3A_424 = tpu.memref_slice %arg2[%shift_right_logical3A_405, %and3A_407, %dma_start3A_423] : memref<125000x8x32xf32, #tpu.memory_space<hbm>> -> memref<1x1x32xf32, #tpu.memory_space<hbm>>
      %dma_start3A_425 = tpu.memref_squeeze %dma_start3A_424 : memref<1x1x32xf32, #tpu.memory_space<hbm>> -> memref<32xf32, #tpu.memory_space<hbm>>
      tpu.enqueue_dma source(%dma_start3A_425 : memref<32xf32, #tpu.memory_space<hbm>>) target(%dma_start3A_422 : memref<32xf32, #tpu.memory_space<vmem>>) target_semaphore(%arg7 : memref<!tpu.dma_semaphore, #tpu.memory_space<semaphore_mem>>)
      %scan3A_426 = arith.constant 0 : i32
      scf.yield %scan3A_426 : i32
    }
    %scan3A_15 = arith.constant 8 : i32
    %scan3A_16 = arith.constant 0 : i32
    %scan3A_17 = arith.constant 0 : i32
    %scan3A_18 = arith.constant 8 : i32
    %scan3A_19 = arith.addi %scan3A_17, %scan3A_18 : i32
    %scan3A_20 = arith.constant 1 : i32
    %scan3A_21 = scf.for %scan3A_39 = %scan3A_17 to %scan3A_19 step %scan3A_20 iter_args(%scan3A_40 = %scan3A_16) -> (i32)  : i32 {
      %mul3A_41 = arith.constant 16 : i32
      %mul3A_42 = arith.muli %scan3A_39, %mul3A_41 : i32
      %get3A = arith.constant 2 : i32
      %get3A_43 = arith.index_cast %get3A : i32 to index
      %get3A_44 = arith.index_cast %mul3A_42 : i32 to index
      %get3A_45 = tpu.vector_load %arg5[%get3A_43, %get3A_44] {strides = array<i32>} : memref<4x128xi32, #tpu.memory_space<vmem>>, vector<1x16xi32>,
      %get3A_46 = vector.shape_cast %get3A_45 : vector<1x16xi32> to vector<16xi32>
      %slice3A = vector.extract_strided_slice %get3A_46 {offsets = [0], sizes = [1], strides = [1]} : vector<16xi32> to vector<1xi32>
      %squeeze3A = vector.extract %slice3A[0] : i32 from vector<1xi32>
      %shift_right_logical3A = arith.constant 3 : i32
      %shift_right_logical3A_47 = arith.shrui %squeeze3A, %shift_right_logical3A : i32
      %and3A = arith.constant 7 : i32
      %and3A_48 = arith.andi %squeeze3A, %and3A : i32
      %mul3A_49 = arith.constant 16 : i32
      %mul3A_50 = arith.muli %scan3A_39, %mul3A_49 : i32
      %add3A_51 = arith.constant 256 : i32
      %add3A_52 = arith.addi %add3A_51, %mul3A_50 : i32
      %add3A_53 = arith.constant 0 : i32
      %add3A_54 = arith.addi %add3A_52, %add3A_53 : i32
      %dma_start3A = arith.constant 0 : i32
      %dma_start3A_55 = tpu.memref_slice %arg6[%add3A_54, %dma_start3A] : memref<512x32xf32, #tpu.memory_space<vmem>> -> memref<1x32xf32, #tpu.memory_space<vmem>>
      %dma_start3A_56 = tpu.memref_squeeze %dma_start3A_55 : memref<1x32xf32, #tpu.memory_space<vmem>> -> memref<32xf32, #tpu.memory_space<vmem>>
      %dma_start3A_57 = arith.constant 0 : i32
      %dma_start3A_58 = tpu.memref_slice %arg2[%shift_right_logical3A_47, %and3A_48, %dma_start3A_57] : memref<125000x8x32xf32, #tpu.memory_space<hbm>> -> memref<1x1x32xf32, #tpu.memory_space<hbm>>
      %dma_start3A_59 = tpu.memref_squeeze %dma_start3A_58 : memref<1x1x32xf32, #tpu.memory_space<hbm>> -> memref<32xf32, #tpu.memory_space<hbm>>
      %dma_start3A_60 = arith.constant 0 : i32
      %dma_start3A_61 = tpu.memref_slice %arg6[%add3A_54, %dma_start3A_60] : memref<512x32xf32, #tpu.memory_space<vmem>> -> memref<1x32xf32, #tpu.memory_space<vmem>>
      %dma_start3A_62 = tpu.memref_squeeze %dma_start3A_61 : memref<1x32xf32, #tpu.memory_space<vmem>> -> memref<32xf32, #tpu.memory_space<vmem>>
      %dma_start3A_63 = arith.constant 0 : i32
      %dma_start3A_64 = tpu.memref_slice %arg2[%shift_right_logical3A_47, %and3A_48, %dma_start3A_63] : memref<125000x8x32xf32, #tpu.memory_space<hbm>> -> memref<1x1x32xf32, #tpu.memory_space<hbm>>
      %dma_start3A_65 = tpu.memref_squeeze %dma_start3A_64 : memref<1x1x32xf32, #tpu.memory_space<hbm>> -> memref<32xf32, #tpu.memory_space<hbm>>
      tpu.enqueue_dma source(%dma_start3A_65 : memref<32xf32, #tpu.memory_space<hbm>>) target(%dma_start3A_62 : memref<32xf32, #tpu.memory_space<vmem>>) target_semaphore(%arg7 : memref<!tpu.dma_semaphore, #tpu.memory_space<semaphore_mem>>)
      %slice3A_66 = vector.extract_strided_slice %get3A_46 {offsets = [1], sizes = [1], strides = [1]} : vector<16xi32> to vector<1xi32>
      %squeeze3A_67 = vector.extract %slice3A_66[0] : i32 from vector<1xi32>
      %shift_right_logical3A_68 = arith.constant 3 : i32
      %shift_right_logical3A_69 = arith.shrui %squeeze3A_67, %shift_right_logical3A_68 : i32
      %and3A_70 = arith.constant 7 : i32
      %and3A_71 = arith.andi %squeeze3A_67, %and3A_70 : i32
      %mul3A_72 = arith.constant 16 : i32
      %mul3A_73 = arith.muli %scan3A_39, %mul3A_72 : i32
      %add3A_74 = arith.constant 256 : i32
      %add3A_75 = arith.addi %add3A_74, %mul3A_73 : i32
      %add3A_76 = arith.constant 1 : i32
      %add3A_77 = arith.addi %add3A_75, %add3A_76 : i32
      %dma_start3A_78 = arith.constant 0 : i32
      %dma_start3A_79 = tpu.memref_slice %arg6[%add3A_77, %dma_start3A_78] : memref<512x32xf32, #tpu.memory_space<vmem>> -> memref<1x32xf32, #tpu.memory_space<vmem>>
      %dma_start3A_80 = tpu.memref_squeeze %dma_start3A_79 : memref<1x32xf32, #tpu.memory_space<vmem>> -> memref<32xf32, #tpu.memory_space<vmem>>
      %dma_start3A_81 = arith.constant 0 : i32
      %dma_start3A_82 = tpu.memref_slice %arg2[%shift_right_logical3A_69, %and3A_71, %dma_start3A_81] : memref<125000x8x32xf32, #tpu.memory_space<hbm>> -> memref<1x1x32xf32, #tpu.memory_space<hbm>>
      %dma_start3A_83 = tpu.memref_squeeze %dma_start3A_82 : memref<1x1x32xf32, #tpu.memory_space<hbm>> -> memref<32xf32, #tpu.memory_space<hbm>>
      %dma_start3A_84 = arith.constant 0 : i32
      %dma_start3A_85 = tpu.memref_slice %arg6[%add3A_77, %dma_start3A_84] : memref<512x32xf32, #tpu.memory_space<vmem>> -> memref<1x32xf32, #tpu.memory_space<vmem>>
      %dma_start3A_86 = tpu.memref_squeeze %dma_start3A_85 : memref<1x32xf32, #tpu.memory_space<vmem>> -> memref<32xf32, #tpu.memory_space<vmem>>
      %dma_start3A_87 = arith.constant 0 : i32
      %dma_start3A_88 = tpu.memref_slice %arg2[%shift_right_logical3A_69, %and3A_71, %dma_start3A_87] : memref<125000x8x32xf32, #tpu.memory_space<hbm>> -> memref<1x1x32xf32, #tpu.memory_space<hbm>>
      %dma_start3A_89 = tpu.memref_squeeze %dma_start3A_88 : memref<1x1x32xf32, #tpu.memory_space<hbm>> -> memref<32xf32, #tpu.memory_space<hbm>>
      tpu.enqueue_dma source(%dma_start3A_89 : memref<32xf32, #tpu.memory_space<hbm>>) target(%dma_start3A_86 : memref<32xf32, #tpu.memory_space<vmem>>) target_semaphore(%arg7 : memref<!tpu.dma_semaphore, #tpu.memory_space<semaphore_mem>>)
      %slice3A_90 = vector.extract_strided_slice %get3A_46 {offsets = [2], sizes = [1], strides = [1]} : vector<16xi32> to vector<1xi32>
      %squeeze3A_91 = vector.extract %slice3A_90[0] : i32 from vector<1xi32>
      %shift_right_logical3A_92 = arith.constant 3 : i32
      %shift_right_logical3A_93 = arith.shrui %squeeze3A_91, %shift_right_logical3A_92 : i32
      %and3A_94 = arith.constant 7 : i32
      %and3A_95 = arith.andi %squeeze3A_91, %and3A_94 : i32
      %mul3A_96 = arith.constant 16 : i32
      %mul3A_97 = arith.muli %scan3A_39, %mul3A_96 : i32
      %add3A_98 = arith.constant 256 : i32
      %add3A_99 = arith.addi %add3A_98, %mul3A_97 : i32
      %add3A_100 = arith.constant 2 : i32
      %add3A_101 = arith.addi %add3A_99, %add3A_100 : i32
      %dma_start3A_102 = arith.constant 0 : i32
      %dma_start3A_103 = tpu.memref_slice %arg6[%add3A_101, %dma_start3A_102] : memref<512x32xf32, #tpu.memory_space<vmem>> -> memref<1x32xf32, #tpu.memory_space<vmem>>
      %dma_start3A_104 = tpu.memref_squeeze %dma_start3A_103 : memref<1x32xf32, #tpu.memory_space<vmem>> -> memref<32xf32, #tpu.memory_space<vmem>>
      %dma_start3A_105 = arith.constant 0 : i32
      %dma_start3A_106 = tpu.memref_slice %arg2[%shift_right_logical3A_93, %and3A_95, %dma_start3A_105] : memref<125000x8x32xf32, #tpu.memory_space<hbm>> -> memref<1x1x32xf32, #tpu.memory_space<hbm>>
      %dma_start3A_107 = tpu.memref_squeeze %dma_start3A_106 : memref<1x1x32xf32, #tpu.memory_space<hbm>> -> memref<32xf32, #tpu.memory_space<hbm>>
      %dma_start3A_108 = arith.constant 0 : i32
      %dma_start3A_109 = tpu.memref_slice %arg6[%add3A_101, %dma_start3A_108] : memref<512x32xf32, #tpu.memory_space<vmem>> -> memref<1x32xf32, #tpu.memory_space<vmem>>
      %dma_start3A_110 = tpu.memref_squeeze %dma_start3A_109 : memref<1x32xf32, #tpu.memory_space<vmem>> -> memref<32xf32, #tpu.memory_space<vmem>>
      %dma_start3A_111 = arith.constant 0 : i32
      %dma_start3A_112 = tpu.memref_slice %arg2[%shift_right_logical3A_93, %and3A_95, %dma_start3A_111] : memref<125000x8x32xf32, #tpu.memory_space<hbm>> -> memref<1x1x32xf32, #tpu.memory_space<hbm>>
      %dma_start3A_113 = tpu.memref_squeeze %dma_start3A_112 : memref<1x1x32xf32, #tpu.memory_space<hbm>> -> memref<32xf32, #tpu.memory_space<hbm>>
      tpu.enqueue_dma source(%dma_start3A_113 : memref<32xf32, #tpu.memory_space<hbm>>) target(%dma_start3A_110 : memref<32xf32, #tpu.memory_space<vmem>>) target_semaphore(%arg7 : memref<!tpu.dma_semaphore, #tpu.memory_space<semaphore_mem>>)
      %slice3A_114 = vector.extract_strided_slice %get3A_46 {offsets = [3], sizes = [1], strides = [1]} : vector<16xi32> to vector<1xi32>
      %squeeze3A_115 = vector.extract %slice3A_114[0] : i32 from vector<1xi32>
      %shift_right_logical3A_116 = arith.constant 3 : i32
      %shift_right_logical3A_117 = arith.shrui %squeeze3A_115, %shift_right_logical3A_116 : i32
      %and3A_118 = arith.constant 7 : i32
      %and3A_119 = arith.andi %squeeze3A_115, %and3A_118 : i32
      %mul3A_120 = arith.constant 16 : i32
      %mul3A_121 = arith.muli %scan3A_39, %mul3A_120 : i32
      %add3A_122 = arith.constant 256 : i32
      %add3A_123 = arith.addi %add3A_122, %mul3A_121 : i32
      %add3A_124 = arith.constant 3 : i32
      %add3A_125 = arith.addi %add3A_123, %add3A_124 : i32
      %dma_start3A_126 = arith.constant 0 : i32
      %dma_start3A_127 = tpu.memref_slice %arg6[%add3A_125, %dma_start3A_126] : memref<512x32xf32, #tpu.memory_space<vmem>> -> memref<1x32xf32, #tpu.memory_space<vmem>>
      %dma_start3A_128 = tpu.memref_squeeze %dma_start3A_127 : memref<1x32xf32, #tpu.memory_space<vmem>> -> memref<32xf32, #tpu.memory_space<vmem>>
      %dma_start3A_129 = arith.constant 0 : i32
      %dma_start3A_130 = tpu.memref_slice %arg2[%shift_right_logical3A_117, %and3A_119, %dma_start3A_129] : memref<125000x8x32xf32, #tpu.memory_space<hbm>> -> memref<1x1x32xf32, #tpu.memory_space<hbm>>
      %dma_start3A_131 = tpu.memref_squeeze %dma_start3A_130 : memref<1x1x32xf32, #tpu.memory_space<hbm>> -> memref<32xf32, #tpu.memory_space<hbm>>
      %dma_start3A_132 = arith.constant 0 : i32
      %dma_start3A_133 = tpu.memref_slice %arg6[%add3A_125, %dma_start3A_132] : memref<512x32xf32, #tpu.memory_space<vmem>> -> memref<1x32xf32, #tpu.memory_space<vmem>>
      %dma_start3A_134 = tpu.memref_squeeze %dma_start3A_133 : memref<1x32xf32, #tpu.memory_space<vmem>> -> memref<32xf32, #tpu.memory_space<vmem>>
      %dma_start3A_135 = arith.constant 0 : i32
      %dma_start3A_136 = tpu.memref_slice %arg2[%shift_right_logical3A_117, %and3A_119, %dma_start3A_135] : memref<125000x8x32xf32, #tpu.memory_space<hbm>> -> memref<1x1x32xf32, #tpu.memory_space<hbm>>
      %dma_start3A_137 = tpu.memref_squeeze %dma_start3A_136 : memref<1x1x32xf32, #tpu.memory_space<hbm>> -> memref<32xf32, #tpu.memory_space<hbm>>
      tpu.enqueue_dma source(%dma_start3A_137 : memref<32xf32, #tpu.memory_space<hbm>>) target(%dma_start3A_134 : memref<32xf32, #tpu.memory_space<vmem>>) target_semaphore(%arg7 : memref<!tpu.dma_semaphore, #tpu.memory_space<semaphore_mem>>)
      %slice3A_138 = vector.extract_strided_slice %get3A_46 {offsets = [4], sizes = [1], strides = [1]} : vector<16xi32> to vector<1xi32>
      %squeeze3A_139 = vector.extract %slice3A_138[0] : i32 from vector<1xi32>
      %shift_right_logical3A_140 = arith.constant 3 : i32
      %shift_right_logical3A_141 = arith.shrui %squeeze3A_139, %shift_right_logical3A_140 : i32
      %and3A_142 = arith.constant 7 : i32
      %and3A_143 = arith.andi %squeeze3A_139, %and3A_142 : i32
      %mul3A_144 = arith.constant 16 : i32
      %mul3A_145 = arith.muli %scan3A_39, %mul3A_144 : i32
      %add3A_146 = arith.constant 256 : i32
      %add3A_147 = arith.addi %add3A_146, %mul3A_145 : i32
      %add3A_148 = arith.constant 4 : i32
      %add3A_149 = arith.addi %add3A_147, %add3A_148 : i32
      %dma_start3A_150 = arith.constant 0 : i32
      %dma_start3A_151 = tpu.memref_slice %arg6[%add3A_149, %dma_start3A_150] : memref<512x32xf32, #tpu.memory_space<vmem>> -> memref<1x32xf32, #tpu.memory_space<vmem>>
      %dma_start3A_152 = tpu.memref_squeeze %dma_start3A_151 : memref<1x32xf32, #tpu.memory_space<vmem>> -> memref<32xf32, #tpu.memory_space<vmem>>
      %dma_start3A_153 = arith.constant 0 : i32
      %dma_start3A_154 = tpu.memref_slice %arg2[%shift_right_logical3A_141, %and3A_143, %dma_start3A_153] : memref<125000x8x32xf32, #tpu.memory_space<hbm>> -> memref<1x1x32xf32, #tpu.memory_space<hbm>>
      %dma_start3A_155 = tpu.memref_squeeze %dma_start3A_154 : memref<1x1x32xf32, #tpu.memory_space<hbm>> -> memref<32xf32, #tpu.memory_space<hbm>>
      %dma_start3A_156 = arith.constant 0 : i32
      %dma_start3A_157 = tpu.memref_slice %arg6[%add3A_149, %dma_start3A_156] : memref<512x32xf32, #tpu.memory_space<vmem>> -> memref<1x32xf32, #tpu.memory_space<vmem>>
      %dma_start3A_158 = tpu.memref_squeeze %dma_start3A_157 : memref<1x32xf32, #tpu.memory_space<vmem>> -> memref<32xf32, #tpu.memory_space<vmem>>
      %dma_start3A_159 = arith.constant 0 : i32
      %dma_start3A_160 = tpu.memref_slice %arg2[%shift_right_logical3A_141, %and3A_143, %dma_start3A_159] : memref<125000x8x32xf32, #tpu.memory_space<hbm>> -> memref<1x1x32xf32, #tpu.memory_space<hbm>>
      %dma_start3A_161 = tpu.memref_squeeze %dma_start3A_160 : memref<1x1x32xf32, #tpu.memory_space<hbm>> -> memref<32xf32, #tpu.memory_space<hbm>>
      tpu.enqueue_dma source(%dma_start3A_161 : memref<32xf32, #tpu.memory_space<hbm>>) target(%dma_start3A_158 : memref<32xf32, #tpu.memory_space<vmem>>) target_semaphore(%arg7 : memref<!tpu.dma_semaphore, #tpu.memory_space<semaphore_mem>>)
      %slice3A_162 = vector.extract_strided_slice %get3A_46 {offsets = [5], sizes = [1], strides = [1]} : vector<16xi32> to vector<1xi32>
      %squeeze3A_163 = vector.extract %slice3A_162[0] : i32 from vector<1xi32>
      %shift_right_logical3A_164 = arith.constant 3 : i32
      %shift_right_logical3A_165 = arith.shrui %squeeze3A_163, %shift_right_logical3A_164 : i32
      %and3A_166 = arith.constant 7 : i32
      %and3A_167 = arith.andi %squeeze3A_163, %and3A_166 : i32
      %mul3A_168 = arith.constant 16 : i32
      %mul3A_169 = arith.muli %scan3A_39, %mul3A_168 : i32
      %add3A_170 = arith.constant 256 : i32
      %add3A_171 = arith.addi %add3A_170, %mul3A_169 : i32
      %add3A_172 = arith.constant 5 : i32
      %add3A_173 = arith.addi %add3A_171, %add3A_172 : i32
      %dma_start3A_174 = arith.constant 0 : i32
      %dma_start3A_175 = tpu.memref_slice %arg6[%add3A_173, %dma_start3A_174] : memref<512x32xf32, #tpu.memory_space<vmem>> -> memref<1x32xf32, #tpu.memory_space<vmem>>
      %dma_start3A_176 = tpu.memref_squeeze %dma_start3A_175 : memref<1x32xf32, #tpu.memory_space<vmem>> -> memref<32xf32, #tpu.memory_space<vmem>>
      %dma_start3A_177 = arith.constant 0 : i32
      %dma_start3A_178 = tpu.memref_slice %arg2[%shift_right_logical3A_165, %and3A_167, %dma_start3A_177] : memref<125000x8x32xf32, #tpu.memory_space<hbm>> -> memref<1x1x32xf32, #tpu.memory_space<hbm>>
      %dma_start3A_179 = tpu.memref_squeeze %dma_start3A_178 : memref<1x1x32xf32, #tpu.memory_space<hbm>> -> memref<32xf32, #tpu.memory_space<hbm>>
      %dma_start3A_180 = arith.constant 0 : i32
      %dma_start3A_181 = tpu.memref_slice %arg6[%add3A_173, %dma_start3A_180] : memref<512x32xf32, #tpu.memory_space<vmem>> -> memref<1x32xf32, #tpu.memory_space<vmem>>
      %dma_start3A_182 = tpu.memref_squeeze %dma_start3A_181 : memref<1x32xf32, #tpu.memory_space<vmem>> -> memref<32xf32, #tpu.memory_space<vmem>>
      %dma_start3A_183 = arith.constant 0 : i32
      %dma_start3A_184 = tpu.memref_slice %arg2[%shift_right_logical3A_165, %and3A_167, %dma_start3A_183] : memref<125000x8x32xf32, #tpu.memory_space<hbm>> -> memref<1x1x32xf32, #tpu.memory_space<hbm>>
      %dma_start3A_185 = tpu.memref_squeeze %dma_start3A_184 : memref<1x1x32xf32, #tpu.memory_space<hbm>> -> memref<32xf32, #tpu.memory_space<hbm>>
      tpu.enqueue_dma source(%dma_start3A_185 : memref<32xf32, #tpu.memory_space<hbm>>) target(%dma_start3A_182 : memref<32xf32, #tpu.memory_space<vmem>>) target_semaphore(%arg7 : memref<!tpu.dma_semaphore, #tpu.memory_space<semaphore_mem>>)
      %slice3A_186 = vector.extract_strided_slice %get3A_46 {offsets = [6], sizes = [1], strides = [1]} : vector<16xi32> to vector<1xi32>
      %squeeze3A_187 = vector.extract %slice3A_186[0] : i32 from vector<1xi32>
      %shift_right_logical3A_188 = arith.constant 3 : i32
      %shift_right_logical3A_189 = arith.shrui %squeeze3A_187, %shift_right_logical3A_188 : i32
      %and3A_190 = arith.constant 7 : i32
      %and3A_191 = arith.andi %squeeze3A_187, %and3A_190 : i32
      %mul3A_192 = arith.constant 16 : i32
      %mul3A_193 = arith.muli %scan3A_39, %mul3A_192 : i32
      %add3A_194 = arith.constant 256 : i32
      %add3A_195 = arith.addi %add3A_194, %mul3A_193 : i32
      %add3A_196 = arith.constant 6 : i32
      %add3A_197 = arith.addi %add3A_195, %add3A_196 : i32
      %dma_start3A_198 = arith.constant 0 : i32
      %dma_start3A_199 = tpu.memref_slice %arg6[%add3A_197, %dma_start3A_198] : memref<512x32xf32, #tpu.memory_space<vmem>> -> memref<1x32xf32, #tpu.memory_space<vmem>>
      %dma_start3A_200 = tpu.memref_squeeze %dma_start3A_199 : memref<1x32xf32, #tpu.memory_space<vmem>> -> memref<32xf32, #tpu.memory_space<vmem>>
      %dma_start3A_201 = arith.constant 0 : i32
      %dma_start3A_202 = tpu.memref_slice %arg2[%shift_right_logical3A_189, %and3A_191, %dma_start3A_201] : memref<125000x8x32xf32, #tpu.memory_space<hbm>> -> memref<1x1x32xf32, #tpu.memory_space<hbm>>
      %dma_start3A_203 = tpu.memref_squeeze %dma_start3A_202 : memref<1x1x32xf32, #tpu.memory_space<hbm>> -> memref<32xf32, #tpu.memory_space<hbm>>
      %dma_start3A_204 = arith.constant 0 : i32
      %dma_start3A_205 = tpu.memref_slice %arg6[%add3A_197, %dma_start3A_204] : memref<512x32xf32, #tpu.memory_space<vmem>> -> memref<1x32xf32, #tpu.memory_space<vmem>>
      %dma_start3A_206 = tpu.memref_squeeze %dma_start3A_205 : memref<1x32xf32, #tpu.memory_space<vmem>> -> memref<32xf32, #tpu.memory_space<vmem>>
      %dma_start3A_207 = arith.constant 0 : i32
      %dma_start3A_208 = tpu.memref_slice %arg2[%shift_right_logical3A_189, %and3A_191, %dma_start3A_207] : memref<125000x8x32xf32, #tpu.memory_space<hbm>> -> memref<1x1x32xf32, #tpu.memory_space<hbm>>
      %dma_start3A_209 = tpu.memref_squeeze %dma_start3A_208 : memref<1x1x32xf32, #tpu.memory_space<hbm>> -> memref<32xf32, #tpu.memory_space<hbm>>
      tpu.enqueue_dma source(%dma_start3A_209 : memref<32xf32, #tpu.memory_space<hbm>>) target(%dma_start3A_206 : memref<32xf32, #tpu.memory_space<vmem>>) target_semaphore(%arg7 : memref<!tpu.dma_semaphore, #tpu.memory_space<semaphore_mem>>)
      %slice3A_210 = vector.extract_strided_slice %get3A_46 {offsets = [7], sizes = [1], strides = [1]} : vector<16xi32> to vector<1xi32>
      %squeeze3A_211 = vector.extract %slice3A_210[0] : i32 from vector<1xi32>
      %shift_right_logical3A_212 = arith.constant 3 : i32
      %shift_right_logical3A_213 = arith.shrui %squeeze3A_211, %shift_right_logical3A_212 : i32
      %and3A_214 = arith.constant 7 : i32
      %and3A_215 = arith.andi %squeeze3A_211, %and3A_214 : i32
      %mul3A_216 = arith.constant 16 : i32
      %mul3A_217 = arith.muli %scan3A_39, %mul3A_216 : i32
      %add3A_218 = arith.constant 256 : i32
      %add3A_219 = arith.addi %add3A_218, %mul3A_217 : i32
      %add3A_220 = arith.constant 7 : i32
      %add3A_221 = arith.addi %add3A_219, %add3A_220 : i32
      %dma_start3A_222 = arith.constant 0 : i32
      %dma_start3A_223 = tpu.memref_slice %arg6[%add3A_221, %dma_start3A_222] : memref<512x32xf32, #tpu.memory_space<vmem>> -> memref<1x32xf32, #tpu.memory_space<vmem>>
      %dma_start3A_224 = tpu.memref_squeeze %dma_start3A_223 : memref<1x32xf32, #tpu.memory_space<vmem>> -> memref<32xf32, #tpu.memory_space<vmem>>
      %dma_start3A_225 = arith.constant 0 : i32
      %dma_start3A_226 = tpu.memref_slice %arg2[%shift_right_logical3A_213, %and3A_215, %dma_start3A_225] : memref<125000x8x32xf32, #tpu.memory_space<hbm>> -> memref<1x1x32xf32, #tpu.memory_space<hbm>>
      %dma_start3A_227 = tpu.memref_squeeze %dma_start3A_226 : memref<1x1x32xf32, #tpu.memory_space<hbm>> -> memref<32xf32, #tpu.memory_space<hbm>>
      %dma_start3A_228 = arith.constant 0 : i32
      %dma_start3A_229 = tpu.memref_slice %arg6[%add3A_221, %dma_start3A_228] : memref<512x32xf32, #tpu.memory_space<vmem>> -> memref<1x32xf32, #tpu.memory_space<vmem>>
      %dma_start3A_230 = tpu.memref_squeeze %dma_start3A_229 : memref<1x32xf32, #tpu.memory_space<vmem>> -> memref<32xf32, #tpu.memory_space<vmem>>
      %dma_start3A_231 = arith.constant 0 : i32
      %dma_start3A_232 = tpu.memref_slice %arg2[%shift_right_logical3A_213, %and3A_215, %dma_start3A_231] : memref<125000x8x32xf32, #tpu.memory_space<hbm>> -> memref<1x1x32xf32, #tpu.memory_space<hbm>>
      %dma_start3A_233 = tpu.memref_squeeze %dma_start3A_232 : memref<1x1x32xf32, #tpu.memory_space<hbm>> -> memref<32xf32, #tpu.memory_space<hbm>>
      tpu.enqueue_dma source(%dma_start3A_233 : memref<32xf32, #tpu.memory_space<hbm>>) target(%dma_start3A_230 : memref<32xf32, #tpu.memory_space<vmem>>) target_semaphore(%arg7 : memref<!tpu.dma_semaphore, #tpu.memory_space<semaphore_mem>>)
      %slice3A_234 = vector.extract_strided_slice %get3A_46 {offsets = [8], sizes = [1], strides = [1]} : vector<16xi32> to vector<1xi32>
      %squeeze3A_235 = vector.extract %slice3A_234[0] : i32 from vector<1xi32>
      %shift_right_logical3A_236 = arith.constant 3 : i32
      %shift_right_logical3A_237 = arith.shrui %squeeze3A_235, %shift_right_logical3A_236 : i32
      %and3A_238 = arith.constant 7 : i32
      %and3A_239 = arith.andi %squeeze3A_235, %and3A_238 : i32
      %mul3A_240 = arith.constant 16 : i32
      %mul3A_241 = arith.muli %scan3A_39, %mul3A_240 : i32
      %add3A_242 = arith.constant 256 : i32
      %add3A_243 = arith.addi %add3A_242, %mul3A_241 : i32
      %add3A_244 = arith.constant 8 : i32
      %add3A_245 = arith.addi %add3A_243, %add3A_244 : i32
      %dma_start3A_246 = arith.constant 0 : i32
      %dma_start3A_247 = tpu.memref_slice %arg6[%add3A_245, %dma_start3A_246] : memref<512x32xf32, #tpu.memory_space<vmem>> -> memref<1x32xf32, #tpu.memory_space<vmem>>
      %dma_start3A_248 = tpu.memref_squeeze %dma_start3A_247 : memref<1x32xf32, #tpu.memory_space<vmem>> -> memref<32xf32, #tpu.memory_space<vmem>>
      %dma_start3A_249 = arith.constant 0 : i32
      %dma_start3A_250 = tpu.memref_slice %arg2[%shift_right_logical3A_237, %and3A_239, %dma_start3A_249] : memref<125000x8x32xf32, #tpu.memory_space<hbm>> -> memref<1x1x32xf32, #tpu.memory_space<hbm>>
      %dma_start3A_251 = tpu.memref_squeeze %dma_start3A_250 : memref<1x1x32xf32, #tpu.memory_space<hbm>> -> memref<32xf32, #tpu.memory_space<hbm>>
      %dma_start3A_252 = arith.constant 0 : i32
      %dma_start3A_253 = tpu.memref_slice %arg6[%add3A_245, %dma_start3A_252] : memref<512x32xf32, #tpu.memory_space<vmem>> -> memref<1x32xf32, #tpu.memory_space<vmem>>
      %dma_start3A_254 = tpu.memref_squeeze %dma_start3A_253 : memref<1x32xf32, #tpu.memory_space<vmem>> -> memref<32xf32, #tpu.memory_space<vmem>>
      %dma_start3A_255 = arith.constant 0 : i32
      %dma_start3A_256 = tpu.memref_slice %arg2[%shift_right_logical3A_237, %and3A_239, %dma_start3A_255] : memref<125000x8x32xf32, #tpu.memory_space<hbm>> -> memref<1x1x32xf32, #tpu.memory_space<hbm>>
      %dma_start3A_257 = tpu.memref_squeeze %dma_start3A_256 : memref<1x1x32xf32, #tpu.memory_space<hbm>> -> memref<32xf32, #tpu.memory_space<hbm>>
      tpu.enqueue_dma source(%dma_start3A_257 : memref<32xf32, #tpu.memory_space<hbm>>) target(%dma_start3A_254 : memref<32xf32, #tpu.memory_space<vmem>>) target_semaphore(%arg7 : memref<!tpu.dma_semaphore, #tpu.memory_space<semaphore_mem>>)
      %slice3A_258 = vector.extract_strided_slice %get3A_46 {offsets = [9], sizes = [1], strides = [1]} : vector<16xi32> to vector<1xi32>
      %squeeze3A_259 = vector.extract %slice3A_258[0] : i32 from vector<1xi32>
      %shift_right_logical3A_260 = arith.constant 3 : i32
      %shift_right_logical3A_261 = arith.shrui %squeeze3A_259, %shift_right_logical3A_260 : i32
      %and3A_262 = arith.constant 7 : i32
      %and3A_263 = arith.andi %squeeze3A_259, %and3A_262 : i32
      %mul3A_264 = arith.constant 16 : i32
      %mul3A_265 = arith.muli %scan3A_39, %mul3A_264 : i32
      %add3A_266 = arith.constant 256 : i32
      %add3A_267 = arith.addi %add3A_266, %mul3A_265 : i32
      %add3A_268 = arith.constant 9 : i32
      %add3A_269 = arith.addi %add3A_267, %add3A_268 : i32
      %dma_start3A_270 = arith.constant 0 : i32
      %dma_start3A_271 = tpu.memref_slice %arg6[%add3A_269, %dma_start3A_270] : memref<512x32xf32, #tpu.memory_space<vmem>> -> memref<1x32xf32, #tpu.memory_space<vmem>>
      %dma_start3A_272 = tpu.memref_squeeze %dma_start3A_271 : memref<1x32xf32, #tpu.memory_space<vmem>> -> memref<32xf32, #tpu.memory_space<vmem>>
      %dma_start3A_273 = arith.constant 0 : i32
      %dma_start3A_274 = tpu.memref_slice %arg2[%shift_right_logical3A_261, %and3A_263, %dma_start3A_273] : memref<125000x8x32xf32, #tpu.memory_space<hbm>> -> memref<1x1x32xf32, #tpu.memory_space<hbm>>
      %dma_start3A_275 = tpu.memref_squeeze %dma_start3A_274 : memref<1x1x32xf32, #tpu.memory_space<hbm>> -> memref<32xf32, #tpu.memory_space<hbm>>
      %dma_start3A_276 = arith.constant 0 : i32
      %dma_start3A_277 = tpu.memref_slice %arg6[%add3A_269, %dma_start3A_276] : memref<512x32xf32, #tpu.memory_space<vmem>> -> memref<1x32xf32, #tpu.memory_space<vmem>>
      %dma_start3A_278 = tpu.memref_squeeze %dma_start3A_277 : memref<1x32xf32, #tpu.memory_space<vmem>> -> memref<32xf32, #tpu.memory_space<vmem>>
      %dma_start3A_279 = arith.constant 0 : i32
      %dma_start3A_280 = tpu.memref_slice %arg2[%shift_right_logical3A_261, %and3A_263, %dma_start3A_279] : memref<125000x8x32xf32, #tpu.memory_space<hbm>> -> memref<1x1x32xf32, #tpu.memory_space<hbm>>
      %dma_start3A_281 = tpu.memref_squeeze %dma_start3A_280 : memref<1x1x32xf32, #tpu.memory_space<hbm>> -> memref<32xf32, #tpu.memory_space<hbm>>
      tpu.enqueue_dma source(%dma_start3A_281 : memref<32xf32, #tpu.memory_space<hbm>>) target(%dma_start3A_278 : memref<32xf32, #tpu.memory_space<vmem>>) target_semaphore(%arg7 : memref<!tpu.dma_semaphore, #tpu.memory_space<semaphore_mem>>)
      %slice3A_282 = vector.extract_strided_slice %get3A_46 {offsets = [10], sizes = [1], strides = [1]} : vector<16xi32> to vector<1xi32>
      %squeeze3A_283 = vector.extract %slice3A_282[0] : i32 from vector<1xi32>
      %shift_right_logical3A_284 = arith.constant 3 : i32
      %shift_right_logical3A_285 = arith.shrui %squeeze3A_283, %shift_right_logical3A_284 : i32
      %and3A_286 = arith.constant 7 : i32
      %and3A_287 = arith.andi %squeeze3A_283, %and3A_286 : i32
      %mul3A_288 = arith.constant 16 : i32
      %mul3A_289 = arith.muli %scan3A_39, %mul3A_288 : i32
      %add3A_290 = arith.constant 256 : i32
      %add3A_291 = arith.addi %add3A_290, %mul3A_289 : i32
      %add3A_292 = arith.constant 10 : i32
      %add3A_293 = arith.addi %add3A_291, %add3A_292 : i32
      %dma_start3A_294 = arith.constant 0 : i32
      %dma_start3A_295 = tpu.memref_slice %arg6[%add3A_293, %dma_start3A_294] : memref<512x32xf32, #tpu.memory_space<vmem>> -> memref<1x32xf32, #tpu.memory_space<vmem>>
      %dma_start3A_296 = tpu.memref_squeeze %dma_start3A_295 : memref<1x32xf32, #tpu.memory_space<vmem>> -> memref<32xf32, #tpu.memory_space<vmem>>
      %dma_start3A_297 = arith.constant 0 : i32
      %dma_start3A_298 = tpu.memref_slice %arg2[%shift_right_logical3A_285, %and3A_287, %dma_start3A_297] : memref<125000x8x32xf32, #tpu.memory_space<hbm>> -> memref<1x1x32xf32, #tpu.memory_space<hbm>>
      %dma_start3A_299 = tpu.memref_squeeze %dma_start3A_298 : memref<1x1x32xf32, #tpu.memory_space<hbm>> -> memref<32xf32, #tpu.memory_space<hbm>>
      %dma_start3A_300 = arith.constant 0 : i32
      %dma_start3A_301 = tpu.memref_slice %arg6[%add3A_293, %dma_start3A_300] : memref<512x32xf32, #tpu.memory_space<vmem>> -> memref<1x32xf32, #tpu.memory_space<vmem>>
      %dma_start3A_302 = tpu.memref_squeeze %dma_start3A_301 : memref<1x32xf32, #tpu.memory_space<vmem>> -> memref<32xf32, #tpu.memory_space<vmem>>
      %dma_start3A_303 = arith.constant 0 : i32
      %dma_start3A_304 = tpu.memref_slice %arg2[%shift_right_logical3A_285, %and3A_287, %dma_start3A_303] : memref<125000x8x32xf32, #tpu.memory_space<hbm>> -> memref<1x1x32xf32, #tpu.memory_space<hbm>>
      %dma_start3A_305 = tpu.memref_squeeze %dma_start3A_304 : memref<1x1x32xf32, #tpu.memory_space<hbm>> -> memref<32xf32, #tpu.memory_space<hbm>>
      tpu.enqueue_dma source(%dma_start3A_305 : memref<32xf32, #tpu.memory_space<hbm>>) target(%dma_start3A_302 : memref<32xf32, #tpu.memory_space<vmem>>) target_semaphore(%arg7 : memref<!tpu.dma_semaphore, #tpu.memory_space<semaphore_mem>>)
      %slice3A_306 = vector.extract_strided_slice %get3A_46 {offsets = [11], sizes = [1], strides = [1]} : vector<16xi32> to vector<1xi32>
      %squeeze3A_307 = vector.extract %slice3A_306[0] : i32 from vector<1xi32>
      %shift_right_logical3A_308 = arith.constant 3 : i32
      %shift_right_logical3A_309 = arith.shrui %squeeze3A_307, %shift_right_logical3A_308 : i32
      %and3A_310 = arith.constant 7 : i32
      %and3A_311 = arith.andi %squeeze3A_307, %and3A_310 : i32
      %mul3A_312 = arith.constant 16 : i32
      %mul3A_313 = arith.muli %scan3A_39, %mul3A_312 : i32
      %add3A_314 = arith.constant 256 : i32
      %add3A_315 = arith.addi %add3A_314, %mul3A_313 : i32
      %add3A_316 = arith.constant 11 : i32
      %add3A_317 = arith.addi %add3A_315, %add3A_316 : i32
      %dma_start3A_318 = arith.constant 0 : i32
      %dma_start3A_319 = tpu.memref_slice %arg6[%add3A_317, %dma_start3A_318] : memref<512x32xf32, #tpu.memory_space<vmem>> -> memref<1x32xf32, #tpu.memory_space<vmem>>
      %dma_start3A_320 = tpu.memref_squeeze %dma_start3A_319 : memref<1x32xf32, #tpu.memory_space<vmem>> -> memref<32xf32, #tpu.memory_space<vmem>>
      %dma_start3A_321 = arith.constant 0 : i32
      %dma_start3A_322 = tpu.memref_slice %arg2[%shift_right_logical3A_309, %and3A_311, %dma_start3A_321] : memref<125000x8x32xf32, #tpu.memory_space<hbm>> -> memref<1x1x32xf32, #tpu.memory_space<hbm>>
      %dma_start3A_323 = tpu.memref_squeeze %dma_start3A_322 : memref<1x1x32xf32, #tpu.memory_space<hbm>> -> memref<32xf32, #tpu.memory_space<hbm>>
      %dma_start3A_324 = arith.constant 0 : i32
      %dma_start3A_325 = tpu.memref_slice %arg6[%add3A_317, %dma_start3A_324] : memref<512x32xf32, #tpu.memory_space<vmem>> -> memref<1x32xf32, #tpu.memory_space<vmem>>
      %dma_start3A_326 = tpu.memref_squeeze %dma_start3A_325 : memref<1x32xf32, #tpu.memory_space<vmem>> -> memref<32xf32, #tpu.memory_space<vmem>>
      %dma_start3A_327 = arith.constant 0 : i32
      %dma_start3A_328 = tpu.memref_slice %arg2[%shift_right_logical3A_309, %and3A_311, %dma_start3A_327] : memref<125000x8x32xf32, #tpu.memory_space<hbm>> -> memref<1x1x32xf32, #tpu.memory_space<hbm>>
      %dma_start3A_329 = tpu.memref_squeeze %dma_start3A_328 : memref<1x1x32xf32, #tpu.memory_space<hbm>> -> memref<32xf32, #tpu.memory_space<hbm>>
      tpu.enqueue_dma source(%dma_start3A_329 : memref<32xf32, #tpu.memory_space<hbm>>) target(%dma_start3A_326 : memref<32xf32, #tpu.memory_space<vmem>>) target_semaphore(%arg7 : memref<!tpu.dma_semaphore, #tpu.memory_space<semaphore_mem>>)
      %slice3A_330 = vector.extract_strided_slice %get3A_46 {offsets = [12], sizes = [1], strides = [1]} : vector<16xi32> to vector<1xi32>
      %squeeze3A_331 = vector.extract %slice3A_330[0] : i32 from vector<1xi32>
      %shift_right_logical3A_332 = arith.constant 3 : i32
      %shift_right_logical3A_333 = arith.shrui %squeeze3A_331, %shift_right_logical3A_332 : i32
      %and3A_334 = arith.constant 7 : i32
      %and3A_335 = arith.andi %squeeze3A_331, %and3A_334 : i32
      %mul3A_336 = arith.constant 16 : i32
      %mul3A_337 = arith.muli %scan3A_39, %mul3A_336 : i32
      %add3A_338 = arith.constant 256 : i32
      %add3A_339 = arith.addi %add3A_338, %mul3A_337 : i32
      %add3A_340 = arith.constant 12 : i32
      %add3A_341 = arith.addi %add3A_339, %add3A_340 : i32
      %dma_start3A_342 = arith.constant 0 : i32
      %dma_start3A_343 = tpu.memref_slice %arg6[%add3A_341, %dma_start3A_342] : memref<512x32xf32, #tpu.memory_space<vmem>> -> memref<1x32xf32, #tpu.memory_space<vmem>>
      %dma_start3A_344 = tpu.memref_squeeze %dma_start3A_343 : memref<1x32xf32, #tpu.memory_space<vmem>> -> memref<32xf32, #tpu.memory_space<vmem>>
      %dma_start3A_345 = arith.constant 0 : i32
      %dma_start3A_346 = tpu.memref_slice %arg2[%shift_right_logical3A_333, %and3A_335, %dma_start3A_345] : memref<125000x8x32xf32, #tpu.memory_space<hbm>> -> memref<1x1x32xf32, #tpu.memory_space<hbm>>
      %dma_start3A_347 = tpu.memref_squeeze %dma_start3A_346 : memref<1x1x32xf32, #tpu.memory_space<hbm>> -> memref<32xf32, #tpu.memory_space<hbm>>
      %dma_start3A_348 = arith.constant 0 : i32
      %dma_start3A_349 = tpu.memref_slice %arg6[%add3A_341, %dma_start3A_348] : memref<512x32xf32, #tpu.memory_space<vmem>> -> memref<1x32xf32, #tpu.memory_space<vmem>>
      %dma_start3A_350 = tpu.memref_squeeze %dma_start3A_349 : memref<1x32xf32, #tpu.memory_space<vmem>> -> memref<32xf32, #tpu.memory_space<vmem>>
      %dma_start3A_351 = arith.constant 0 : i32
      %dma_start3A_352 = tpu.memref_slice %arg2[%shift_right_logical3A_333, %and3A_335, %dma_start3A_351] : memref<125000x8x32xf32, #tpu.memory_space<hbm>> -> memref<1x1x32xf32, #tpu.memory_space<hbm>>
      %dma_start3A_353 = tpu.memref_squeeze %dma_start3A_352 : memref<1x1x32xf32, #tpu.memory_space<hbm>> -> memref<32xf32, #tpu.memory_space<hbm>>
      tpu.enqueue_dma source(%dma_start3A_353 : memref<32xf32, #tpu.memory_space<hbm>>) target(%dma_start3A_350 : memref<32xf32, #tpu.memory_space<vmem>>) target_semaphore(%arg7 : memref<!tpu.dma_semaphore, #tpu.memory_space<semaphore_mem>>)
      %slice3A_354 = vector.extract_strided_slice %get3A_46 {offsets = [13], sizes = [1], strides = [1]} : vector<16xi32> to vector<1xi32>
      %squeeze3A_355 = vector.extract %slice3A_354[0] : i32 from vector<1xi32>
      %shift_right_logical3A_356 = arith.constant 3 : i32
      %shift_right_logical3A_357 = arith.shrui %squeeze3A_355, %shift_right_logical3A_356 : i32
      %and3A_358 = arith.constant 7 : i32
      %and3A_359 = arith.andi %squeeze3A_355, %and3A_358 : i32
      %mul3A_360 = arith.constant 16 : i32
      %mul3A_361 = arith.muli %scan3A_39, %mul3A_360 : i32
      %add3A_362 = arith.constant 256 : i32
      %add3A_363 = arith.addi %add3A_362, %mul3A_361 : i32
      %add3A_364 = arith.constant 13 : i32
      %add3A_365 = arith.addi %add3A_363, %add3A_364 : i32
      %dma_start3A_366 = arith.constant 0 : i32
      %dma_start3A_367 = tpu.memref_slice %arg6[%add3A_365, %dma_start3A_366] : memref<512x32xf32, #tpu.memory_space<vmem>> -> memref<1x32xf32, #tpu.memory_space<vmem>>
      %dma_start3A_368 = tpu.memref_squeeze %dma_start3A_367 : memref<1x32xf32, #tpu.memory_space<vmem>> -> memref<32xf32, #tpu.memory_space<vmem>>
      %dma_start3A_369 = arith.constant 0 : i32
      %dma_start3A_370 = tpu.memref_slice %arg2[%shift_right_logical3A_357, %and3A_359, %dma_start3A_369] : memref<125000x8x32xf32, #tpu.memory_space<hbm>> -> memref<1x1x32xf32, #tpu.memory_space<hbm>>
      %dma_start3A_371 = tpu.memref_squeeze %dma_start3A_370 : memref<1x1x32xf32, #tpu.memory_space<hbm>> -> memref<32xf32, #tpu.memory_space<hbm>>
      %dma_start3A_372 = arith.constant 0 : i32
      %dma_start3A_373 = tpu.memref_slice %arg6[%add3A_365, %dma_start3A_372] : memref<512x32xf32, #tpu.memory_space<vmem>> -> memref<1x32xf32, #tpu.memory_space<vmem>>
      %dma_start3A_374 = tpu.memref_squeeze %dma_start3A_373 : memref<1x32xf32, #tpu.memory_space<vmem>> -> memref<32xf32, #tpu.memory_space<vmem>>
      %dma_start3A_375 = arith.constant 0 : i32
      %dma_start3A_376 = tpu.memref_slice %arg2[%shift_right_logical3A_357, %and3A_359, %dma_start3A_375] : memref<125000x8x32xf32, #tpu.memory_space<hbm>> -> memref<1x1x32xf32, #tpu.memory_space<hbm>>
      %dma_start3A_377 = tpu.memref_squeeze %dma_start3A_376 : memref<1x1x32xf32, #tpu.memory_space<hbm>> -> memref<32xf32, #tpu.memory_space<hbm>>
      tpu.enqueue_dma source(%dma_start3A_377 : memref<32xf32, #tpu.memory_space<hbm>>) target(%dma_start3A_374 : memref<32xf32, #tpu.memory_space<vmem>>) target_semaphore(%arg7 : memref<!tpu.dma_semaphore, #tpu.memory_space<semaphore_mem>>)
      %slice3A_378 = vector.extract_strided_slice %get3A_46 {offsets = [14], sizes = [1], strides = [1]} : vector<16xi32> to vector<1xi32>
      %squeeze3A_379 = vector.extract %slice3A_378[0] : i32 from vector<1xi32>
      %shift_right_logical3A_380 = arith.constant 3 : i32
      %shift_right_logical3A_381 = arith.shrui %squeeze3A_379, %shift_right_logical3A_380 : i32
      %and3A_382 = arith.constant 7 : i32
      %and3A_383 = arith.andi %squeeze3A_379, %and3A_382 : i32
      %mul3A_384 = arith.constant 16 : i32
      %mul3A_385 = arith.muli %scan3A_39, %mul3A_384 : i32
      %add3A_386 = arith.constant 256 : i32
      %add3A_387 = arith.addi %add3A_386, %mul3A_385 : i32
      %add3A_388 = arith.constant 14 : i32
      %add3A_389 = arith.addi %add3A_387, %add3A_388 : i32
      %dma_start3A_390 = arith.constant 0 : i32
      %dma_start3A_391 = tpu.memref_slice %arg6[%add3A_389, %dma_start3A_390] : memref<512x32xf32, #tpu.memory_space<vmem>> -> memref<1x32xf32, #tpu.memory_space<vmem>>
      %dma_start3A_392 = tpu.memref_squeeze %dma_start3A_391 : memref<1x32xf32, #tpu.memory_space<vmem>> -> memref<32xf32, #tpu.memory_space<vmem>>
      %dma_start3A_393 = arith.constant 0 : i32
      %dma_start3A_394 = tpu.memref_slice %arg2[%shift_right_logical3A_381, %and3A_383, %dma_start3A_393] : memref<125000x8x32xf32, #tpu.memory_space<hbm>> -> memref<1x1x32xf32, #tpu.memory_space<hbm>>
      %dma_start3A_395 = tpu.memref_squeeze %dma_start3A_394 : memref<1x1x32xf32, #tpu.memory_space<hbm>> -> memref<32xf32, #tpu.memory_space<hbm>>
      %dma_start3A_396 = arith.constant 0 : i32
      %dma_start3A_397 = tpu.memref_slice %arg6[%add3A_389, %dma_start3A_396] : memref<512x32xf32, #tpu.memory_space<vmem>> -> memref<1x32xf32, #tpu.memory_space<vmem>>
      %dma_start3A_398 = tpu.memref_squeeze %dma_start3A_397 : memref<1x32xf32, #tpu.memory_space<vmem>> -> memref<32xf32, #tpu.memory_space<vmem>>
      %dma_start3A_399 = arith.constant 0 : i32
      %dma_start3A_400 = tpu.memref_slice %arg2[%shift_right_logical3A_381, %and3A_383, %dma_start3A_399] : memref<125000x8x32xf32, #tpu.memory_space<hbm>> -> memref<1x1x32xf32, #tpu.memory_space<hbm>>
      %dma_start3A_401 = tpu.memref_squeeze %dma_start3A_400 : memref<1x1x32xf32, #tpu.memory_space<hbm>> -> memref<32xf32, #tpu.memory_space<hbm>>
      tpu.enqueue_dma source(%dma_start3A_401 : memref<32xf32, #tpu.memory_space<hbm>>) target(%dma_start3A_398 : memref<32xf32, #tpu.memory_space<vmem>>) target_semaphore(%arg7 : memref<!tpu.dma_semaphore, #tpu.memory_space<semaphore_mem>>)
      %slice3A_402 = vector.extract_strided_slice %get3A_46 {offsets = [15], sizes = [1], strides = [1]} : vector<16xi32> to vector<1xi32>
      %squeeze3A_403 = vector.extract %slice3A_402[0] : i32 from vector<1xi32>
      %shift_right_logical3A_404 = arith.constant 3 : i32
      %shift_right_logical3A_405 = arith.shrui %squeeze3A_403, %shift_right_logical3A_404 : i32
      %and3A_406 = arith.constant 7 : i32
      %and3A_407 = arith.andi %squeeze3A_403, %and3A_406 : i32
      %mul3A_408 = arith.constant 16 : i32
      %mul3A_409 = arith.muli %scan3A_39, %mul3A_408 : i32
      %add3A_410 = arith.constant 256 : i32
      %add3A_411 = arith.addi %add3A_410, %mul3A_409 : i32
      %add3A_412 = arith.constant 15 : i32
      %add3A_413 = arith.addi %add3A_411, %add3A_412 : i32
      %dma_start3A_414 = arith.constant 0 : i32
      %dma_start3A_415 = tpu.memref_slice %arg6[%add3A_413, %dma_start3A_414] : memref<512x32xf32, #tpu.memory_space<vmem>> -> memref<1x32xf32, #tpu.memory_space<vmem>>
      %dma_start3A_416 = tpu.memref_squeeze %dma_start3A_415 : memref<1x32xf32, #tpu.memory_space<vmem>> -> memref<32xf32, #tpu.memory_space<vmem>>
      %dma_start3A_417 = arith.constant 0 : i32
      %dma_start3A_418 = tpu.memref_slice %arg2[%shift_right_logical3A_405, %and3A_407, %dma_start3A_417] : memref<125000x8x32xf32, #tpu.memory_space<hbm>> -> memref<1x1x32xf32, #tpu.memory_space<hbm>>
      %dma_start3A_419 = tpu.memref_squeeze %dma_start3A_418 : memref<1x1x32xf32, #tpu.memory_space<hbm>> -> memref<32xf32, #tpu.memory_space<hbm>>
      %dma_start3A_420 = arith.constant 0 : i32
      %dma_start3A_421 = tpu.memref_slice %arg6[%add3A_413, %dma_start3A_420] : memref<512x32xf32, #tpu.memory_space<vmem>> -> memref<1x32xf32, #tpu.memory_space<vmem>>
      %dma_start3A_422 = tpu.memref_squeeze %dma_start3A_421 : memref<1x32xf32, #tpu.memory_space<vmem>> -> memref<32xf32, #tpu.memory_space<vmem>>
      %dma_start3A_423 = arith.constant 0 : i32
      %dma_start3A_424 = tpu.memref_slice %arg2[%shift_right_logical3A_405, %and3A_407, %dma_start3A_423] : memref<125000x8x32xf32, #tpu.memory_space<hbm>> -> memref<1x1x32xf32, #tpu.memory_space<hbm>>
      %dma_start3A_425 = tpu.memref_squeeze %dma_start3A_424 : memref<1x1x32xf32, #tpu.memory_space<hbm>> -> memref<32xf32, #tpu.memory_space<hbm>>
      tpu.enqueue_dma source(%dma_start3A_425 : memref<32xf32, #tpu.memory_space<hbm>>) target(%dma_start3A_422 : memref<32xf32, #tpu.memory_space<vmem>>) target_semaphore(%arg7 : memref<!tpu.dma_semaphore, #tpu.memory_space<semaphore_mem>>)
      %scan3A_426 = arith.constant 0 : i32
      scf.yield %scan3A_426 : i32
    }
    %scan3A_22 = arith.constant 8 : i32
    %scan3A_23 = arith.constant 0 : i32
    %scan3A_24 = arith.constant 0 : i32
    %scan3A_25 = arith.constant 8 : i32
    %scan3A_26 = arith.addi %scan3A_24, %scan3A_25 : i32
    %scan3A_27 = arith.constant 1 : i32
    %scan3A_28 = scf.for %scan3A_39 = %scan3A_24 to %scan3A_26 step %scan3A_27 iter_args(%scan3A_40 = %scan3A_23) -> (i32)  : i32 {
      %mul3A_41 = arith.constant 16 : i32
      %mul3A_42 = arith.muli %scan3A_39, %mul3A_41 : i32
      %get3A = arith.constant 3 : i32
      %get3A_43 = arith.index_cast %get3A : i32 to index
      %get3A_44 = arith.index_cast %mul3A_42 : i32 to index
      %get3A_45 = tpu.vector_load %arg5[%get3A_43, %get3A_44] {strides = array<i32>} : memref<4x128xi32, #tpu.memory_space<vmem>>, vector<1x16xi32>,
      %get3A_46 = vector.shape_cast %get3A_45 : vector<1x16xi32> to vector<16xi32>
      %slice3A = vector.extract_strided_slice %get3A_46 {offsets = [0], sizes = [1], strides = [1]} : vector<16xi32> to vector<1xi32>
      %squeeze3A = vector.extract %slice3A[0] : i32 from vector<1xi32>
      %shift_right_logical3A = arith.constant 3 : i32
      %shift_right_logical3A_47 = arith.shrui %squeeze3A, %shift_right_logical3A : i32
      %and3A = arith.constant 7 : i32
      %and3A_48 = arith.andi %squeeze3A, %and3A : i32
      %mul3A_49 = arith.constant 16 : i32
      %mul3A_50 = arith.muli %scan3A_39, %mul3A_49 : i32
      %add3A_51 = arith.constant 384 : i32
      %add3A_52 = arith.addi %add3A_51, %mul3A_50 : i32
      %add3A_53 = arith.constant 0 : i32
      %add3A_54 = arith.addi %add3A_52, %add3A_53 : i32
      %dma_start3A = arith.constant 0 : i32
      %dma_start3A_55 = tpu.memref_slice %arg6[%add3A_54, %dma_start3A] : memref<512x32xf32, #tpu.memory_space<vmem>> -> memref<1x32xf32, #tpu.memory_space<vmem>>
      %dma_start3A_56 = tpu.memref_squeeze %dma_start3A_55 : memref<1x32xf32, #tpu.memory_space<vmem>> -> memref<32xf32, #tpu.memory_space<vmem>>
      %dma_start3A_57 = arith.constant 0 : i32
      %dma_start3A_58 = tpu.memref_slice %arg2[%shift_right_logical3A_47, %and3A_48, %dma_start3A_57] : memref<125000x8x32xf32, #tpu.memory_space<hbm>> -> memref<1x1x32xf32, #tpu.memory_space<hbm>>
      %dma_start3A_59 = tpu.memref_squeeze %dma_start3A_58 : memref<1x1x32xf32, #tpu.memory_space<hbm>> -> memref<32xf32, #tpu.memory_space<hbm>>
      %dma_start3A_60 = arith.constant 0 : i32
      %dma_start3A_61 = tpu.memref_slice %arg6[%add3A_54, %dma_start3A_60] : memref<512x32xf32, #tpu.memory_space<vmem>> -> memref<1x32xf32, #tpu.memory_space<vmem>>
      %dma_start3A_62 = tpu.memref_squeeze %dma_start3A_61 : memref<1x32xf32, #tpu.memory_space<vmem>> -> memref<32xf32, #tpu.memory_space<vmem>>
      %dma_start3A_63 = arith.constant 0 : i32
      %dma_start3A_64 = tpu.memref_slice %arg2[%shift_right_logical3A_47, %and3A_48, %dma_start3A_63] : memref<125000x8x32xf32, #tpu.memory_space<hbm>> -> memref<1x1x32xf32, #tpu.memory_space<hbm>>
      %dma_start3A_65 = tpu.memref_squeeze %dma_start3A_64 : memref<1x1x32xf32, #tpu.memory_space<hbm>> -> memref<32xf32, #tpu.memory_space<hbm>>
      tpu.enqueue_dma source(%dma_start3A_65 : memref<32xf32, #tpu.memory_space<hbm>>) target(%dma_start3A_62 : memref<32xf32, #tpu.memory_space<vmem>>) target_semaphore(%arg7 : memref<!tpu.dma_semaphore, #tpu.memory_space<semaphore_mem>>)
      %slice3A_66 = vector.extract_strided_slice %get3A_46 {offsets = [1], sizes = [1], strides = [1]} : vector<16xi32> to vector<1xi32>
      %squeeze3A_67 = vector.extract %slice3A_66[0] : i32 from vector<1xi32>
      %shift_right_logical3A_68 = arith.constant 3 : i32
      %shift_right_logical3A_69 = arith.shrui %squeeze3A_67, %shift_right_logical3A_68 : i32
      %and3A_70 = arith.constant 7 : i32
      %and3A_71 = arith.andi %squeeze3A_67, %and3A_70 : i32
      %mul3A_72 = arith.constant 16 : i32
      %mul3A_73 = arith.muli %scan3A_39, %mul3A_72 : i32
      %add3A_74 = arith.constant 384 : i32
      %add3A_75 = arith.addi %add3A_74, %mul3A_73 : i32
      %add3A_76 = arith.constant 1 : i32
      %add3A_77 = arith.addi %add3A_75, %add3A_76 : i32
      %dma_start3A_78 = arith.constant 0 : i32
      %dma_start3A_79 = tpu.memref_slice %arg6[%add3A_77, %dma_start3A_78] : memref<512x32xf32, #tpu.memory_space<vmem>> -> memref<1x32xf32, #tpu.memory_space<vmem>>
      %dma_start3A_80 = tpu.memref_squeeze %dma_start3A_79 : memref<1x32xf32, #tpu.memory_space<vmem>> -> memref<32xf32, #tpu.memory_space<vmem>>
      %dma_start3A_81 = arith.constant 0 : i32
      %dma_start3A_82 = tpu.memref_slice %arg2[%shift_right_logical3A_69, %and3A_71, %dma_start3A_81] : memref<125000x8x32xf32, #tpu.memory_space<hbm>> -> memref<1x1x32xf32, #tpu.memory_space<hbm>>
      %dma_start3A_83 = tpu.memref_squeeze %dma_start3A_82 : memref<1x1x32xf32, #tpu.memory_space<hbm>> -> memref<32xf32, #tpu.memory_space<hbm>>
      %dma_start3A_84 = arith.constant 0 : i32
      %dma_start3A_85 = tpu.memref_slice %arg6[%add3A_77, %dma_start3A_84] : memref<512x32xf32, #tpu.memory_space<vmem>> -> memref<1x32xf32, #tpu.memory_space<vmem>>
      %dma_start3A_86 = tpu.memref_squeeze %dma_start3A_85 : memref<1x32xf32, #tpu.memory_space<vmem>> -> memref<32xf32, #tpu.memory_space<vmem>>
      %dma_start3A_87 = arith.constant 0 : i32
      %dma_start3A_88 = tpu.memref_slice %arg2[%shift_right_logical3A_69, %and3A_71, %dma_start3A_87] : memref<125000x8x32xf32, #tpu.memory_space<hbm>> -> memref<1x1x32xf32, #tpu.memory_space<hbm>>
      %dma_start3A_89 = tpu.memref_squeeze %dma_start3A_88 : memref<1x1x32xf32, #tpu.memory_space<hbm>> -> memref<32xf32, #tpu.memory_space<hbm>>
      tpu.enqueue_dma source(%dma_start3A_89 : memref<32xf32, #tpu.memory_space<hbm>>) target(%dma_start3A_86 : memref<32xf32, #tpu.memory_space<vmem>>) target_semaphore(%arg7 : memref<!tpu.dma_semaphore, #tpu.memory_space<semaphore_mem>>)
      %slice3A_90 = vector.extract_strided_slice %get3A_46 {offsets = [2], sizes = [1], strides = [1]} : vector<16xi32> to vector<1xi32>
      %squeeze3A_91 = vector.extract %slice3A_90[0] : i32 from vector<1xi32>
      %shift_right_logical3A_92 = arith.constant 3 : i32
      %shift_right_logical3A_93 = arith.shrui %squeeze3A_91, %shift_right_logical3A_92 : i32
      %and3A_94 = arith.constant 7 : i32
      %and3A_95 = arith.andi %squeeze3A_91, %and3A_94 : i32
      %mul3A_96 = arith.constant 16 : i32
      %mul3A_97 = arith.muli %scan3A_39, %mul3A_96 : i32
      %add3A_98 = arith.constant 384 : i32
      %add3A_99 = arith.addi %add3A_98, %mul3A_97 : i32
      %add3A_100 = arith.constant 2 : i32
      %add3A_101 = arith.addi %add3A_99, %add3A_100 : i32
      %dma_start3A_102 = arith.constant 0 : i32
      %dma_start3A_103 = tpu.memref_slice %arg6[%add3A_101, %dma_start3A_102] : memref<512x32xf32, #tpu.memory_space<vmem>> -> memref<1x32xf32, #tpu.memory_space<vmem>>
      %dma_start3A_104 = tpu.memref_squeeze %dma_start3A_103 : memref<1x32xf32, #tpu.memory_space<vmem>> -> memref<32xf32, #tpu.memory_space<vmem>>
      %dma_start3A_105 = arith.constant 0 : i32
      %dma_start3A_106 = tpu.memref_slice %arg2[%shift_right_logical3A_93, %and3A_95, %dma_start3A_105] : memref<125000x8x32xf32, #tpu.memory_space<hbm>> -> memref<1x1x32xf32, #tpu.memory_space<hbm>>
      %dma_start3A_107 = tpu.memref_squeeze %dma_start3A_106 : memref<1x1x32xf32, #tpu.memory_space<hbm>> -> memref<32xf32, #tpu.memory_space<hbm>>
      %dma_start3A_108 = arith.constant 0 : i32
      %dma_start3A_109 = tpu.memref_slice %arg6[%add3A_101, %dma_start3A_108] : memref<512x32xf32, #tpu.memory_space<vmem>> -> memref<1x32xf32, #tpu.memory_space<vmem>>
      %dma_start3A_110 = tpu.memref_squeeze %dma_start3A_109 : memref<1x32xf32, #tpu.memory_space<vmem>> -> memref<32xf32, #tpu.memory_space<vmem>>
      %dma_start3A_111 = arith.constant 0 : i32
      %dma_start3A_112 = tpu.memref_slice %arg2[%shift_right_logical3A_93, %and3A_95, %dma_start3A_111] : memref<125000x8x32xf32, #tpu.memory_space<hbm>> -> memref<1x1x32xf32, #tpu.memory_space<hbm>>
      %dma_start3A_113 = tpu.memref_squeeze %dma_start3A_112 : memref<1x1x32xf32, #tpu.memory_space<hbm>> -> memref<32xf32, #tpu.memory_space<hbm>>
      tpu.enqueue_dma source(%dma_start3A_113 : memref<32xf32, #tpu.memory_space<hbm>>) target(%dma_start3A_110 : memref<32xf32, #tpu.memory_space<vmem>>) target_semaphore(%arg7 : memref<!tpu.dma_semaphore, #tpu.memory_space<semaphore_mem>>)
      %slice3A_114 = vector.extract_strided_slice %get3A_46 {offsets = [3], sizes = [1], strides = [1]} : vector<16xi32> to vector<1xi32>
      %squeeze3A_115 = vector.extract %slice3A_114[0] : i32 from vector<1xi32>
      %shift_right_logical3A_116 = arith.constant 3 : i32
      %shift_right_logical3A_117 = arith.shrui %squeeze3A_115, %shift_right_logical3A_116 : i32
      %and3A_118 = arith.constant 7 : i32
      %and3A_119 = arith.andi %squeeze3A_115, %and3A_118 : i32
      %mul3A_120 = arith.constant 16 : i32
      %mul3A_121 = arith.muli %scan3A_39, %mul3A_120 : i32
      %add3A_122 = arith.constant 384 : i32
      %add3A_123 = arith.addi %add3A_122, %mul3A_121 : i32
      %add3A_124 = arith.constant 3 : i32
      %add3A_125 = arith.addi %add3A_123, %add3A_124 : i32
      %dma_start3A_126 = arith.constant 0 : i32
      %dma_start3A_127 = tpu.memref_slice %arg6[%add3A_125, %dma_start3A_126] : memref<512x32xf32, #tpu.memory_space<vmem>> -> memref<1x32xf32, #tpu.memory_space<vmem>>
      %dma_start3A_128 = tpu.memref_squeeze %dma_start3A_127 : memref<1x32xf32, #tpu.memory_space<vmem>> -> memref<32xf32, #tpu.memory_space<vmem>>
      %dma_start3A_129 = arith.constant 0 : i32
      %dma_start3A_130 = tpu.memref_slice %arg2[%shift_right_logical3A_117, %and3A_119, %dma_start3A_129] : memref<125000x8x32xf32, #tpu.memory_space<hbm>> -> memref<1x1x32xf32, #tpu.memory_space<hbm>>
      %dma_start3A_131 = tpu.memref_squeeze %dma_start3A_130 : memref<1x1x32xf32, #tpu.memory_space<hbm>> -> memref<32xf32, #tpu.memory_space<hbm>>
      %dma_start3A_132 = arith.constant 0 : i32
      %dma_start3A_133 = tpu.memref_slice %arg6[%add3A_125, %dma_start3A_132] : memref<512x32xf32, #tpu.memory_space<vmem>> -> memref<1x32xf32, #tpu.memory_space<vmem>>
      %dma_start3A_134 = tpu.memref_squeeze %dma_start3A_133 : memref<1x32xf32, #tpu.memory_space<vmem>> -> memref<32xf32, #tpu.memory_space<vmem>>
      %dma_start3A_135 = arith.constant 0 : i32
      %dma_start3A_136 = tpu.memref_slice %arg2[%shift_right_logical3A_117, %and3A_119, %dma_start3A_135] : memref<125000x8x32xf32, #tpu.memory_space<hbm>> -> memref<1x1x32xf32, #tpu.memory_space<hbm>>
      %dma_start3A_137 = tpu.memref_squeeze %dma_start3A_136 : memref<1x1x32xf32, #tpu.memory_space<hbm>> -> memref<32xf32, #tpu.memory_space<hbm>>
      tpu.enqueue_dma source(%dma_start3A_137 : memref<32xf32, #tpu.memory_space<hbm>>) target(%dma_start3A_134 : memref<32xf32, #tpu.memory_space<vmem>>) target_semaphore(%arg7 : memref<!tpu.dma_semaphore, #tpu.memory_space<semaphore_mem>>)
      %slice3A_138 = vector.extract_strided_slice %get3A_46 {offsets = [4], sizes = [1], strides = [1]} : vector<16xi32> to vector<1xi32>
      %squeeze3A_139 = vector.extract %slice3A_138[0] : i32 from vector<1xi32>
      %shift_right_logical3A_140 = arith.constant 3 : i32
      %shift_right_logical3A_141 = arith.shrui %squeeze3A_139, %shift_right_logical3A_140 : i32
      %and3A_142 = arith.constant 7 : i32
      %and3A_143 = arith.andi %squeeze3A_139, %and3A_142 : i32
      %mul3A_144 = arith.constant 16 : i32
      %mul3A_145 = arith.muli %scan3A_39, %mul3A_144 : i32
      %add3A_146 = arith.constant 384 : i32
      %add3A_147 = arith.addi %add3A_146, %mul3A_145 : i32
      %add3A_148 = arith.constant 4 : i32
      %add3A_149 = arith.addi %add3A_147, %add3A_148 : i32
      %dma_start3A_150 = arith.constant 0 : i32
      %dma_start3A_151 = tpu.memref_slice %arg6[%add3A_149, %dma_start3A_150] : memref<512x32xf32, #tpu.memory_space<vmem>> -> memref<1x32xf32, #tpu.memory_space<vmem>>
      %dma_start3A_152 = tpu.memref_squeeze %dma_start3A_151 : memref<1x32xf32, #tpu.memory_space<vmem>> -> memref<32xf32, #tpu.memory_space<vmem>>
      %dma_start3A_153 = arith.constant 0 : i32
      %dma_start3A_154 = tpu.memref_slice %arg2[%shift_right_logical3A_141, %and3A_143, %dma_start3A_153] : memref<125000x8x32xf32, #tpu.memory_space<hbm>> -> memref<1x1x32xf32, #tpu.memory_space<hbm>>
      %dma_start3A_155 = tpu.memref_squeeze %dma_start3A_154 : memref<1x1x32xf32, #tpu.memory_space<hbm>> -> memref<32xf32, #tpu.memory_space<hbm>>
      %dma_start3A_156 = arith.constant 0 : i32
      %dma_start3A_157 = tpu.memref_slice %arg6[%add3A_149, %dma_start3A_156] : memref<512x32xf32, #tpu.memory_space<vmem>> -> memref<1x32xf32, #tpu.memory_space<vmem>>
      %dma_start3A_158 = tpu.memref_squeeze %dma_start3A_157 : memref<1x32xf32, #tpu.memory_space<vmem>> -> memref<32xf32, #tpu.memory_space<vmem>>
      %dma_start3A_159 = arith.constant 0 : i32
      %dma_start3A_160 = tpu.memref_slice %arg2[%shift_right_logical3A_141, %and3A_143, %dma_start3A_159] : memref<125000x8x32xf32, #tpu.memory_space<hbm>> -> memref<1x1x32xf32, #tpu.memory_space<hbm>>
      %dma_start3A_161 = tpu.memref_squeeze %dma_start3A_160 : memref<1x1x32xf32, #tpu.memory_space<hbm>> -> memref<32xf32, #tpu.memory_space<hbm>>
      tpu.enqueue_dma source(%dma_start3A_161 : memref<32xf32, #tpu.memory_space<hbm>>) target(%dma_start3A_158 : memref<32xf32, #tpu.memory_space<vmem>>) target_semaphore(%arg7 : memref<!tpu.dma_semaphore, #tpu.memory_space<semaphore_mem>>)
      %slice3A_162 = vector.extract_strided_slice %get3A_46 {offsets = [5], sizes = [1], strides = [1]} : vector<16xi32> to vector<1xi32>
      %squeeze3A_163 = vector.extract %slice3A_162[0] : i32 from vector<1xi32>
      %shift_right_logical3A_164 = arith.constant 3 : i32
      %shift_right_logical3A_165 = arith.shrui %squeeze3A_163, %shift_right_logical3A_164 : i32
      %and3A_166 = arith.constant 7 : i32
      %and3A_167 = arith.andi %squeeze3A_163, %and3A_166 : i32
      %mul3A_168 = arith.constant 16 : i32
      %mul3A_169 = arith.muli %scan3A_39, %mul3A_168 : i32
      %add3A_170 = arith.constant 384 : i32
      %add3A_171 = arith.addi %add3A_170, %mul3A_169 : i32
      %add3A_172 = arith.constant 5 : i32
      %add3A_173 = arith.addi %add3A_171, %add3A_172 : i32
      %dma_start3A_174 = arith.constant 0 : i32
      %dma_start3A_175 = tpu.memref_slice %arg6[%add3A_173, %dma_start3A_174] : memref<512x32xf32, #tpu.memory_space<vmem>> -> memref<1x32xf32, #tpu.memory_space<vmem>>
      %dma_start3A_176 = tpu.memref_squeeze %dma_start3A_175 : memref<1x32xf32, #tpu.memory_space<vmem>> -> memref<32xf32, #tpu.memory_space<vmem>>
      %dma_start3A_177 = arith.constant 0 : i32
      %dma_start3A_178 = tpu.memref_slice %arg2[%shift_right_logical3A_165, %and3A_167, %dma_start3A_177] : memref<125000x8x32xf32, #tpu.memory_space<hbm>> -> memref<1x1x32xf32, #tpu.memory_space<hbm>>
      %dma_start3A_179 = tpu.memref_squeeze %dma_start3A_178 : memref<1x1x32xf32, #tpu.memory_space<hbm>> -> memref<32xf32, #tpu.memory_space<hbm>>
      %dma_start3A_180 = arith.constant 0 : i32
      %dma_start3A_181 = tpu.memref_slice %arg6[%add3A_173, %dma_start3A_180] : memref<512x32xf32, #tpu.memory_space<vmem>> -> memref<1x32xf32, #tpu.memory_space<vmem>>
      %dma_start3A_182 = tpu.memref_squeeze %dma_start3A_181 : memref<1x32xf32, #tpu.memory_space<vmem>> -> memref<32xf32, #tpu.memory_space<vmem>>
      %dma_start3A_183 = arith.constant 0 : i32
      %dma_start3A_184 = tpu.memref_slice %arg2[%shift_right_logical3A_165, %and3A_167, %dma_start3A_183] : memref<125000x8x32xf32, #tpu.memory_space<hbm>> -> memref<1x1x32xf32, #tpu.memory_space<hbm>>
      %dma_start3A_185 = tpu.memref_squeeze %dma_start3A_184 : memref<1x1x32xf32, #tpu.memory_space<hbm>> -> memref<32xf32, #tpu.memory_space<hbm>>
      tpu.enqueue_dma source(%dma_start3A_185 : memref<32xf32, #tpu.memory_space<hbm>>) target(%dma_start3A_182 : memref<32xf32, #tpu.memory_space<vmem>>) target_semaphore(%arg7 : memref<!tpu.dma_semaphore, #tpu.memory_space<semaphore_mem>>)
      %slice3A_186 = vector.extract_strided_slice %get3A_46 {offsets = [6], sizes = [1], strides = [1]} : vector<16xi32> to vector<1xi32>
      %squeeze3A_187 = vector.extract %slice3A_186[0] : i32 from vector<1xi32>
      %shift_right_logical3A_188 = arith.constant 3 : i32
      %shift_right_logical3A_189 = arith.shrui %squeeze3A_187, %shift_right_logical3A_188 : i32
      %and3A_190 = arith.constant 7 : i32
      %and3A_191 = arith.andi %squeeze3A_187, %and3A_190 : i32
      %mul3A_192 = arith.constant 16 : i32
      %mul3A_193 = arith.muli %scan3A_39, %mul3A_192 : i32
      %add3A_194 = arith.constant 384 : i32
      %add3A_195 = arith.addi %add3A_194, %mul3A_193 : i32
      %add3A_196 = arith.constant 6 : i32
      %add3A_197 = arith.addi %add3A_195, %add3A_196 : i32
      %dma_start3A_198 = arith.constant 0 : i32
      %dma_start3A_199 = tpu.memref_slice %arg6[%add3A_197, %dma_start3A_198] : memref<512x32xf32, #tpu.memory_space<vmem>> -> memref<1x32xf32, #tpu.memory_space<vmem>>
      %dma_start3A_200 = tpu.memref_squeeze %dma_start3A_199 : memref<1x32xf32, #tpu.memory_space<vmem>> -> memref<32xf32, #tpu.memory_space<vmem>>
      %dma_start3A_201 = arith.constant 0 : i32
      %dma_start3A_202 = tpu.memref_slice %arg2[%shift_right_logical3A_189, %and3A_191, %dma_start3A_201] : memref<125000x8x32xf32, #tpu.memory_space<hbm>> -> memref<1x1x32xf32, #tpu.memory_space<hbm>>
      %dma_start3A_203 = tpu.memref_squeeze %dma_start3A_202 : memref<1x1x32xf32, #tpu.memory_space<hbm>> -> memref<32xf32, #tpu.memory_space<hbm>>
      %dma_start3A_204 = arith.constant 0 : i32
      %dma_start3A_205 = tpu.memref_slice %arg6[%add3A_197, %dma_start3A_204] : memref<512x32xf32, #tpu.memory_space<vmem>> -> memref<1x32xf32, #tpu.memory_space<vmem>>
      %dma_start3A_206 = tpu.memref_squeeze %dma_start3A_205 : memref<1x32xf32, #tpu.memory_space<vmem>> -> memref<32xf32, #tpu.memory_space<vmem>>
      %dma_start3A_207 = arith.constant 0 : i32
      %dma_start3A_208 = tpu.memref_slice %arg2[%shift_right_logical3A_189, %and3A_191, %dma_start3A_207] : memref<125000x8x32xf32, #tpu.memory_space<hbm>> -> memref<1x1x32xf32, #tpu.memory_space<hbm>>
      %dma_start3A_209 = tpu.memref_squeeze %dma_start3A_208 : memref<1x1x32xf32, #tpu.memory_space<hbm>> -> memref<32xf32, #tpu.memory_space<hbm>>
      tpu.enqueue_dma source(%dma_start3A_209 : memref<32xf32, #tpu.memory_space<hbm>>) target(%dma_start3A_206 : memref<32xf32, #tpu.memory_space<vmem>>) target_semaphore(%arg7 : memref<!tpu.dma_semaphore, #tpu.memory_space<semaphore_mem>>)
      %slice3A_210 = vector.extract_strided_slice %get3A_46 {offsets = [7], sizes = [1], strides = [1]} : vector<16xi32> to vector<1xi32>
      %squeeze3A_211 = vector.extract %slice3A_210[0] : i32 from vector<1xi32>
      %shift_right_logical3A_212 = arith.constant 3 : i32
      %shift_right_logical3A_213 = arith.shrui %squeeze3A_211, %shift_right_logical3A_212 : i32
      %and3A_214 = arith.constant 7 : i32
      %and3A_215 = arith.andi %squeeze3A_211, %and3A_214 : i32
      %mul3A_216 = arith.constant 16 : i32
      %mul3A_217 = arith.muli %scan3A_39, %mul3A_216 : i32
      %add3A_218 = arith.constant 384 : i32
      %add3A_219 = arith.addi %add3A_218, %mul3A_217 : i32
      %add3A_220 = arith.constant 7 : i32
      %add3A_221 = arith.addi %add3A_219, %add3A_220 : i32
      %dma_start3A_222 = arith.constant 0 : i32
      %dma_start3A_223 = tpu.memref_slice %arg6[%add3A_221, %dma_start3A_222] : memref<512x32xf32, #tpu.memory_space<vmem>> -> memref<1x32xf32, #tpu.memory_space<vmem>>
      %dma_start3A_224 = tpu.memref_squeeze %dma_start3A_223 : memref<1x32xf32, #tpu.memory_space<vmem>> -> memref<32xf32, #tpu.memory_space<vmem>>
      %dma_start3A_225 = arith.constant 0 : i32
      %dma_start3A_226 = tpu.memref_slice %arg2[%shift_right_logical3A_213, %and3A_215, %dma_start3A_225] : memref<125000x8x32xf32, #tpu.memory_space<hbm>> -> memref<1x1x32xf32, #tpu.memory_space<hbm>>
      %dma_start3A_227 = tpu.memref_squeeze %dma_start3A_226 : memref<1x1x32xf32, #tpu.memory_space<hbm>> -> memref<32xf32, #tpu.memory_space<hbm>>
      %dma_start3A_228 = arith.constant 0 : i32
      %dma_start3A_229 = tpu.memref_slice %arg6[%add3A_221, %dma_start3A_228] : memref<512x32xf32, #tpu.memory_space<vmem>> -> memref<1x32xf32, #tpu.memory_space<vmem>>
      %dma_start3A_230 = tpu.memref_squeeze %dma_start3A_229 : memref<1x32xf32, #tpu.memory_space<vmem>> -> memref<32xf32, #tpu.memory_space<vmem>>
      %dma_start3A_231 = arith.constant 0 : i32
      %dma_start3A_232 = tpu.memref_slice %arg2[%shift_right_logical3A_213, %and3A_215, %dma_start3A_231] : memref<125000x8x32xf32, #tpu.memory_space<hbm>> -> memref<1x1x32xf32, #tpu.memory_space<hbm>>
      %dma_start3A_233 = tpu.memref_squeeze %dma_start3A_232 : memref<1x1x32xf32, #tpu.memory_space<hbm>> -> memref<32xf32, #tpu.memory_space<hbm>>
      tpu.enqueue_dma source(%dma_start3A_233 : memref<32xf32, #tpu.memory_space<hbm>>) target(%dma_start3A_230 : memref<32xf32, #tpu.memory_space<vmem>>) target_semaphore(%arg7 : memref<!tpu.dma_semaphore, #tpu.memory_space<semaphore_mem>>)
      %slice3A_234 = vector.extract_strided_slice %get3A_46 {offsets = [8], sizes = [1], strides = [1]} : vector<16xi32> to vector<1xi32>
      %squeeze3A_235 = vector.extract %slice3A_234[0] : i32 from vector<1xi32>
      %shift_right_logical3A_236 = arith.constant 3 : i32
      %shift_right_logical3A_237 = arith.shrui %squeeze3A_235, %shift_right_logical3A_236 : i32
      %and3A_238 = arith.constant 7 : i32
      %and3A_239 = arith.andi %squeeze3A_235, %and3A_238 : i32
      %mul3A_240 = arith.constant 16 : i32
      %mul3A_241 = arith.muli %scan3A_39, %mul3A_240 : i32
      %add3A_242 = arith.constant 384 : i32
      %add3A_243 = arith.addi %add3A_242, %mul3A_241 : i32
      %add3A_244 = arith.constant 8 : i32
      %add3A_245 = arith.addi %add3A_243, %add3A_244 : i32
      %dma_start3A_246 = arith.constant 0 : i32
      %dma_start3A_247 = tpu.memref_slice %arg6[%add3A_245, %dma_start3A_246] : memref<512x32xf32, #tpu.memory_space<vmem>> -> memref<1x32xf32, #tpu.memory_space<vmem>>
      %dma_start3A_248 = tpu.memref_squeeze %dma_start3A_247 : memref<1x32xf32, #tpu.memory_space<vmem>> -> memref<32xf32, #tpu.memory_space<vmem>>
      %dma_start3A_249 = arith.constant 0 : i32
      %dma_start3A_250 = tpu.memref_slice %arg2[%shift_right_logical3A_237, %and3A_239, %dma_start3A_249] : memref<125000x8x32xf32, #tpu.memory_space<hbm>> -> memref<1x1x32xf32, #tpu.memory_space<hbm>>
      %dma_start3A_251 = tpu.memref_squeeze %dma_start3A_250 : memref<1x1x32xf32, #tpu.memory_space<hbm>> -> memref<32xf32, #tpu.memory_space<hbm>>
      %dma_start3A_252 = arith.constant 0 : i32
      %dma_start3A_253 = tpu.memref_slice %arg6[%add3A_245, %dma_start3A_252] : memref<512x32xf32, #tpu.memory_space<vmem>> -> memref<1x32xf32, #tpu.memory_space<vmem>>
      %dma_start3A_254 = tpu.memref_squeeze %dma_start3A_253 : memref<1x32xf32, #tpu.memory_space<vmem>> -> memref<32xf32, #tpu.memory_space<vmem>>
      %dma_start3A_255 = arith.constant 0 : i32
      %dma_start3A_256 = tpu.memref_slice %arg2[%shift_right_logical3A_237, %and3A_239, %dma_start3A_255] : memref<125000x8x32xf32, #tpu.memory_space<hbm>> -> memref<1x1x32xf32, #tpu.memory_space<hbm>>
      %dma_start3A_257 = tpu.memref_squeeze %dma_start3A_256 : memref<1x1x32xf32, #tpu.memory_space<hbm>> -> memref<32xf32, #tpu.memory_space<hbm>>
      tpu.enqueue_dma source(%dma_start3A_257 : memref<32xf32, #tpu.memory_space<hbm>>) target(%dma_start3A_254 : memref<32xf32, #tpu.memory_space<vmem>>) target_semaphore(%arg7 : memref<!tpu.dma_semaphore, #tpu.memory_space<semaphore_mem>>)
      %slice3A_258 = vector.extract_strided_slice %get3A_46 {offsets = [9], sizes = [1], strides = [1]} : vector<16xi32> to vector<1xi32>
      %squeeze3A_259 = vector.extract %slice3A_258[0] : i32 from vector<1xi32>
      %shift_right_logical3A_260 = arith.constant 3 : i32
      %shift_right_logical3A_261 = arith.shrui %squeeze3A_259, %shift_right_logical3A_260 : i32
      %and3A_262 = arith.constant 7 : i32
      %and3A_263 = arith.andi %squeeze3A_259, %and3A_262 : i32
      %mul3A_264 = arith.constant 16 : i32
      %mul3A_265 = arith.muli %scan3A_39, %mul3A_264 : i32
      %add3A_266 = arith.constant 384 : i32
      %add3A_267 = arith.addi %add3A_266, %mul3A_265 : i32
      %add3A_268 = arith.constant 9 : i32
      %add3A_269 = arith.addi %add3A_267, %add3A_268 : i32
      %dma_start3A_270 = arith.constant 0 : i32
      %dma_start3A_271 = tpu.memref_slice %arg6[%add3A_269, %dma_start3A_270] : memref<512x32xf32, #tpu.memory_space<vmem>> -> memref<1x32xf32, #tpu.memory_space<vmem>>
      %dma_start3A_272 = tpu.memref_squeeze %dma_start3A_271 : memref<1x32xf32, #tpu.memory_space<vmem>> -> memref<32xf32, #tpu.memory_space<vmem>>
      %dma_start3A_273 = arith.constant 0 : i32
      %dma_start3A_274 = tpu.memref_slice %arg2[%shift_right_logical3A_261, %and3A_263, %dma_start3A_273] : memref<125000x8x32xf32, #tpu.memory_space<hbm>> -> memref<1x1x32xf32, #tpu.memory_space<hbm>>
      %dma_start3A_275 = tpu.memref_squeeze %dma_start3A_274 : memref<1x1x32xf32, #tpu.memory_space<hbm>> -> memref<32xf32, #tpu.memory_space<hbm>>
      %dma_start3A_276 = arith.constant 0 : i32
      %dma_start3A_277 = tpu.memref_slice %arg6[%add3A_269, %dma_start3A_276] : memref<512x32xf32, #tpu.memory_space<vmem>> -> memref<1x32xf32, #tpu.memory_space<vmem>>
      %dma_start3A_278 = tpu.memref_squeeze %dma_start3A_277 : memref<1x32xf32, #tpu.memory_space<vmem>> -> memref<32xf32, #tpu.memory_space<vmem>>
      %dma_start3A_279 = arith.constant 0 : i32
      %dma_start3A_280 = tpu.memref_slice %arg2[%shift_right_logical3A_261, %and3A_263, %dma_start3A_279] : memref<125000x8x32xf32, #tpu.memory_space<hbm>> -> memref<1x1x32xf32, #tpu.memory_space<hbm>>
      %dma_start3A_281 = tpu.memref_squeeze %dma_start3A_280 : memref<1x1x32xf32, #tpu.memory_space<hbm>> -> memref<32xf32, #tpu.memory_space<hbm>>
      tpu.enqueue_dma source(%dma_start3A_281 : memref<32xf32, #tpu.memory_space<hbm>>) target(%dma_start3A_278 : memref<32xf32, #tpu.memory_space<vmem>>) target_semaphore(%arg7 : memref<!tpu.dma_semaphore, #tpu.memory_space<semaphore_mem>>)
      %slice3A_282 = vector.extract_strided_slice %get3A_46 {offsets = [10], sizes = [1], strides = [1]} : vector<16xi32> to vector<1xi32>
      %squeeze3A_283 = vector.extract %slice3A_282[0] : i32 from vector<1xi32>
      %shift_right_logical3A_284 = arith.constant 3 : i32
      %shift_right_logical3A_285 = arith.shrui %squeeze3A_283, %shift_right_logical3A_284 : i32
      %and3A_286 = arith.constant 7 : i32
      %and3A_287 = arith.andi %squeeze3A_283, %and3A_286 : i32
      %mul3A_288 = arith.constant 16 : i32
      %mul3A_289 = arith.muli %scan3A_39, %mul3A_288 : i32
      %add3A_290 = arith.constant 384 : i32
      %add3A_291 = arith.addi %add3A_290, %mul3A_289 : i32
      %add3A_292 = arith.constant 10 : i32
      %add3A_293 = arith.addi %add3A_291, %add3A_292 : i32
      %dma_start3A_294 = arith.constant 0 : i32
      %dma_start3A_295 = tpu.memref_slice %arg6[%add3A_293, %dma_start3A_294] : memref<512x32xf32, #tpu.memory_space<vmem>> -> memref<1x32xf32, #tpu.memory_space<vmem>>
      %dma_start3A_296 = tpu.memref_squeeze %dma_start3A_295 : memref<1x32xf32, #tpu.memory_space<vmem>> -> memref<32xf32, #tpu.memory_space<vmem>>
      %dma_start3A_297 = arith.constant 0 : i32
      %dma_start3A_298 = tpu.memref_slice %arg2[%shift_right_logical3A_285, %and3A_287, %dma_start3A_297] : memref<125000x8x32xf32, #tpu.memory_space<hbm>> -> memref<1x1x32xf32, #tpu.memory_space<hbm>>
      %dma_start3A_299 = tpu.memref_squeeze %dma_start3A_298 : memref<1x1x32xf32, #tpu.memory_space<hbm>> -> memref<32xf32, #tpu.memory_space<hbm>>
      %dma_start3A_300 = arith.constant 0 : i32
      %dma_start3A_301 = tpu.memref_slice %arg6[%add3A_293, %dma_start3A_300] : memref<512x32xf32, #tpu.memory_space<vmem>> -> memref<1x32xf32, #tpu.memory_space<vmem>>
      %dma_start3A_302 = tpu.memref_squeeze %dma_start3A_301 : memref<1x32xf32, #tpu.memory_space<vmem>> -> memref<32xf32, #tpu.memory_space<vmem>>
      %dma_start3A_303 = arith.constant 0 : i32
      %dma_start3A_304 = tpu.memref_slice %arg2[%shift_right_logical3A_285, %and3A_287, %dma_start3A_303] : memref<125000x8x32xf32, #tpu.memory_space<hbm>> -> memref<1x1x32xf32, #tpu.memory_space<hbm>>
      %dma_start3A_305 = tpu.memref_squeeze %dma_start3A_304 : memref<1x1x32xf32, #tpu.memory_space<hbm>> -> memref<32xf32, #tpu.memory_space<hbm>>
      tpu.enqueue_dma source(%dma_start3A_305 : memref<32xf32, #tpu.memory_space<hbm>>) target(%dma_start3A_302 : memref<32xf32, #tpu.memory_space<vmem>>) target_semaphore(%arg7 : memref<!tpu.dma_semaphore, #tpu.memory_space<semaphore_mem>>)
      %slice3A_306 = vector.extract_strided_slice %get3A_46 {offsets = [11], sizes = [1], strides = [1]} : vector<16xi32> to vector<1xi32>
      %squeeze3A_307 = vector.extract %slice3A_306[0] : i32 from vector<1xi32>
      %shift_right_logical3A_308 = arith.constant 3 : i32
      %shift_right_logical3A_309 = arith.shrui %squeeze3A_307, %shift_right_logical3A_308 : i32
      %and3A_310 = arith.constant 7 : i32
      %and3A_311 = arith.andi %squeeze3A_307, %and3A_310 : i32
      %mul3A_312 = arith.constant 16 : i32
      %mul3A_313 = arith.muli %scan3A_39, %mul3A_312 : i32
      %add3A_314 = arith.constant 384 : i32
      %add3A_315 = arith.addi %add3A_314, %mul3A_313 : i32
      %add3A_316 = arith.constant 11 : i32
      %add3A_317 = arith.addi %add3A_315, %add3A_316 : i32
      %dma_start3A_318 = arith.constant 0 : i32
      %dma_start3A_319 = tpu.memref_slice %arg6[%add3A_317, %dma_start3A_318] : memref<512x32xf32, #tpu.memory_space<vmem>> -> memref<1x32xf32, #tpu.memory_space<vmem>>
      %dma_start3A_320 = tpu.memref_squeeze %dma_start3A_319 : memref<1x32xf32, #tpu.memory_space<vmem>> -> memref<32xf32, #tpu.memory_space<vmem>>
      %dma_start3A_321 = arith.constant 0 : i32
      %dma_start3A_322 = tpu.memref_slice %arg2[%shift_right_logical3A_309, %and3A_311, %dma_start3A_321] : memref<125000x8x32xf32, #tpu.memory_space<hbm>> -> memref<1x1x32xf32, #tpu.memory_space<hbm>>
      %dma_start3A_323 = tpu.memref_squeeze %dma_start3A_322 : memref<1x1x32xf32, #tpu.memory_space<hbm>> -> memref<32xf32, #tpu.memory_space<hbm>>
      %dma_start3A_324 = arith.constant 0 : i32
      %dma_start3A_325 = tpu.memref_slice %arg6[%add3A_317, %dma_start3A_324] : memref<512x32xf32, #tpu.memory_space<vmem>> -> memref<1x32xf32, #tpu.memory_space<vmem>>
      %dma_start3A_326 = tpu.memref_squeeze %dma_start3A_325 : memref<1x32xf32, #tpu.memory_space<vmem>> -> memref<32xf32, #tpu.memory_space<vmem>>
      %dma_start3A_327 = arith.constant 0 : i32
      %dma_start3A_328 = tpu.memref_slice %arg2[%shift_right_logical3A_309, %and3A_311, %dma_start3A_327] : memref<125000x8x32xf32, #tpu.memory_space<hbm>> -> memref<1x1x32xf32, #tpu.memory_space<hbm>>
      %dma_start3A_329 = tpu.memref_squeeze %dma_start3A_328 : memref<1x1x32xf32, #tpu.memory_space<hbm>> -> memref<32xf32, #tpu.memory_space<hbm>>
      tpu.enqueue_dma source(%dma_start3A_329 : memref<32xf32, #tpu.memory_space<hbm>>) target(%dma_start3A_326 : memref<32xf32, #tpu.memory_space<vmem>>) target_semaphore(%arg7 : memref<!tpu.dma_semaphore, #tpu.memory_space<semaphore_mem>>)
      %slice3A_330 = vector.extract_strided_slice %get3A_46 {offsets = [12], sizes = [1], strides = [1]} : vector<16xi32> to vector<1xi32>
      %squeeze3A_331 = vector.extract %slice3A_330[0] : i32 from vector<1xi32>
      %shift_right_logical3A_332 = arith.constant 3 : i32
      %shift_right_logical3A_333 = arith.shrui %squeeze3A_331, %shift_right_logical3A_332 : i32
      %and3A_334 = arith.constant 7 : i32
      %and3A_335 = arith.andi %squeeze3A_331, %and3A_334 : i32
      %mul3A_336 = arith.constant 16 : i32
      %mul3A_337 = arith.muli %scan3A_39, %mul3A_336 : i32
      %add3A_338 = arith.constant 384 : i32
      %add3A_339 = arith.addi %add3A_338, %mul3A_337 : i32
      %add3A_340 = arith.constant 12 : i32
      %add3A_341 = arith.addi %add3A_339, %add3A_340 : i32
      %dma_start3A_342 = arith.constant 0 : i32
      %dma_start3A_343 = tpu.memref_slice %arg6[%add3A_341, %dma_start3A_342] : memref<512x32xf32, #tpu.memory_space<vmem>> -> memref<1x32xf32, #tpu.memory_space<vmem>>
      %dma_start3A_344 = tpu.memref_squeeze %dma_start3A_343 : memref<1x32xf32, #tpu.memory_space<vmem>> -> memref<32xf32, #tpu.memory_space<vmem>>
      %dma_start3A_345 = arith.constant 0 : i32
      %dma_start3A_346 = tpu.memref_slice %arg2[%shift_right_logical3A_333, %and3A_335, %dma_start3A_345] : memref<125000x8x32xf32, #tpu.memory_space<hbm>> -> memref<1x1x32xf32, #tpu.memory_space<hbm>>
      %dma_start3A_347 = tpu.memref_squeeze %dma_start3A_346 : memref<1x1x32xf32, #tpu.memory_space<hbm>> -> memref<32xf32, #tpu.memory_space<hbm>>
      %dma_start3A_348 = arith.constant 0 : i32
      %dma_start3A_349 = tpu.memref_slice %arg6[%add3A_341, %dma_start3A_348] : memref<512x32xf32, #tpu.memory_space<vmem>> -> memref<1x32xf32, #tpu.memory_space<vmem>>
      %dma_start3A_350 = tpu.memref_squeeze %dma_start3A_349 : memref<1x32xf32, #tpu.memory_space<vmem>> -> memref<32xf32, #tpu.memory_space<vmem>>
      %dma_start3A_351 = arith.constant 0 : i32
      %dma_start3A_352 = tpu.memref_slice %arg2[%shift_right_logical3A_333, %and3A_335, %dma_start3A_351] : memref<125000x8x32xf32, #tpu.memory_space<hbm>> -> memref<1x1x32xf32, #tpu.memory_space<hbm>>
      %dma_start3A_353 = tpu.memref_squeeze %dma_start3A_352 : memref<1x1x32xf32, #tpu.memory_space<hbm>> -> memref<32xf32, #tpu.memory_space<hbm>>
      tpu.enqueue_dma source(%dma_start3A_353 : memref<32xf32, #tpu.memory_space<hbm>>) target(%dma_start3A_350 : memref<32xf32, #tpu.memory_space<vmem>>) target_semaphore(%arg7 : memref<!tpu.dma_semaphore, #tpu.memory_space<semaphore_mem>>)
      %slice3A_354 = vector.extract_strided_slice %get3A_46 {offsets = [13], sizes = [1], strides = [1]} : vector<16xi32> to vector<1xi32>
      %squeeze3A_355 = vector.extract %slice3A_354[0] : i32 from vector<1xi32>
      %shift_right_logical3A_356 = arith.constant 3 : i32
      %shift_right_logical3A_357 = arith.shrui %squeeze3A_355, %shift_right_logical3A_356 : i32
      %and3A_358 = arith.constant 7 : i32
      %and3A_359 = arith.andi %squeeze3A_355, %and3A_358 : i32
      %mul3A_360 = arith.constant 16 : i32
      %mul3A_361 = arith.muli %scan3A_39, %mul3A_360 : i32
      %add3A_362 = arith.constant 384 : i32
      %add3A_363 = arith.addi %add3A_362, %mul3A_361 : i32
      %add3A_364 = arith.constant 13 : i32
      %add3A_365 = arith.addi %add3A_363, %add3A_364 : i32
      %dma_start3A_366 = arith.constant 0 : i32
      %dma_start3A_367 = tpu.memref_slice %arg6[%add3A_365, %dma_start3A_366] : memref<512x32xf32, #tpu.memory_space<vmem>> -> memref<1x32xf32, #tpu.memory_space<vmem>>
      %dma_start3A_368 = tpu.memref_squeeze %dma_start3A_367 : memref<1x32xf32, #tpu.memory_space<vmem>> -> memref<32xf32, #tpu.memory_space<vmem>>
      %dma_start3A_369 = arith.constant 0 : i32
      %dma_start3A_370 = tpu.memref_slice %arg2[%shift_right_logical3A_357, %and3A_359, %dma_start3A_369] : memref<125000x8x32xf32, #tpu.memory_space<hbm>> -> memref<1x1x32xf32, #tpu.memory_space<hbm>>
      %dma_start3A_371 = tpu.memref_squeeze %dma_start3A_370 : memref<1x1x32xf32, #tpu.memory_space<hbm>> -> memref<32xf32, #tpu.memory_space<hbm>>
      %dma_start3A_372 = arith.constant 0 : i32
      %dma_start3A_373 = tpu.memref_slice %arg6[%add3A_365, %dma_start3A_372] : memref<512x32xf32, #tpu.memory_space<vmem>> -> memref<1x32xf32, #tpu.memory_space<vmem>>
      %dma_start3A_374 = tpu.memref_squeeze %dma_start3A_373 : memref<1x32xf32, #tpu.memory_space<vmem>> -> memref<32xf32, #tpu.memory_space<vmem>>
      %dma_start3A_375 = arith.constant 0 : i32
      %dma_start3A_376 = tpu.memref_slice %arg2[%shift_right_logical3A_357, %and3A_359, %dma_start3A_375] : memref<125000x8x32xf32, #tpu.memory_space<hbm>> -> memref<1x1x32xf32, #tpu.memory_space<hbm>>
      %dma_start3A_377 = tpu.memref_squeeze %dma_start3A_376 : memref<1x1x32xf32, #tpu.memory_space<hbm>> -> memref<32xf32, #tpu.memory_space<hbm>>
      tpu.enqueue_dma source(%dma_start3A_377 : memref<32xf32, #tpu.memory_space<hbm>>) target(%dma_start3A_374 : memref<32xf32, #tpu.memory_space<vmem>>) target_semaphore(%arg7 : memref<!tpu.dma_semaphore, #tpu.memory_space<semaphore_mem>>)
      %slice3A_378 = vector.extract_strided_slice %get3A_46 {offsets = [14], sizes = [1], strides = [1]} : vector<16xi32> to vector<1xi32>
      %squeeze3A_379 = vector.extract %slice3A_378[0] : i32 from vector<1xi32>
      %shift_right_logical3A_380 = arith.constant 3 : i32
      %shift_right_logical3A_381 = arith.shrui %squeeze3A_379, %shift_right_logical3A_380 : i32
      %and3A_382 = arith.constant 7 : i32
      %and3A_383 = arith.andi %squeeze3A_379, %and3A_382 : i32
      %mul3A_384 = arith.constant 16 : i32
      %mul3A_385 = arith.muli %scan3A_39, %mul3A_384 : i32
      %add3A_386 = arith.constant 384 : i32
      %add3A_387 = arith.addi %add3A_386, %mul3A_385 : i32
      %add3A_388 = arith.constant 14 : i32
      %add3A_389 = arith.addi %add3A_387, %add3A_388 : i32
      %dma_start3A_390 = arith.constant 0 : i32
      %dma_start3A_391 = tpu.memref_slice %arg6[%add3A_389, %dma_start3A_390] : memref<512x32xf32, #tpu.memory_space<vmem>> -> memref<1x32xf32, #tpu.memory_space<vmem>>
      %dma_start3A_392 = tpu.memref_squeeze %dma_start3A_391 : memref<1x32xf32, #tpu.memory_space<vmem>> -> memref<32xf32, #tpu.memory_space<vmem>>
      %dma_start3A_393 = arith.constant 0 : i32
      %dma_start3A_394 = tpu.memref_slice %arg2[%shift_right_logical3A_381, %and3A_383, %dma_start3A_393] : memref<125000x8x32xf32, #tpu.memory_space<hbm>> -> memref<1x1x32xf32, #tpu.memory_space<hbm>>
      %dma_start3A_395 = tpu.memref_squeeze %dma_start3A_394 : memref<1x1x32xf32, #tpu.memory_space<hbm>> -> memref<32xf32, #tpu.memory_space<hbm>>
      %dma_start3A_396 = arith.constant 0 : i32
      %dma_start3A_397 = tpu.memref_slice %arg6[%add3A_389, %dma_start3A_396] : memref<512x32xf32, #tpu.memory_space<vmem>> -> memref<1x32xf32, #tpu.memory_space<vmem>>
      %dma_start3A_398 = tpu.memref_squeeze %dma_start3A_397 : memref<1x32xf32, #tpu.memory_space<vmem>> -> memref<32xf32, #tpu.memory_space<vmem>>
      %dma_start3A_399 = arith.constant 0 : i32
      %dma_start3A_400 = tpu.memref_slice %arg2[%shift_right_logical3A_381, %and3A_383, %dma_start3A_399] : memref<125000x8x32xf32, #tpu.memory_space<hbm>> -> memref<1x1x32xf32, #tpu.memory_space<hbm>>
      %dma_start3A_401 = tpu.memref_squeeze %dma_start3A_400 : memref<1x1x32xf32, #tpu.memory_space<hbm>> -> memref<32xf32, #tpu.memory_space<hbm>>
      tpu.enqueue_dma source(%dma_start3A_401 : memref<32xf32, #tpu.memory_space<hbm>>) target(%dma_start3A_398 : memref<32xf32, #tpu.memory_space<vmem>>) target_semaphore(%arg7 : memref<!tpu.dma_semaphore, #tpu.memory_space<semaphore_mem>>)
      %slice3A_402 = vector.extract_strided_slice %get3A_46 {offsets = [15], sizes = [1], strides = [1]} : vector<16xi32> to vector<1xi32>
      %squeeze3A_403 = vector.extract %slice3A_402[0] : i32 from vector<1xi32>
      %shift_right_logical3A_404 = arith.constant 3 : i32
      %shift_right_logical3A_405 = arith.shrui %squeeze3A_403, %shift_right_logical3A_404 : i32
      %and3A_406 = arith.constant 7 : i32
      %and3A_407 = arith.andi %squeeze3A_403, %and3A_406 : i32
      %mul3A_408 = arith.constant 16 : i32
      %mul3A_409 = arith.muli %scan3A_39, %mul3A_408 : i32
      %add3A_410 = arith.constant 384 : i32
      %add3A_411 = arith.addi %add3A_410, %mul3A_409 : i32
      %add3A_412 = arith.constant 15 : i32
      %add3A_413 = arith.addi %add3A_411, %add3A_412 : i32
      %dma_start3A_414 = arith.constant 0 : i32
      %dma_start3A_415 = tpu.memref_slice %arg6[%add3A_413, %dma_start3A_414] : memref<512x32xf32, #tpu.memory_space<vmem>> -> memref<1x32xf32, #tpu.memory_space<vmem>>
      %dma_start3A_416 = tpu.memref_squeeze %dma_start3A_415 : memref<1x32xf32, #tpu.memory_space<vmem>> -> memref<32xf32, #tpu.memory_space<vmem>>
      %dma_start3A_417 = arith.constant 0 : i32
      %dma_start3A_418 = tpu.memref_slice %arg2[%shift_right_logical3A_405, %and3A_407, %dma_start3A_417] : memref<125000x8x32xf32, #tpu.memory_space<hbm>> -> memref<1x1x32xf32, #tpu.memory_space<hbm>>
      %dma_start3A_419 = tpu.memref_squeeze %dma_start3A_418 : memref<1x1x32xf32, #tpu.memory_space<hbm>> -> memref<32xf32, #tpu.memory_space<hbm>>
      %dma_start3A_420 = arith.constant 0 : i32
      %dma_start3A_421 = tpu.memref_slice %arg6[%add3A_413, %dma_start3A_420] : memref<512x32xf32, #tpu.memory_space<vmem>> -> memref<1x32xf32, #tpu.memory_space<vmem>>
      %dma_start3A_422 = tpu.memref_squeeze %dma_start3A_421 : memref<1x32xf32, #tpu.memory_space<vmem>> -> memref<32xf32, #tpu.memory_space<vmem>>
      %dma_start3A_423 = arith.constant 0 : i32
      %dma_start3A_424 = tpu.memref_slice %arg2[%shift_right_logical3A_405, %and3A_407, %dma_start3A_423] : memref<125000x8x32xf32, #tpu.memory_space<hbm>> -> memref<1x1x32xf32, #tpu.memory_space<hbm>>
      %dma_start3A_425 = tpu.memref_squeeze %dma_start3A_424 : memref<1x1x32xf32, #tpu.memory_space<hbm>> -> memref<32xf32, #tpu.memory_space<hbm>>
      tpu.enqueue_dma source(%dma_start3A_425 : memref<32xf32, #tpu.memory_space<hbm>>) target(%dma_start3A_422 : memref<32xf32, #tpu.memory_space<vmem>>) target_semaphore(%arg7 : memref<!tpu.dma_semaphore, #tpu.memory_space<semaphore_mem>>)
      %scan3A_426 = arith.constant 0 : i32
      scf.yield %scan3A_426 : i32
    }
    %scan3A_29 = arith.constant 8 : i32
    %scan3A_30 = arith.constant 0 : i32
    %scan3A_31 = arith.constant 0 : i32
    %scan3A_32 = arith.constant 512 : i32
    %scan3A_33 = arith.addi %scan3A_31, %scan3A_32 : i32
    %scan3A_34 = arith.constant 1 : i32
    %scan3A_35 = scf.for %scan3A_39 = %scan3A_31 to %scan3A_33 step %scan3A_34 iter_args(%scan3A_40 = %scan3A_30) -> (i32)  : i32 {
      %dma_wait3A = arith.constant 0 : i32
      %dma_wait3A_41 = arith.constant 0 : i32
      %dma_wait3A_42 = arith.constant 0 : i32
      %dma_wait3A_43 = arith.constant 0 : i32
      %dma_wait3A_44 = tpu.memref_slice %arg6[%dma_wait3A_42, %dma_wait3A_43] : memref<512x32xf32, #tpu.memory_space<vmem>> -> memref<1x32xf32, #tpu.memory_space<vmem>>
      %dma_wait3A_45 = tpu.memref_squeeze %dma_wait3A_44 : memref<1x32xf32, #tpu.memory_space<vmem>> -> memref<32xf32, #tpu.memory_space<vmem>>
      %dma_wait3A_46 = arith.constant 0 : i32
      %dma_wait3A_47 = tpu.memref_slice %arg2[%dma_wait3A, %dma_wait3A_41, %dma_wait3A_46] : memref<125000x8x32xf32, #tpu.memory_space<hbm>> -> memref<1x1x32xf32, #tpu.memory_space<hbm>>
      %dma_wait3A_48 = tpu.memref_squeeze %dma_wait3A_47 : memref<1x1x32xf32, #tpu.memory_space<hbm>> -> memref<32xf32, #tpu.memory_space<hbm>>
      %dma_wait3A_49 = arith.constant 0 : i32
      %dma_wait3A_50 = tpu.memref_slice %arg6[%dma_wait3A_42, %dma_wait3A_49] : memref<512x32xf32, #tpu.memory_space<vmem>> -> memref<1x32xf32, #tpu.memory_space<vmem>>
      %dma_wait3A_51 = tpu.memref_squeeze %dma_wait3A_50 : memref<1x32xf32, #tpu.memory_space<vmem>> -> memref<32xf32, #tpu.memory_space<vmem>>
      %dma_wait3A_52 = arith.constant 0 : i32
      %dma_wait3A_53 = tpu.memref_slice %arg2[%dma_wait3A, %dma_wait3A_41, %dma_wait3A_52] : memref<125000x8x32xf32, #tpu.memory_space<hbm>> -> memref<1x1x32xf32, #tpu.memory_space<hbm>>
      %dma_wait3A_54 = tpu.memref_squeeze %dma_wait3A_53 : memref<1x1x32xf32, #tpu.memory_space<hbm>> -> memref<32xf32, #tpu.memory_space<hbm>>
      tpu.wait_dma2 semaphore(%arg7 : memref<!tpu.dma_semaphore, #tpu.memory_space<semaphore_mem>>) src(%dma_wait3A_54 : memref<32xf32, #tpu.memory_space<hbm>>) dst(%dma_wait3A_51 : memref<32xf32, #tpu.memory_space<vmem>>)
      %scan3A_55 = arith.constant 0 : i32
      scf.yield %scan3A_55 : i32
    }
    %scan3A_36 = arith.constant 512 : i32
    %mul3A_37 = arith.constant 512 : i32
    %mul3A_38 = arith.muli %add3A, %mul3A_37 : i32
    "tpu.region"() ({
      %run_scoped3A = tpu.sem_alloc : memref<!tpu.dma_semaphore, #tpu.memory_space<semaphore_mem>>
      %dma_start3A = arith.constant 0 : i32
      %dma_start3A_39 = tpu.memref_slice %arg4[%mul3A_38, %dma_start3A] : memref<16384x32xf32, #tpu.memory_space<hbm>> -> memref<512x32xf32, #tpu.memory_space<hbm>>
      %dma_start3A_40 = arith.constant 0 : i32
      %dma_start3A_41 = tpu.memref_slice %arg4[%mul3A_38, %dma_start3A_40] : memref<16384x32xf32, #tpu.memory_space<hbm>> -> memref<512x32xf32, #tpu.memory_space<hbm>>
      tpu.enqueue_dma source(%arg6 : memref<512x32xf32, #tpu.memory_space<vmem>>) target(%dma_start3A_41 : memref<512x32xf32, #tpu.memory_space<hbm>>) target_semaphore(%run_scoped3A : memref<!tpu.dma_semaphore, #tpu.memory_space<semaphore_mem>>)
      %dma_wait3A = arith.constant 0 : i32
      %dma_wait3A_42 = tpu.memref_slice %arg4[%mul3A_38, %dma_wait3A] : memref<16384x32xf32, #tpu.memory_space<hbm>> -> memref<512x32xf32, #tpu.memory_space<hbm>>
      %dma_wait3A_43 = arith.constant 0 : i32
      %dma_wait3A_44 = tpu.memref_slice %arg4[%mul3A_38, %dma_wait3A_43] : memref<16384x32xf32, #tpu.memory_space<hbm>> -> memref<512x32xf32, #tpu.memory_space<hbm>>
      tpu.wait_dma2 semaphore(%run_scoped3A : memref<!tpu.dma_semaphore, #tpu.memory_space<semaphore_mem>>) src(%arg6 : memref<512x32xf32, #tpu.memory_space<vmem>>) dst(%dma_wait3A_44 : memref<512x32xf32, #tpu.memory_space<hbm>>)
      tpu.yield
    }) : () -> ()
    return
  }
}

module attributes {stable_mosaic.version = 14 : i64} {
  func.func @_tc_fused_body(%arg0: i32, %arg1: i32, %arg2: memref<1024x32xf32, #tpu.memory_space<vmem>>, %arg3: memref<1x1x1024xi32, #tpu.memory_space<vmem>>, %arg4: memref<1x1x1024xi32, #tpu.memory_space<vmem>>, %arg5: memref<1x1x1024xi32, #tpu.memory_space<vmem>>, %arg6: memref<128x128xf32, #tpu.memory_space<vmem>>, %arg7: memref<128x128xf32, #tpu.memory_space<vmem>>, %arg8: memref<32x128xf32, #tpu.memory_space<vmem>>, %arg9: memref<1x128xf32, #tpu.memory_space<vmem>>, %arg10: memref<1x128xf32, #tpu.memory_space<vmem>>, %arg11: memref<64x128xf32, #tpu.memory_space<vmem>>, %arg12: memref<64x1xf32, #tpu.memory_space<vmem>>, %arg13: memref<64x1024xf32, #tpu.memory_space<vmem>>, %arg14: memref<16384x128xf32, #tpu.memory_space<vmem>>, %arg15: memref<8x128xf32, #tpu.memory_space<vmem>>, %arg16: memref<128x128xf32, #tpu.memory_space<vmem>>) attributes {dimension_semantics = [#tpu.dimension_semantics<arbitrary>, #tpu.dimension_semantics<arbitrary>], iteration_bounds = array<i64: 2, 16>, scalar_prefetch = 0 : i64, scratch_operands = 3 : i64, tpu.core_type = #tpu.core_type<tc>, window_params = [{transform_indices = @transform_0, window_bounds = array<i64: 1024, 32>}, {transform_indices = @transform_1, window_bounds = array<i64: 1, 1, 1024>}, {transform_indices = @transform_2, window_bounds = array<i64: 1, 1, 1024>}, {transform_indices = @transform_3, window_bounds = array<i64: 1, 1, 1024>}, {pipeline_mode = #tpu.pipeline_mode<synchronous>, transform_indices = @transform_4, window_bounds = array<i64: 128, 128>}, {pipeline_mode = #tpu.pipeline_mode<synchronous>, transform_indices = @transform_5, window_bounds = array<i64: 128, 128>}, {pipeline_mode = #tpu.pipeline_mode<synchronous>, transform_indices = @transform_6, window_bounds = array<i64: 32, 128>}, {pipeline_mode = #tpu.pipeline_mode<synchronous>, transform_indices = @transform_7, window_bounds = array<i64: 1, 128>}, {pipeline_mode = #tpu.pipeline_mode<synchronous>, transform_indices = @transform_8, window_bounds = array<i64: 1, 128>}, {pipeline_mode = #tpu.pipeline_mode<synchronous>, transform_indices = @transform_9, window_bounds = array<i64: 64, 128>}, {pipeline_mode = #tpu.pipeline_mode<synchronous>, transform_indices = @transform_10, window_bounds = array<i64: 64, 1>}, {transform_indices = @transform_11, window_bounds = array<i64: 64, 1024>}]} {
    %eq3A = arith.constant 0 : i32
    %eq3A_0 = arith.cmpi eq, %arg0, %eq3A : i32
    %eq3A_1 = arith.constant 0 : i32
    %eq3A_2 = arith.cmpi eq, %arg1, %eq3A_1 : i32
    %and3A = arith.andi %eq3A_0, %eq3A_2 : i1
    %convert_element_type3A = arith.extui %and3A : i1 to i32
    %cond3A = arith.constant 0 : i32
    %cond3A_3 = arith.cmpi ne, %convert_element_type3A, %cond3A : i32
    scf.if %cond3A_3 {
      %get3A = arith.constant 0 : index
      %get3A_14 = arith.constant 0 : index
      %get3A_15 = vector.load %arg6[%get3A, %get3A_14] : memref<128x128xf32, #tpu.memory_space<vmem>>, vector<128x128xf32>
      %get3A_16 = arith.constant 0 : index
      %get3A_17 = arith.constant 0 : index
      %get3A_18 = vector.load %arg7[%get3A_16, %get3A_17] : memref<128x128xf32, #tpu.memory_space<vmem>>, vector<128x128xf32>
      %dot_general3A = arith.constant dense<0.000000e+00> : vector<128x128xf32>
      %dot_general3A_19 = tpu.matmul %get3A_15, %get3A_18, %dot_general3A {dimension_numbers = #tpu.dot_dimension_numbers<[1], [0], [0], [1], [0, 0, 1, 1], [], []>, transpose_lhs_hint = false} : vector<128x128xf32>, vector<128x128xf32>, vector<128x128xf32> -> vector<128x128xf32>
      %swap3A = arith.constant 0 : index
      %swap3A_20 = arith.constant 0 : index
      %swap3A_21 = vector.load %arg16[%swap3A, %swap3A_20] : memref<128x128xf32, #tpu.memory_space<vmem>>, vector<128x128xf32>
      tpu.vector_store %arg16[%swap3A, %swap3A_20], %dot_general3A_19 {strides = array<i32>} : memref<128x128xf32, #tpu.memory_space<vmem>>, vector<128x128xf32>,
      %broadcast_in_dim3A = arith.constant 0.000000e+00 : f32
      %broadcast_in_dim3A_22 = vector.broadcast %broadcast_in_dim3A : f32 to vector<8x128xf32>
      %swap3A_23 = arith.constant 0 : index
      %swap3A_24 = arith.constant 0 : index
      %swap3A_25 = vector.load %arg15[%swap3A_23, %swap3A_24] : memref<8x128xf32, #tpu.memory_space<vmem>>, vector<8x128xf32>
      tpu.vector_store %arg15[%swap3A_23, %swap3A_24], %broadcast_in_dim3A_22 {strides = array<i32>} : memref<8x128xf32, #tpu.memory_space<vmem>>, vector<8x128xf32>,
    } else {
    }
    %eq3A_4 = arith.constant 0 : i32
    %eq3A_5 = arith.cmpi eq, %arg0, %eq3A_4 : i32
    %convert_element_type3A_6 = arith.extui %eq3A_5 : i1 to i32
    %cond3A_7 = arith.constant 0 : i32
    %cond3A_8 = arith.cmpi ne, %convert_element_type3A_6, %cond3A_7 : i32
    scf.if %cond3A_8 {
      %iota3A = tpu.iota {dimensions = array<i32: 1>} : vector<1024x128xi32>
      %get3A = arith.constant 0 : index
      %get3A_14 = arith.constant 0 : index
      %get3A_15 = arith.constant 0 : index
      %get3A_16 = vector.load %arg3[%get3A, %get3A_14, %get3A_15] : memref<1x1x1024xi32, #tpu.memory_space<vmem>>, vector<1x1x1024xi32>
      %get3A_17 = vector.shape_cast %get3A_16 : vector<1x1x1024xi32> to vector<1024xi32>
      %broadcast_in_dim3A = vector.shape_cast %get3A_17 : vector<1024xi32> to vector<1024x1xi32>
      %get3A_18 = arith.constant 0 : index
      %get3A_19 = arith.constant 0 : index
      %get3A_20 = arith.constant 0 : index
      %get3A_21 = vector.load %arg4[%get3A_18, %get3A_19, %get3A_20] : memref<1x1x1024xi32, #tpu.memory_space<vmem>>, vector<1x1x1024xi32>
      %get3A_22 = vector.shape_cast %get3A_21 : vector<1x1x1024xi32> to vector<1024xi32>
      %broadcast_in_dim3A_23 = vector.shape_cast %get3A_22 : vector<1024xi32> to vector<1024x1xi32>
      %get3A_24 = arith.constant 0 : index
      %get3A_25 = arith.constant 0 : index
      %get3A_26 = arith.constant 0 : index
      %get3A_27 = vector.load %arg5[%get3A_24, %get3A_25, %get3A_26] : memref<1x1x1024xi32, #tpu.memory_space<vmem>>, vector<1x1x1024xi32>
      %get3A_28 = vector.shape_cast %get3A_27 : vector<1x1x1024xi32> to vector<1024xi32>
      %broadcast_in_dim3A_29 = vector.shape_cast %get3A_28 : vector<1024xi32> to vector<1024x1xi32>
      %eq3A_30 = vector.broadcast %broadcast_in_dim3A : vector<1024x1xi32> to vector<1024x128xi32>
      %eq3A_31 = arith.cmpi eq, %iota3A, %eq3A_30 : vector<1024x128xi32>
      %eq3A_32 = vector.broadcast %broadcast_in_dim3A_23 : vector<1024x1xi32> to vector<1024x128xi32>
      %eq3A_33 = arith.cmpi eq, %iota3A, %eq3A_32 : vector<1024x128xi32>
      %or3A = arith.ori %eq3A_31, %eq3A_33 : vector<1024x128xi1>
      %eq3A_34 = vector.broadcast %broadcast_in_dim3A_29 : vector<1024x1xi32> to vector<1024x128xi32>
      %eq3A_35 = arith.cmpi eq, %iota3A, %eq3A_34 : vector<1024x128xi32>
      %or3A_36 = arith.ori %or3A, %eq3A_35 : vector<1024x128xi1>
      %convert_element_type3A_37 = arith.extui %or3A_36 : vector<1024x128xi1> to vector<1024x128xi32>
      %convert_element_type3A_38 = arith.sitofp %convert_element_type3A_37 : vector<1024x128xi32> to vector<1024x128xf32>
      %get3A_39 = arith.constant 0 : index
      %get3A_40 = arith.constant 0 : index
      %get3A_41 = vector.load %arg16[%get3A_39, %get3A_40] : memref<128x128xf32, #tpu.memory_space<vmem>>, vector<128x128xf32>
      %dot_general3A = arith.constant dense<0.000000e+00> : vector<1024x128xf32>
      %dot_general3A_42 = tpu.matmul %convert_element_type3A_38, %get3A_41, %dot_general3A {dimension_numbers = #tpu.dot_dimension_numbers<[1], [0], [0], [1], [0, 0, 1, 1], [], []>, transpose_lhs_hint = false} : vector<1024x128xf32>, vector<128x128xf32>, vector<1024x128xf32> -> vector<1024x128xf32>
      %get3A_43 = arith.constant 0 : index
      %get3A_44 = arith.constant 0 : index
      %get3A_45 = vector.load %arg2[%get3A_43, %get3A_44] : memref<1024x32xf32, #tpu.memory_space<vmem>>, vector<1024x32xf32>
      %get3A_46 = arith.constant 0 : index
      %get3A_47 = arith.constant 0 : index
      %get3A_48 = vector.load %arg8[%get3A_46, %get3A_47] : memref<32x128xf32, #tpu.memory_space<vmem>>, vector<32x128xf32>
      %dot_general3A_49 = arith.constant dense<0.000000e+00> : vector<1024x128xf32>
      %dot_general3A_50 = tpu.matmul %get3A_45, %get3A_48, %dot_general3A_49 {dimension_numbers = #tpu.dot_dimension_numbers<[1], [0], [0], [1], [0, 0, 1, 1], [], []>, transpose_lhs_hint = false} : vector<1024x32xf32>, vector<32x128xf32>, vector<1024x128xf32> -> vector<1024x128xf32>
      %add3A = arith.addf %dot_general3A_42, %dot_general3A_50 : vector<1024x128xf32>
      %mul3A = arith.constant 1024 : i32
      %mul3A_51 = arith.muli %arg1, %mul3A : i32
      %swap3A = arith.index_cast %mul3A_51 : i32 to index
      %swap3A_52 = arith.constant 0 : index
      %swap3A_53 = vector.load %arg14[%swap3A, %swap3A_52] : memref<16384x128xf32, #tpu.memory_space<vmem>>, vector<1024x128xf32>
      tpu.vector_store %arg14[%swap3A, %swap3A_52], %add3A {strides = array<i32>} : memref<16384x128xf32, #tpu.memory_space<vmem>>, vector<1024x128xf32>,
      %reduce_sum3A = arith.constant dense<0.000000e+00> : vector<128xf32>
      %reduce_sum3A_54 = vector.multi_reduction <add>, %add3A, %reduce_sum3A [0] : vector<1024x128xf32> to vector<128xf32>
      %broadcast_in_dim3A_55 = vector.shape_cast %reduce_sum3A_54 : vector<128xf32> to vector<1x128xf32>
      %mul3A_56 = arith.mulf %add3A, %add3A : vector<1024x128xf32>
      %reduce_sum3A_57 = arith.constant dense<0.000000e+00> : vector<128xf32>
      %reduce_sum3A_58 = vector.multi_reduction <add>, %mul3A_56, %reduce_sum3A_57 [0] : vector<1024x128xf32> to vector<128xf32>
      %broadcast_in_dim3A_59 = vector.shape_cast %reduce_sum3A_58 : vector<128xf32> to vector<1x128xf32>
      %broadcast_in_dim3A_60 = arith.constant 0.000000e+00 : f32
      %broadcast_in_dim3A_61 = vector.broadcast %broadcast_in_dim3A_60 : f32 to vector<6x128xf32>
      %concatenate3A = tpu.concatenate %broadcast_in_dim3A_55, %broadcast_in_dim3A_59, %broadcast_in_dim3A_61 in 0 : vector<1x128xf32>, vector<1x128xf32>, vector<6x128xf32> -> vector<8x128xf32>
      %get3A_62 = arith.constant 0 : index
      %get3A_63 = arith.constant 0 : index
      %get3A_64 = vector.load %arg15[%get3A_62, %get3A_63] : memref<8x128xf32, #tpu.memory_space<vmem>>, vector<8x128xf32>
      %add3A_65 = arith.addf %get3A_64, %concatenate3A : vector<8x128xf32>
      %swap3A_66 = arith.constant 0 : index
      %swap3A_67 = arith.constant 0 : index
      %swap3A_68 = vector.load %arg15[%swap3A_66, %swap3A_67] : memref<8x128xf32, #tpu.memory_space<vmem>>, vector<8x128xf32>
      tpu.vector_store %arg15[%swap3A_66, %swap3A_67], %add3A_65 {strides = array<i32>} : memref<8x128xf32, #tpu.memory_space<vmem>>, vector<8x128xf32>,
    } else {
    }
    %eq3A_9 = arith.constant 1 : i32
    %eq3A_10 = arith.cmpi eq, %arg0, %eq3A_9 : i32
    %convert_element_type3A_11 = arith.extui %eq3A_10 : i1 to i32
    %cond3A_12 = arith.constant 0 : i32
    %cond3A_13 = arith.cmpi ne, %convert_element_type3A_11, %cond3A_12 : i32
    scf.if %cond3A_13 {
      %get3A = arith.constant 0 : index
      %get3A_14 = arith.constant 0 : index
      %get3A_15 = vector.load %arg15[%get3A, %get3A_14] : memref<8x128xf32, #tpu.memory_space<vmem>>, vector<8x128xf32>
      %slice3A = vector.extract_strided_slice %get3A_15 {offsets = [0, 0], sizes = [1, 128], strides = [1, 1]} : vector<8x128xf32> to vector<1x128xf32>
      %mul3A = arith.constant 6.10351563E-5 : f32
      %mul3A_16 = vector.broadcast %mul3A : f32 to vector<1x128xf32>
      %mul3A_17 = arith.mulf %slice3A, %mul3A_16 : vector<1x128xf32>
      %slice3A_18 = vector.extract_strided_slice %get3A_15 {offsets = [1, 0], sizes = [1, 128], strides = [1, 1]} : vector<8x128xf32> to vector<1x128xf32>
      %mul3A_19 = arith.constant 6.10351563E-5 : f32
      %mul3A_20 = vector.broadcast %mul3A_19 : f32 to vector<1x128xf32>
      %mul3A_21 = arith.mulf %slice3A_18, %mul3A_20 : vector<1x128xf32>
      %mul3A_22 = arith.mulf %mul3A_17, %mul3A_17 : vector<1x128xf32>
      %sub3A = arith.subf %mul3A_21, %mul3A_22 : vector<1x128xf32>
      %add3A = arith.constant 9.99999974E-6 : f32
      %add3A_23 = vector.broadcast %add3A : f32 to vector<1x128xf32>
      %add3A_24 = arith.addf %sub3A, %add3A_23 : vector<1x128xf32>
      %rsqrt3A = math.rsqrt %add3A_24 : vector<1x128xf32>
      %get3A_25 = arith.constant 0 : index
      %get3A_26 = arith.constant 0 : index
      %get3A_27 = vector.load %arg9[%get3A_25, %get3A_26] : memref<1x128xf32, #tpu.memory_space<vmem>>, vector<1x128xf32>
      %mul3A_28 = arith.mulf %rsqrt3A, %get3A_27 : vector<1x128xf32>
      %mul3A_29 = arith.constant 1024 : i32
      %mul3A_30 = arith.muli %arg1, %mul3A_29 : i32
      %get3A_31 = arith.index_cast %mul3A_30 : i32 to index
      %get3A_32 = arith.constant 0 : index
      %get3A_33 = vector.load %arg14[%get3A_31, %get3A_32] : memref<16384x128xf32, #tpu.memory_space<vmem>>, vector<1024x128xf32>
      %sub3A_34 = vector.broadcast %mul3A_17 : vector<1x128xf32> to vector<1024x128xf32>
      %sub3A_35 = arith.subf %get3A_33, %sub3A_34 : vector<1024x128xf32>
      %mul3A_36 = vector.broadcast %mul3A_28 : vector<1x128xf32> to vector<1024x128xf32>
      %mul3A_37 = arith.mulf %sub3A_35, %mul3A_36 : vector<1024x128xf32>
      %get3A_38 = arith.constant 0 : index
      %get3A_39 = arith.constant 0 : index
      %get3A_40 = vector.load %arg10[%get3A_38, %get3A_39] : memref<1x128xf32, #tpu.memory_space<vmem>>, vector<1x128xf32>
      %add3A_41 = vector.broadcast %get3A_40 : vector<1x128xf32> to vector<1024x128xf32>
      %add3A_42 = arith.addf %mul3A_37, %add3A_41 : vector<1024x128xf32>
      %max3A = arith.constant 0.000000e+00 : f32
      %max3A_43 = vector.broadcast %max3A : f32 to vector<1024x128xf32>
      %max3A_44 = arith.maximumf %add3A_42, %max3A_43 : vector<1024x128xf32>
      %get3A_45 = arith.constant 0 : index
      %get3A_46 = arith.constant 0 : index
      %get3A_47 = vector.load %arg11[%get3A_45, %get3A_46] : memref<64x128xf32, #tpu.memory_space<vmem>>, vector<64x128xf32>
      %dot_general3A = arith.constant dense<0.000000e+00> : vector<64x1024xf32>
      %dot_general3A_48 = tpu.matmul %get3A_47, %max3A_44, %dot_general3A {dimension_numbers = #tpu.dot_dimension_numbers<[1], [1], [0], [0], [0, 0, 1, 0], [], []>, transpose_lhs_hint = false} : vector<64x128xf32>, vector<1024x128xf32>, vector<64x1024xf32> -> vector<64x1024xf32>
      %get3A_49 = arith.constant 0 : index
      %get3A_50 = arith.constant 0 : index
      %get3A_51 = vector.load %arg12[%get3A_49, %get3A_50] : memref<64x1xf32, #tpu.memory_space<vmem>>, vector<64x1xf32>
      %add3A_52 = vector.broadcast %get3A_51 : vector<64x1xf32> to vector<64x1024xf32>
      %add3A_53 = arith.addf %dot_general3A_48, %add3A_52 : vector<64x1024xf32>
      %mul3A_54 = arith.mulf %add3A_53, %add3A_53 : vector<64x1024xf32>
      %reduce_sum3A = arith.constant dense<0.000000e+00> : vector<1024xf32>
      %reduce_sum3A_55 = vector.multi_reduction <add>, %mul3A_54, %reduce_sum3A [0] : vector<64x1024xf32> to vector<1024xf32>
      %broadcast_in_dim3A = vector.shape_cast %reduce_sum3A_55 : vector<1024xf32> to vector<1x1024xf32>
      %max3A_56 = arith.constant 1.000000e-24 : f32
      %max3A_57 = vector.broadcast %max3A_56 : f32 to vector<1x1024xf32>
      %max3A_58 = arith.maximumf %broadcast_in_dim3A, %max3A_57 : vector<1x1024xf32>
      %rsqrt3A_59 = math.rsqrt %max3A_58 : vector<1x1024xf32>
      %mul3A_60 = vector.broadcast %rsqrt3A_59 : vector<1x1024xf32> to vector<64x1024xf32>
      %mul3A_61 = arith.mulf %add3A_53, %mul3A_60 : vector<64x1024xf32>
      %swap3A = arith.constant 0 : index
      %swap3A_62 = arith.constant 0 : index
      %swap3A_63 = vector.load %arg13[%swap3A, %swap3A_62] : memref<64x1024xf32, #tpu.memory_space<vmem>>, vector<64x1024xf32>
      tpu.vector_store %arg13[%swap3A, %swap3A_62], %mul3A_61 {strides = array<i32>} : memref<64x1024xf32, #tpu.memory_space<vmem>>, vector<64x1024xf32>,
    } else {
    }
    return
  }
  func.func @transform_0(%arg0: i32, %arg1: i32) -> (i32, i32) {
    %sub3A = arith.constant 1 : i32
    %sub3A_0 = arith.subi %sub3A, %arg0 : i32
    %mul3A = arith.muli %sub3A_0, %arg1 : i32
    %c0_i32 = arith.constant 0 : i32
    %c0_i32_1 = arith.constant 0 : i32
    return %mul3A, %c0_i32 : i32, i32
  }
  func.func @transform_1(%arg0: i32, %arg1: i32) -> (i32, i32, i32) {
    %sub3A = arith.constant 1 : i32
    %sub3A_0 = arith.subi %sub3A, %arg0 : i32
    %mul3A = arith.muli %sub3A_0, %arg1 : i32
    %c0_i32 = arith.constant 0 : i32
    %c0_i32_1 = arith.constant 0 : i32
    %c0_i32_2 = arith.constant 0 : i32
    return %mul3A, %c0_i32, %c0_i32_1 : i32, i32, i32
  }
  func.func @transform_2(%arg0: i32, %arg1: i32) -> (i32, i32, i32) {
    %sub3A = arith.constant 1 : i32
    %sub3A_0 = arith.subi %sub3A, %arg0 : i32
    %mul3A = arith.muli %sub3A_0, %arg1 : i32
    %c0_i32 = arith.constant 0 : i32
    %c0_i32_1 = arith.constant 0 : i32
    %c0_i32_2 = arith.constant 0 : i32
    return %mul3A, %c0_i32, %c0_i32_1 : i32, i32, i32
  }
  func.func @transform_3(%arg0: i32, %arg1: i32) -> (i32, i32, i32) {
    %sub3A = arith.constant 1 : i32
    %sub3A_0 = arith.subi %sub3A, %arg0 : i32
    %mul3A = arith.muli %sub3A_0, %arg1 : i32
    %c0_i32 = arith.constant 0 : i32
    %c0_i32_1 = arith.constant 0 : i32
    %c0_i32_2 = arith.constant 0 : i32
    return %mul3A, %c0_i32, %c0_i32_1 : i32, i32, i32
  }
  func.func @transform_4(%arg0: i32, %arg1: i32) -> (i32, i32) {
    %c0_i32 = arith.constant 0 : i32
    %c0_i32_0 = arith.constant 0 : i32
    %c0_i32_1 = arith.constant 0 : i32
    return %c0_i32, %c0_i32_0 : i32, i32
  }
  func.func @transform_5(%arg0: i32, %arg1: i32) -> (i32, i32) {
    %c0_i32 = arith.constant 0 : i32
    %c0_i32_0 = arith.constant 0 : i32
    %c0_i32_1 = arith.constant 0 : i32
    return %c0_i32, %c0_i32_0 : i32, i32
  }
  func.func @transform_6(%arg0: i32, %arg1: i32) -> (i32, i32) {
    %c0_i32 = arith.constant 0 : i32
    %c0_i32_0 = arith.constant 0 : i32
    %c0_i32_1 = arith.constant 0 : i32
    return %c0_i32, %c0_i32_0 : i32, i32
  }
  func.func @transform_7(%arg0: i32, %arg1: i32) -> (i32, i32) {
    %c0_i32 = arith.constant 0 : i32
    %c0_i32_0 = arith.constant 0 : i32
    %c0_i32_1 = arith.constant 0 : i32
    return %c0_i32, %c0_i32_0 : i32, i32
  }
  func.func @transform_8(%arg0: i32, %arg1: i32) -> (i32, i32) {
    %c0_i32 = arith.constant 0 : i32
    %c0_i32_0 = arith.constant 0 : i32
    %c0_i32_1 = arith.constant 0 : i32
    return %c0_i32, %c0_i32_0 : i32, i32
  }
  func.func @transform_9(%arg0: i32, %arg1: i32) -> (i32, i32) {
    %c0_i32 = arith.constant 0 : i32
    %c0_i32_0 = arith.constant 0 : i32
    %c0_i32_1 = arith.constant 0 : i32
    return %c0_i32, %c0_i32_0 : i32, i32
  }
  func.func @transform_10(%arg0: i32, %arg1: i32) -> (i32, i32) {
    %c0_i32 = arith.constant 0 : i32
    %c0_i32_0 = arith.constant 0 : i32
    %c0_i32_1 = arith.constant 0 : i32
    return %c0_i32, %c0_i32_0 : i32, i32
  }
  func.func @transform_11(%arg0: i32, %arg1: i32) -> (i32, i32) {
    %mul3A = arith.muli %arg0, %arg1 : i32
    %c0_i32 = arith.constant 0 : i32
    %c0_i32_0 = arith.constant 0 : i32
    return %c0_i32, %mul3A : i32, i32
  }
}

</mosaic_0001>

<sc_bundles>
// kernel: kernel.4.cloned.1.call-start
scs
__scs_entry_jumppad:
0x0: {  	(pc) =	sbr.rel $0x88, $3  }
0x1: {  	(tag) =	ssettag $0x0;
	lr =	simm.s32 $0x1  }
0x2: {  	[smem:$0x3F94] =	sst lr;
	_ =	strace $0xD0000000  }
0x3: {  	_ = 	snop  }
0x4: {  	_ = 	snop  }
0x5: {  	_ = 	snop  }
0x6: {  	_ = 	snop  }
0x7: {  	_ = 	snop  }
__scs_overlays_trampoline_lowered:
0x8: {  	[smem:$0x3FA3] =	sst s0  }
0x9: {  	[smem:$0x3FA4] =	sst s1  }
0xa: {  	[smem:$0x3FA5] =	sst s2  }
0xb: {  	[smem:$0x3FA6] =	sst s3  }
0xc: {  	[smem:$0x3FA7] =	sst s4  }
0xd: {  	[smem:$0x3FA8] =	sst s5  }
0xe: {  	[smem:$0x3FA9] =	sst s6  }
0xf: {  	[smem:$0x3FAA] =	sst s7  }
0x10: {  	[smem:$0x3FAB] =	sst s8  }
0x11: {  	[smem:$0x3FAC] =	sst s9;
	s0 =	simm.s32 @!p0 $0x0  }
0x12: {  	s1 =	sld [smem:$0x3F92];
	s0 =	simm.s32 @p0 $0x1  }
0x13: {  	[smem:$0x3FAD] =	sst s0;
	s0 =	simm.s32 @!p1 $0x0  }
0x14: {  	s2 =	sld [smem:$0x3F91];
	s0 =	simm.s32 @p1 $0x1  }
0x15: {  	[smem:$0x3FAE] =	sst s0;
	s0 =	simm.s32 @!p2 $0x0  }
0x16: {  	s3 =	sld [smem:$0x3FDB];
	s0 =	simm.s32 @p2 $0x1  }
0x17: {  	s4 =	simm.s32 $0x1BF5;
	[smem:$0x3FB0] =	sst s0  }
0x18: {  	s0 =	sld [smem:$0x3F93];
	_ =	swait.ge [sflag:s4], $0x0  }
0x19: {  	s7 =	sld [smem:$0x3F94]  }
0x1a: {  	s8 =	sadd.s32 $0xFFFFE003, lr  }
0x1b: {  	s9 =	sadd.s32 $0xFFFFFEF7, lr;
	s5 =	simm.s32 $0xFFFFFFFF;
	p2 =	slt.u32 s8, $0xFFFFF086  }
0x1c: {  	p1 =	slt.u32 s9, $0xF7A;
	s5 =	simm.s32 @!p2 $0x0  }
0x1d: {  	s5 =	simm.s32 @p1 $0x1;
	p0 =	seq.s32 s7, s2  }
0x1e: {  	s7 =	smul.u32 @!p0 $0xF7A, s2;
	p2 =	seq.s32 @!p0 s5, $0x0  }
0x1f: {  	s9 =	smul.u32 $0xF7A, s1;
	s8 =	simm.s32 @!p0 $0x1BF5;
	p2 =	por !p2, p0  }
0x20: {  	[sflag:s8] =	ssyncset.s32 @!p0 $0xFFFFF086;
	s6 =	sadd.s32 @!p0 s3, s7;
	s7 =	simm.s32 @!p0 $0x108  }
0x21: {  	s3 =	sadd.s32 s3, s9;
	s6 =	sadd.s32 @!p0 $0x88, s6;
	s7 =	simm.s32 @p2 $0x1082  }
0x22: {  	[simem:s7], [sflag:s8] =	dma.local @!p0 [hbm:s6], $0xF7A  }
0x23: {  	s9 =	sor.u32 $0xD0000000, s2;
	s6 =	simm.s32 $0x108;
	_ =	swait.ge @!p0 [sflag:s8], $0x0  }
0x24: {  	s3 =	sadd.s32 $0x88, s3;
	s6 =	simm.s32 @!p1 $0x1082;
	[sflag:s4] =	ssyncset.s32 $0xFFFFF086  }
0x25: {  	[simem:s6], [sflag:s4] =	dma.local [hbm:s3], $0xF7A  }
0x26: {  	[smem:$0x3F94] =	sst s1;
	(tag) =	ssettag s2;
	_ =	strace s9  }
0x27: {  	s1 =	sld [smem:$0x3FA4]  }
0x28: {  	s2 =	sld [smem:$0x3FA5]  }
0x29: {  	s4 =	sld [smem:$0x3FA7]  }
0x2a: {  	p0 =	seq.s32 s5, $0x0;
	s5 =	sld [smem:$0x3FA8]  }
0x2b: {  	s6 =	sld [smem:$0x3FA9]  }
0x2c: {  	s7 =	sld [smem:$0x3FAA]  }
0x2d: {  	s3 =	simm.s32 $0x108;
	s8 =	sld [smem:$0x3FAB]  }
0x2e: {  	s3 =	simm.s32 @!p0 $0x1082;
	s9 =	sld [smem:$0x3FAC]  }
0x2f: {  	lr =	sadd.s32 s0, s3;
	s0 =	sld [smem:$0x3FA3]  }
0x30: {  	s3 =	sld [smem:$0x3FA6]  }
0x31: {  	[smem:$0x3FAF] =	sst s10  }
0x32: {  	s10 =	sld [smem:$0x3FAD];
	_ =	sdelay $0x3  }
0x33: {  	p0 =	seq.s32 s10, $0x1;
	s10 =	sld [smem:$0x3FAF];
	_ =	sdelay $0x3  }
0x34: {  	[smem:$0x3FAF] =	sst s10  }
0x35: {  	s10 =	sld [smem:$0x3FAE];
	_ =	sdelay $0x3  }
0x36: {  	p1 =	seq.s32 s10, $0x1;
	s10 =	sld [smem:$0x3FAF];
	_ =	sdelay $0x3  }
0x37: {  	[smem:$0x3FAF] =	sst s10  }
0x38: {  	s10 =	sld [smem:$0x3FB0]  }
0x39: {  	_ = 	snop;
	(pc) =	sbr.ind lr, $3  }
0x3a: {  	_ = 	snop  }
0x3b: {  	_ = 	snop  }
0x3c: {  	p2 =	seq.s32 s10, $0x1;
	s10 =	sld [smem:$0x3FAF]  }
0x3d: {  	_ =	shalt  }
0x3e: {  	_ =	shalt  }
0x3f: {  	_ =	shalt  }
0x40: {  	_ =	shalt  }
0x41: {  	_ =	shalt  }
0x42: {  	_ =	shalt  }
0x43: {  	_ =	shalt  }
0x44: {  	_ =	shalt  }
0x45: {  	_ =	shalt  }
0x46: {  	_ =	shalt  }
0x47: {  	_ =	shalt  }
0x48: {  	_ =	shalt  }
0x49: {  	_ =	shalt  }
0x4a: {  	_ =	shalt  }
0x4b: {  	_ =	shalt  }
0x4c: {  	_ =	shalt  }
0x4d: {  	_ =	shalt  }
0x4e: {  	_ =	shalt  }
0x4f: {  	_ =	shalt  }
0x50: {  	_ =	shalt  }
0x51: {  	_ =	shalt  }
0x52: {  	_ =	shalt  }
0x53: {  	_ =	shalt  }
0x54: {  	_ =	shalt  }
0x55: {  	_ =	shalt  }
0x56: {  	_ =	shalt  }
0x57: {  	_ =	shalt  }
0x58: {  	_ =	shalt  }
0x59: {  	_ =	shalt  }
0x5a: {  	_ =	shalt  }
0x5b: {  	_ =	shalt  }
0x5c: {  	_ =	shalt  }
0x5d: {  	_ =	shalt  }
0x5e: {  	_ =	shalt  }
0x5f: {  	_ =	shalt  }
0x60: {  	_ =	shalt  }
0x61: {  	_ =	shalt  }
0x62: {  	_ =	shalt  }
0x63: {  	_ =	shalt  }
0x64: {  	_ =	shalt  }
0x65: {  	_ =	shalt  }
0x66: {  	_ =	shalt  }
0x67: {  	_ =	shalt  }
0x68: {  	_ =	shalt  }
0x69: {  	_ =	shalt  }
0x6a: {  	_ =	shalt  }
0x6b: {  	_ =	shalt  }
0x6c: {  	_ =	shalt  }
0x6d: {  	_ =	shalt  }
0x6e: {  	_ =	shalt  }
0x6f: {  	_ =	shalt  }
0x70: {  	_ =	shalt  }
0x71: {  	_ =	shalt  }
0x72: {  	_ =	shalt  }
0x73: {  	_ =	shalt  }
0x74: {  	_ =	shalt  }
0x75: {  	_ =	shalt  }
0x76: {  	_ =	shalt  }
0x77: {  	_ =	shalt  }
0x78: {  	_ =	shalt  }
0x79: {  	_ =	shalt  }
0x7a: {  	_ =	shalt  }
0x7b: {  	_ =	shalt  }
0x7c: {  	_ =	shalt  }
0x7d: {  	_ =	shalt  }
0x7e: {  	_ =	shalt  }
0x7f: {  	_ =	shalt  }
0x80: {  	_ =	shalt  }
0x81: {  	_ =	shalt  }
0x82: {  	_ =	shalt  }
0x83: {  	_ =	shalt  }
0x84: {  	_ =	shalt  }
0x85: {  	_ =	shalt  }
0x86: {  	_ =	shalt  }
0x87: {  	_ =	shalt  }
.Lfunc_end0:
.L_simem_size_0:
called_computation_lowered:
.L_overlay_start_0:
0x88: {  	s2 =	sld [smem:$0x3FD9]  }
0x89: {  	s3 =	sld [smem:$0x3FFE];
	_ =	sdelay $0x1  }
0x8a: {  	s1 =	srdreg.scid  }
0x8b: {  	s0 =	sand.u32 $0x1, s1  }
0x8c: {  	s17 =	sshll.u32 s0, $0xA;
	s2 =	sadd.s32 s3, s2  }
0x8d: {  	s2 =	sadd.s32 s2, s17  }
0x8e: {  	[smem:$0x3FBB] =	sst s2  }
0x8f: {  	_ = 	snop  }
0x90: {  	s2 =	sld [smem:$0x3FC9];
	(tm) =	ssettm $0x1  }
0x91: {  	s18 =	sld [smem:$0x3FFB];
	_ =	sdelay $0x3  }
0x92: {  	_ =	strace s18  }
0x93: {  	s3 =	sld [smem:$0x3FFC];
	_ =	sdelay $0x3  }
0x94: {  	_ =	strace s3  }
0x95: {  	s3 =	sld [smem:$0x3FFD];
	_ =	sdelay $0x3  }
0x96: {  	_ =	strace s3  }
0x97: {  	_ =	strace $0x8FFFFFFF  }
0x98: {  	s19 =	sld [smem:$0x3FDB];
	_ =	sdelay $0x1  }
0x99: {  	s4 =	simm.s32 $_scs_section_size  }
0x9a: {  	s5 =	simm.s32 $_size__tile_overlayer_lowered;
	s6 =	simm.s32 $_tile_overlayer_lowered  }
0x9b: {  	s22 =	simm.s32 $0x1BFF;
	s21 =	sshll.u32 s6, $0x1;
	s3 =	sadd.s32 s4, s19  }
0x9c: {  	s7 =	simm.s32 $0x0;
	s20 =	sshll.u32 s5, $0x1;
	s5 =	sadd.s32 s21, s3  }
0x9d: {  	[timem:s7], [sflag:s22] =	dma.local [hbm:s5], s20  }
0x9e: {  	_ =	swait.ge [sflag:s22], s20  }
0x9f: {  	s4 =	ssub.s32 $0x0, s20;
	[sflag:s22] =	ssyncset.done $0x0  }
0xa0: {  	[sflag:s22] =	ssyncadd.s32 s4;
	_ =	sdelay $0x1  }
0xa1: {  	s23 =	simm.s32 $0x1B8B  }
0xa2: {  	_ =	swait.ge [sflag:s23], $0x1  }
0xa3: {  	[sflag:s23] =	ssyncset.done $0x0  }
0xa4: {  	s25 =	simm.s32 $0x1B8E;
	s24 =	sld [smem:$0x3FFE];
	[sflag:s23] =	ssyncadd.s32 $0xFFFFFFFF  }
0xa5: {  	s26 =	simm.s32 $execute0_lowered;
	[smem:$0x3FD2] =	sst s25  }
0xa6: {  	s5 =	sshll.u32 s26, $0x1;
	_ =	strace $0x80000046;
	[dreg:$0x1] =	wrdreg $0xFFFFFFFF  }
0xa7: {  	s28 =	simm.s32 $_size_execute0_lowered;
	s3 =	sadd.s32 s3, s5;
	[dreg:$0x0] =	wrdreg $0x0  }
0xa8: {  	s5 =	sshll.u32 s28, $0x1;
	[dreg:$0x2] =	wrdreg s3  }
0xa9: {  	[dreg:$0x3] =	wrdreg s5  }
0xaa: {  	[dreg:$0x4] =	wrdreg $0xC0  }
0xab: {  	_ =	task [dreg:s7], $0x5FFFF  }
0xac: {  	[dreg:$0x1] =	wrdreg $0xFFFFFFFF  }
0xad: {  	[dreg:$0x0] =	wrdreg $0x60  }
0xae: {  	[dreg:$0x2] =	wrdreg s24  }
0xaf: {  	[dreg:$0x3] =	wrdreg s2  }
0xb0: {  	[dreg:$0x4] =	wrdreg $0x9  }
0xb1: {  	_ =	task.clear_ibuf [dreg:s7], $0x5FFFF;
	_ =	strace $0x90000046  }
0xb2: {  	s29 =	simm.s32 $0x9;
	_ =	strace $0x80000048  }
0xb3: {  	_ =	swait.ge [sflag:s29], $0x1  }
0xb4: {  	[sflag:s29] =	ssyncadd.s32 $0xFFFFFFFF  }
0xb5: {  	_ =	strace $0x90000048  }
0xb6: {  	_ =	sfence  }
0xb7: {  	s30 =	sld [smem:$0x0];
	_ =	sdelay $0x2  }
0xb8: {  	s31 =	sshll.u32 s1, $0xD;
	s1 =	sshrl.u32 s1, $0x2  }
0xb9: {  	s3 =	sand.u32 $0x4000, s31;
	s1 =	sadd.s32 s1, s30  }
0xba: {  	s0 =	sor.u32 s3, s0;
	s1 =	sshll.u32 s1, $0x11  }
0xbb: {  	s0 =	sor.u32 s1, s0  }
0xbc: {  	s0 =	sadd.s32 $0x8F2B, s0  }
0xbd: {  	[sflag:s0] =	ssyncadd.remote.s32 $0x1  }
0xbe: {  	_ =	sfence.sel $0xFFFF  }
0xbf: {  	[dreg:$0x0] =	wrdreg $0xFFFFFFFF;
	(pc) =	sbr.abs _section_cstart, $3  }
0xc0: {  	[dreg:$0x1] =	wrdreg $0xFFFFFFFF  }
0xc1: {  	_ =	task.clear_ibuf [dreg:s7], $0x2FFFF;
	_ =	strace $0x9FFFFFFF  }
0xc2: {  	(tm) =	ssettm $0x7FFFFFFF  }
0xc3: {  	_ =	shalt  }
tec
execute0_lowered:
.L_overlay_start_1:
0x0: {  	(tag) =	ssettag $0x1  }
0x1: {  	s2 =	rddreg [dreg:$0x0]  }
0x2: {  	s4 =	rddreg [dreg:$0x1]  }
0x3: {  	s1 =	simm.s32 $0x0;
	s3 =	srdreg.scid;
	s10 =	simm.s32 $0x0  }
0x4: {  	[smem:$0x7FF] =	sst s1;
	s5 =	sand.u32 $0x1, s3;
	s3 =	sadd.s32 $0x1C00, s2  }
0x5: {  	_ =	strace $0x80000047;
	s6 =	sshll.u32 s5, $0xD;
	s7 =	ssub.s32 $0x2, s5  }
0x6: {  	s5 =	sshll.u32 s5, $0x6;
	s6 =	sadd.s32 s6, s2;
	s2 =	stileid.u32  }
0x7: {  	s8 =	sshrl.u32 s7, $0x1;
	s4 =	sadd.s32 s4, s5;
	s9 =	sshll.u32 s2, $0x7  }
0x8: {  	s31 =	sshll.u32 s2, $0xE;
	s7 =	ssub.s32 s7, s8;
	s8 =	simm.s32 $0x1  }
0x9: {  	s4 =	sadd.s32 s9, s4;
	s5 =	sadd.s32 s31, s6;
	s6 =	smax.u32 s7, $0x1  }
0xa: {  	s7 =	simm.s32 $0x2;
	s9 =	simm.s32 $0x200;
	s5 =	sadd.s32 $0xF44000, s5  }
.LBB2_1:
0xb: {  	[tilespmem:s1], [sflag:$0x2] =	stream.linear.gather [hbm4b:s4+s1], $0x200, $0x38;
	[tilespmem:$0x10200] =	vst v63  }
0xc: {  	_ =	swait.ge [sflag:s7], $0x200  }
0xd: {  	[sflag:s7] =	ssyncset.done $0x0  }
0xe: {  	[sflag:s7] =	ssyncadd.s32 $0xFFFFFE00  }
0xf: {  	v0 =	vld [tilespmem:s1+$0x0];
	_ =	sdelay $0x4  }
0x10: {  	v0 =	vshll.u32 v0, $0x4  }
0x11: {  	(v2sf) =	vpush v0, $0x0  }
0x12: {  	(v2sf) =	vpush v0, $0x1  }
0x13: {  	(v2sf) =	vpush v0, $0x2;
	_ =	sdelay $0x1  }
0x14: {  	(v2sf) =	vpush v0, $0x4;
	_ =	sdelay $0x1  }
0x15: {  	(v2sf) =	vpush v0, $0x3  }
0x16: {  	(v2sf) =	vpush v0, $0x5  }
0x17: {  	s13 =	simm.s32 $0x2000;
	s12 =	simm.s32 $0x0;
	s14 =	simm.s32 $0x0;
	(v2sf) =	vpush v0, $0x6  }
.LBB2_2:
0x18: {  	p0 =	sne.s32 s13, $0xE000  }
0x19: {  	s24 =	sadd.s32 $0x280, s12;
	s18 =	sadd.s32 $0x780, s12;
	s15 =	smov.u32 s13  }
0x1a: {  	s13 =	sadd.s32 $0x2000, s13;
	s21 =	sadd.s32 $0x580, s12;
	s16 =	sadd.s32 $0x800, s12;
	(v2sf) =	vpush v0, $0x7  }
0x1b: {  	s23 =	sadd.s32 $0x480, s12;
	s19 =	sadd.s32 $0x600, s12;
	s17 =	sadd.s32 $0x880, s12  }
0x1c: {  	s25 =	sadd.s32 $0x200, s12;
	s26 =	sadd.s32 $0x400, s12;
	(v2sf) =	vpush v0, $0x8  }
0x1d: {  	s11 =	simm.s32 $0x0;
	s28 =	sadd.s32 $0x500, s12;
	s14 =	sadd.s32 $0x10, s14  }
0x1e: {  	s29 =	sadd.s32 $0x300, s12;
	s20 =	sadd.s32 $0x700, s12;
	s22 =	spop (v2sf);
	(v2sf) =	vpush v0, $0x9  }
0x1f: {  	s30 =	sand.u32 $0x1FFFFFF0, s22;
	s22 =	sadd.s32 $0x680, s12;
	s31 =	spop (v2sf)  }
0x20: {  	s30 =	sadd.s32 s3, s30;
	s31 =	sand.u32 $0x1FFFFFF0, s31;
	s0 =	spop (v2sf);
	(v2sf) =	vpush v0, $0xA  }
0x21: {  	[tilespmem:s25], [sflag:$0x1] =	stream.linear.gather [hbm4b:s30+s11], $0x80, $0x38;
	[tilespmem:$0x10200] =	vst v63  }
0x22: {  	s25 =	sadd.s32 s3, s31;
	s30 =	sadd.s32 $0x380, s12;
	s31 =	spop (v2sf);
	(v2sf) =	vpush v0, $0xB  }
0x23: {  	[tilespmem:s24], [sflag:$0x1] =	stream.linear.gather [hbm4b:s25+s11], $0x80, $0x38;
	[tilespmem:$0x10200] =	vst v63  }
0x24: {  	s0 =	sand.u32 $0x1FFFFFF0, s0;
	s24 =	sand.u32 $0x1FFFFFF0, s31;
	s25 =	spop (v2sf);
	(v2sf) =	vpush v0, $0xC  }
0x25: {  	s0 =	sadd.s32 s3, s0;
	s25 =	sand.u32 $0x1FFFFFF0, s25;
	s31 =	spop (v2sf)  }
0x26: {  	[tilespmem:s29], [sflag:$0x1] =	stream.linear.gather [hbm4b:s0+s11], $0x80, $0x38;
	(v2sf) =	vpush v0, $0xD;
	[tilespmem:$0x10200] =	vst v63  }
0x27: {  	s0 =	sadd.s32 s3, s25;
	s25 =	sand.u32 $0x1FFFFFF0, s31;
	s29 =	spop (v2sf)  }
0x28: {  	[tilespmem:s30], [sflag:$0x1] =	stream.linear.gather [hbm4b:s0+s11], $0x80, $0x38;
	(v2sf) =	vpush v0, $0xE;
	[tilespmem:$0x10200] =	vst v63  }
0x29: {  	s0 =	sadd.s32 s3, s24;
	s24 =	sand.u32 $0x1FFFFFF0, s29;
	s29 =	spop (v2sf)  }
0x2a: {  	[tilespmem:s26], [sflag:$0x1] =	stream.linear.gather [hbm4b:s0+s11], $0x80, $0x38;
	(v2sf) =	vpush v0, $0xF;
	[tilespmem:$0x10200] =	vst v63  }
0x2b: {  	s0 =	sadd.s32 s3, s25;
	s25 =	sand.u32 $0x1FFFFFF0, s29;
	s26 =	spop (v2sf)  }
0x2c: {  	[tilespmem:s23], [sflag:$0x1] =	stream.linear.gather [hbm4b:s0+s11], $0x80, $0x38;
	[tilespmem:$0x10200] =	vst v63  }
0x2d: {  	s0 =	sadd.s32 s3, s24;
	s23 =	sand.u32 $0x1FFFFFF0, s26;
	s24 =	spop (v2sf)  }
0x2e: {  	[tilespmem:s28], [sflag:$0x1] =	stream.linear.gather [hbm4b:s0+s11], $0x80, $0x38;
	[tilespmem:$0x10200] =	vst v63  }
0x2f: {  	s0 =	sadd.s32 s3, s25;
	s24 =	sand.u32 $0x1FFFFFF0, s24;
	s25 =	spop (v2sf)  }
0x30: {  	[tilespmem:s21], [sflag:$0x1] =	stream.linear.gather [hbm4b:s0+s11], $0x80, $0x38;
	[tilespmem:$0x10200] =	vst v63  }
0x31: {  	s0 =	sadd.s32 s3, s23;
	s21 =	sand.u32 $0x1FFFFFF0, s25;
	s23 =	spop (v2sf)  }
0x32: {  	[tilespmem:s19], [sflag:$0x1] =	stream.linear.gather [hbm4b:s0+s11], $0x80, $0x38;
	[tilespmem:$0x10200] =	vst v63  }
0x33: {  	s0 =	sadd.s32 s3, s24;
	s19 =	sand.u32 $0x1FFFFFF0, s23;
	s23 =	spop (v2sf)  }
0x34: {  	[tilespmem:s22], [sflag:$0x1] =	stream.linear.gather [hbm4b:s0+s11], $0x80, $0x38;
	[tilespmem:$0x10200] =	vst v63  }
0x35: {  	s0 =	sadd.s32 s3, s21;
	s21 =	sand.u32 $0x1FFFFFF0, s23;
	s22 =	spop (v2sf)  }
0x36: {  	[tilespmem:s20], [sflag:$0x1] =	stream.linear.gather [hbm4b:s0+s11], $0x80, $0x38;
	[tilespmem:$0x10200] =	vst v63  }
0x37: {  	s0 =	sadd.s32 s3, s19;
	s19 =	sand.u32 $0x1FFFFFF0, s22;
	s20 =	spop (v2sf)  }
0x38: {  	[tilespmem:s18], [sflag:$0x1] =	stream.linear.gather [hbm4b:s0+s11], $0x80, $0x38;
	[tilespmem:$0x10200] =	vst v63  }
0x39: {  	s0 =	sadd.s32 s3, s21;
	s18 =	sand.u32 $0x1FFFFFF0, s20;
	s20 =	spop (v2sf)  }
0x3a: {  	[tilespmem:s16], [sflag:$0x1] =	stream.linear.gather [hbm4b:s0+s11], $0x80, $0x38;
	[tilespmem:$0x10200] =	vst v63  }
0x3b: {  	s0 =	sadd.s32 s3, s19;
	s16 =	sand.u32 $0x1FFFFFF0, s20  }
0x3c: {  	[tilespmem:s17], [sflag:$0x1] =	stream.linear.gather [hbm4b:s0+s11], $0x80, $0x38;
	[tilespmem:$0x10200] =	vst v63  }
0x3d: {  	s0 =	sadd.s32 $0x900, s12;
	s17 =	sadd.s32 s3, s18  }
0x3e: {  	[tilespmem:s0], [sflag:$0x1] =	stream.linear.gather [hbm4b:s17+s11], $0x80, $0x38;
	[tilespmem:$0x10200] =	vst v63  }
0x3f: {  	s0 =	sadd.s32 $0x980, s12;
	s12 =	sadd.s32 s3, s16  }
0x40: {  	[tilespmem:s0], [sflag:$0x1] =	stream.linear.gather [hbm4b:s12+s11], $0x80, $0x38;
	[tilespmem:$0x10200] =	vst v63  }
0x41: {  	v0 =	vld [tilespmem:s14+$0x0];
	_ =	sdelay $0x4  }
0x42: {  	v0 =	vshll.u32 v0, $0x4  }
0x43: {  	(v2sf) =	vpush v0, $0x0  }
0x44: {  	(v2sf) =	vpush v0, $0x1  }
0x45: {  	(v2sf) =	vpush v0, $0x2;
	_ =	sdelay $0x1  }
0x46: {  	(v2sf) =	vpush v0, $0x4  }
.Ltmp0:
0x47: {  	(pc) =	sbr.rel @p0 .LBB2_2-.Ltmp0, $3  }
0x48: {  	(v2sf) =	vpush v0, $0x3  }
0x49: {  	(v2sf) =	vpush v0, $0x5;
	_ =	sdelay $0x1  }
0x4a: {  	s12 =	sshra.s32 s15, $0x2;
	(v2sf) =	vpush v0, $0x6  }
0x4b: {  	_ =	sdelay $0x1  }
0x4c: {  	s0 =	sadd.s32 $0x280, s12;
	s15 =	sadd.s32 $0x780, s12  }
0x4d: {  	s16 =	sadd.s32 $0x580, s12;
	s13 =	sadd.s32 $0x800, s12;
	(v2sf) =	vpush v0, $0x7;
	s17 =	sadd.s32 $0x480, s12  }
0x4e: {  	s18 =	sadd.s32 $0x600, s12;
	s14 =	sadd.s32 $0x880, s12;
	s19 =	sadd.s32 $0x200, s12  }
0x4f: {  	s20 =	sadd.s32 $0x400, s12;
	s21 =	sadd.s32 $0x500, s12;
	(v2sf) =	vpush v0, $0x8;
	s22 =	spop (v2sf)  }
0x50: {  	s23 =	sadd.s32 $0x300, s12;
	s22 =	sand.u32 $0x1FFFFFF0, s22;
	s24 =	spop (v2sf)  }
0x51: {  	(v2sf) =	vpush v0, $0x9;
	s22 =	sadd.s32 s3, s22;
	s24 =	sand.u32 $0x1FFFFFF0, s24;
	s25 =	spop (v2sf)  }
0x52: {  	[tilespmem:s19], [sflag:$0x1] =	stream.linear.gather [hbm4b:s22+s11], $0x80, $0x38;
	[tilespmem:$0x10200] =	vst v63  }
0x53: {  	(v2sf) =	vpush v0, $0xA;
	s26 =	sadd.s32 s3, s24;
	s29 =	sand.u32 $0x1FFFFFF0, s25;
	s28 =	spop (v2sf)  }
0x54: {  	[tilespmem:s0], [sflag:$0x1] =	stream.linear.gather [hbm4b:s26+s11], $0x80, $0x38;
	[tilespmem:$0x10200] =	vst v63  }
0x55: {  	s19 =	sadd.s32 $0x700, s12;
	(v2sf) =	vpush v0, $0xB;
	s22 =	sadd.s32 s3, s29;
	s30 =	spop (v2sf)  }
0x56: {  	s0 =	sadd.s32 $0x680, s12;
	s26 =	sadd.s32 $0x380, s12;
	s25 =	sand.u32 $0x1FFFFFF0, s30  }
0x57: {  	(v2sf) =	vpush v0, $0xC;
	[tilespmem:s23], [sflag:$0x1] =	stream.linear.gather [hbm4b:s22+s11], $0x80, $0x38;
	[tilespmem:$0x10200] =	vst v63  }
0x58: {  	s31 =	sand.u32 $0x1FFFFFF0, s28;
	s28 =	spop (v2sf);
	s29 =	sadd.s32 s3, s25  }
0x59: {  	(v2sf) =	vpush v0, $0xD;
	[tilespmem:s26], [sflag:$0x1] =	stream.linear.gather [hbm4b:s29+s11], $0x80, $0x38;
	[tilespmem:$0x10200] =	vst v63  }
0x5a: {  	s22 =	sadd.s32 s3, s31;
	s23 =	sand.u32 $0x1FFFFFF0, s28;
	s30 =	spop (v2sf)  }
0x5b: {  	(v2sf) =	vpush v0, $0xE;
	[tilespmem:s20], [sflag:$0x1] =	stream.linear.gather [hbm4b:s22+s11], $0x80, $0x38;
	[tilespmem:$0x10200] =	vst v63  }
0x5c: {  	s23 =	sadd.s32 s3, s23;
	s31 =	sand.u32 $0x1FFFFFF0, s30;
	s24 =	spop (v2sf)  }
0x5d: {  	(v2sf) =	vpush v0, $0xF;
	[tilespmem:s17], [sflag:$0x1] =	stream.linear.gather [hbm4b:s23+s11], $0x80, $0x38;
	[tilespmem:$0x10200] =	vst v63  }
0x5e: {  	s25 =	sand.u32 $0x1FFFFFF0, s24;
	s26 =	spop (v2sf);
	s20 =	sadd.s32 s3, s31  }
0x5f: {  	[tilespmem:s21], [sflag:$0x1] =	stream.linear.gather [hbm4b:s20+s11], $0x80, $0x38;
	[tilespmem:$0x10200] =	vst v63  }
0x60: {  	s28 =	sand.u32 $0x1FFFFFF0, s26;
	s17 =	sadd.s32 s3, s25;
	s29 =	spop (v2sf)  }
0x61: {  	[tilespmem:s16], [sflag:$0x1] =	stream.linear.gather [hbm4b:s17+s11], $0x80, $0x38;
	[tilespmem:$0x10200] =	vst v63  }
0x62: {  	s20 =	sadd.s32 s3, s28;
	s30 =	sand.u32 $0x1FFFFFF0, s29;
	s31 =	spop (v2sf)  }
0x63: {  	[tilespmem:s18], [sflag:$0x1] =	stream.linear.gather [hbm4b:s20+s11], $0x80, $0x38;
	[tilespmem:$0x10200] =	vst v63  }
0x64: {  	s17 =	sand.u32 $0x1FFFFFF0, s31;
	s16 =	sadd.s32 s3, s30;
	s20 =	spop (v2sf)  }
0x65: {  	[tilespmem:s0], [sflag:$0x1] =	stream.linear.gather [hbm4b:s16+s11], $0x80, $0x38;
	[tilespmem:$0x10200] =	vst v63  }
0x66: {  	s17 =	sadd.s32 s3, s17;
	s21 =	sand.u32 $0x1FFFFFF0, s20;
	s22 =	spop (v2sf)  }
0x67: {  	[tilespmem:s19], [sflag:$0x1] =	stream.linear.gather [hbm4b:s17+s11], $0x80, $0x38;
	[tilespmem:$0x10200] =	vst v63  }
0x68: {  	s0 =	sadd.s32 s3, s21;
	s16 =	sand.u32 $0x1FFFFFF0, s22;
	s23 =	spop (v2sf)  }
0x69: {  	[tilespmem:s15], [sflag:$0x1] =	stream.linear.gather [hbm4b:s0+s11], $0x80, $0x38;
	[tilespmem:$0x10200] =	vst v63  }
0x6a: {  	s24 =	sand.u32 $0x1FFFFFF0, s23;
	s16 =	sadd.s32 s3, s16;
	s25 =	spop (v2sf)  }
0x6b: {  	[tilespmem:s13], [sflag:$0x1] =	stream.linear.gather [hbm4b:s16+s11], $0x80, $0x38;
	[tilespmem:$0x10200] =	vst v63  }
0x6c: {  	s26 =	sand.u32 $0x1FFFFFF0, s25;
	s28 =	spop (v2sf);
	s0 =	sadd.s32 s3, s24  }
0x6d: {  	[tilespmem:s14], [sflag:$0x1] =	stream.linear.gather [hbm4b:s0+s11], $0x80, $0x38;
	[tilespmem:$0x10200] =	vst v63  }
0x6e: {  	s30 =	sadd.s32 $0x900, s12;
	s29 =	sand.u32 $0x1FFFFFF0, s28;
	s13 =	sadd.s32 s3, s26  }
0x6f: {  	[tilespmem:s30], [sflag:$0x1] =	stream.linear.gather [hbm4b:s13+s11], $0x80, $0x38;
	[tilespmem:$0x10200] =	vst v63  }
0x70: {  	s31 =	sadd.s32 $0x980, s12;
	s0 =	sadd.s32 s3, s29;
	s13 =	simm.s32 $0x80  }
0x71: {  	[tilespmem:s31], [sflag:$0x1] =	stream.linear.gather [hbm4b:s0+s11], $0x80, $0x38;
	[tilespmem:$0x10200] =	vst v63  }
0x72: {  	v0 =	vld [tilespmem:s13+$0x0];
	_ =	sdelay $0x4  }
0x73: {  	v0 =	vshll.u32 v0, $0x4  }
0x74: {  	(v2sf) =	vpush v0, $0x0  }
0x75: {  	(v2sf) =	vpush v0, $0x1  }
0x76: {  	(v2sf) =	vpush v0, $0x2;
	_ =	sdelay $0x1  }
0x77: {  	(v2sf) =	vpush v0, $0x4;
	_ =	sdelay $0x1  }
0x78: {  	(v2sf) =	vpush v0, $0x3  }
0x79: {  	(v2sf) =	vpush v0, $0x5  }
0x7a: {  	s12 =	simm.s32 $0x0;
	s14 =	simm.s32 $0x2000;
	(v2sf) =	vpush v0, $0x6  }
.LBB2_4:
0x7b: {  	p0 =	sne.s32 s14, $0xE000  }
0x7c: {  	s0 =	sadd.s32 $0x4280, s12;
	s18 =	sadd.s32 $0x4780, s12;
	s15 =	smov.u32 s14  }
0x7d: {  	s14 =	sadd.s32 $0x2000, s14;
	s21 =	sadd.s32 $0x4580, s12;
	s16 =	sadd.s32 $0x4800, s12;
	(v2sf) =	vpush v0, $0x7  }
0x7e: {  	s23 =	sadd.s32 $0x4480, s12;
	s20 =	sadd.s32 $0x4600, s12;
	s17 =	sadd.s32 $0x4880, s12  }
0x7f: {  	s24 =	sadd.s32 $0x4200, s12;
	s25 =	sadd.s32 $0x4400, s12;
	(v2sf) =	vpush v0, $0x8  }
0x80: {  	s26 =	sadd.s32 $0x4500, s12;
	s13 =	sadd.s32 $0x10, s13  }
0x81: {  	s28 =	sadd.s32 $0x4300, s12;
	s19 =	sadd.s32 $0x4700, s12;
	s22 =	spop (v2sf);
	(v2sf) =	vpush v0, $0x9  }
0x82: {  	s29 =	sand.u32 $0x1FFFFFF0, s22;
	s22 =	sadd.s32 $0x4680, s12;
	s30 =	spop (v2sf)  }
0x83: {  	s29 =	sadd.s32 s3, s29;
	s30 =	sand.u32 $0x1FFFFFF0, s30;
	s31 =	spop (v2sf);
	(v2sf) =	vpush v0, $0xA  }
0x84: {  	[tilespmem:s24], [sflag:$0x1] =	stream.linear.gather [hbm4b:s29+s11], $0x80, $0x38;
	[tilespmem:$0x10200] =	vst v63  }
0x85: {  	s24 =	sadd.s32 s3, s30;
	s29 =	sadd.s32 $0x4380, s12;
	s30 =	spop (v2sf);
	(v2sf) =	vpush v0, $0xB  }
0x86: {  	[tilespmem:s0], [sflag:$0x1] =	stream.linear.gather [hbm4b:s24+s11], $0x80, $0x38;
	[tilespmem:$0x10200] =	vst v63  }
0x87: {  	s0 =	sand.u32 $0x1FFFFFF0, s31;
	s24 =	sand.u32 $0x1FFFFFF0, s30;
	s30 =	spop (v2sf);
	(v2sf) =	vpush v0, $0xC  }
0x88: {  	s0 =	sadd.s32 s3, s0;
	s30 =	sand.u32 $0x1FFFFFF0, s30;
	s31 =	spop (v2sf)  }
0x89: {  	[tilespmem:s28], [sflag:$0x1] =	stream.linear.gather [hbm4b:s0+s11], $0x80, $0x38;
	(v2sf) =	vpush v0, $0xD;
	[tilespmem:$0x10200] =	vst v63  }
0x8a: {  	s0 =	sadd.s32 s3, s30;
	s28 =	sand.u32 $0x1FFFFFF0, s31;
	s30 =	spop (v2sf)  }
0x8b: {  	[tilespmem:s29], [sflag:$0x1] =	stream.linear.gather [hbm4b:s0+s11], $0x80, $0x38;
	(v2sf) =	vpush v0, $0xE;
	[tilespmem:$0x10200] =	vst v63  }
0x8c: {  	s0 =	sadd.s32 s3, s24;
	s24 =	sand.u32 $0x1FFFFFF0, s30;
	s29 =	spop (v2sf)  }
0x8d: {  	[tilespmem:s25], [sflag:$0x1] =	stream.linear.gather [hbm4b:s0+s11], $0x80, $0x38;
	(v2sf) =	vpush v0, $0xF;
	[tilespmem:$0x10200] =	vst v63  }
0x8e: {  	s0 =	sadd.s32 s3, s28;
	s25 =	sand.u32 $0x1FFFFFF0, s29;
	s28 =	spop (v2sf)  }
0x8f: {  	[tilespmem:s23], [sflag:$0x1] =	stream.linear.gather [hbm4b:s0+s11], $0x80, $0x38;
	[tilespmem:$0x10200] =	vst v63  }
0x90: {  	s0 =	sadd.s32 s3, s24;
	s23 =	sand.u32 $0x1FFFFFF0, s28;
	s24 =	spop (v2sf)  }
0x91: {  	[tilespmem:s26], [sflag:$0x1] =	stream.linear.gather [hbm4b:s0+s11], $0x80, $0x38;
	[tilespmem:$0x10200] =	vst v63  }
0x92: {  	s0 =	sadd.s32 s3, s25;
	s24 =	sand.u32 $0x1FFFFFF0, s24;
	s25 =	spop (v2sf)  }
0x93: {  	[tilespmem:s21], [sflag:$0x1] =	stream.linear.gather [hbm4b:s0+s11], $0x80, $0x38;
	[tilespmem:$0x10200] =	vst v63  }
0x94: {  	s0 =	sadd.s32 s3, s23;
	s21 =	sand.u32 $0x1FFFFFF0, s25;
	s23 =	spop (v2sf)  }
0x95: {  	[tilespmem:s20], [sflag:$0x1] =	stream.linear.gather [hbm4b:s0+s11], $0x80, $0x38;
	[tilespmem:$0x10200] =	vst v63  }
0x96: {  	s0 =	sadd.s32 s3, s24;
	s20 =	sand.u32 $0x1FFFFFF0, s23;
	s23 =	spop (v2sf)  }
0x97: {  	[tilespmem:s22], [sflag:$0x1] =	stream.linear.gather [hbm4b:s0+s11], $0x80, $0x38;
	[tilespmem:$0x10200] =	vst v63  }
0x98: {  	s0 =	sadd.s32 s3, s21;
	s21 =	sand.u32 $0x1FFFFFF0, s23;
	s22 =	spop (v2sf)  }
0x99: {  	[tilespmem:s19], [sflag:$0x1] =	stream.linear.gather [hbm4b:s0+s11], $0x80, $0x38;
	[tilespmem:$0x10200] =	vst v63  }
0x9a: {  	s0 =	sadd.s32 s3, s20;
	s19 =	sand.u32 $0x1FFFFFF0, s22;
	s20 =	spop (v2sf)  }
0x9b: {  	[tilespmem:s18], [sflag:$0x1] =	stream.linear.gather [hbm4b:s0+s11], $0x80, $0x38;
	[tilespmem:$0x10200] =	vst v63  }
0x9c: {  	s0 =	sadd.s32 s3, s21;
	s18 =	sand.u32 $0x1FFFFFF0, s20;
	s20 =	spop (v2sf)  }
0x9d: {  	[tilespmem:s16], [sflag:$0x1] =	stream.linear.gather [hbm4b:s0+s11], $0x80, $0x38;
	[tilespmem:$0x10200] =	vst v63  }
0x9e: {  	s0 =	sadd.s32 s3, s19;
	s16 =	sand.u32 $0x1FFFFFF0, s20  }
0x9f: {  	[tilespmem:s17], [sflag:$0x1] =	stream.linear.gather [hbm4b:s0+s11], $0x80, $0x38;
	[tilespmem:$0x10200] =	vst v63  }
0xa0: {  	s0 =	sadd.s32 $0x4900, s12;
	s17 =	sadd.s32 s3, s18  }
0xa1: {  	[tilespmem:s0], [sflag:$0x1] =	stream.linear.gather [hbm4b:s17+s11], $0x80, $0x38;
	[tilespmem:$0x10200] =	vst v63  }
0xa2: {  	s0 =	sadd.s32 $0x4980, s12;
	s12 =	sadd.s32 s3, s16  }
0xa3: {  	[tilespmem:s0], [sflag:$0x1] =	stream.linear.gather [hbm4b:s12+s11], $0x80, $0x38;
	[tilespmem:$0x10200] =	vst v63  }
0xa4: {  	v0 =	vld [tilespmem:s13+$0x0];
	_ =	sdelay $0x4  }
0xa5: {  	v0 =	vshll.u32 v0, $0x4  }
0xa6: {  	(v2sf) =	vpush v0, $0x0  }
0xa7: {  	(v2sf) =	vpush v0, $0x1  }
0xa8: {  	(v2sf) =	vpush v0, $0x2;
	_ =	sdelay $0x1  }
0xa9: {  	(v2sf) =	vpush v0, $0x4  }
.Ltmp1:
0xaa: {  	(pc) =	sbr.rel @p0 .LBB2_4-.Ltmp1, $3  }
0xab: {  	(v2sf) =	vpush v0, $0x3  }
0xac: {  	(v2sf) =	vpush v0, $0x5;
	_ =	sdelay $0x1  }
0xad: {  	s12 =	sshra.s32 s15, $0x2;
	(v2sf) =	vpush v0, $0x6  }
0xae: {  	_ =	sdelay $0x1  }
0xaf: {  	s0 =	sadd.s32 $0x4280, s12;
	s15 =	sadd.s32 $0x4780, s12  }
0xb0: {  	s16 =	sadd.s32 $0x4580, s12;
	s13 =	sadd.s32 $0x4800, s12;
	(v2sf) =	vpush v0, $0x7;
	s17 =	sadd.s32 $0x4480, s12  }
0xb1: {  	s18 =	sadd.s32 $0x4600, s12;
	s14 =	sadd.s32 $0x4880, s12;
	s19 =	sadd.s32 $0x4200, s12  }
0xb2: {  	s20 =	sadd.s32 $0x4400, s12;
	s21 =	sadd.s32 $0x4500, s12;
	(v2sf) =	vpush v0, $0x8;
	s22 =	spop (v2sf)  }
0xb3: {  	s23 =	sadd.s32 $0x4300, s12;
	s22 =	sand.u32 $0x1FFFFFF0, s22;
	s24 =	spop (v2sf)  }
0xb4: {  	(v2sf) =	vpush v0, $0x9;
	s22 =	sadd.s32 s3, s22;
	s24 =	sand.u32 $0x1FFFFFF0, s24;
	s25 =	spop (v2sf)  }
0xb5: {  	[tilespmem:s19], [sflag:$0x1] =	stream.linear.gather [hbm4b:s22+s11], $0x80, $0x38;
	[tilespmem:$0x10200] =	vst v63  }
0xb6: {  	(v2sf) =	vpush v0, $0xA;
	s26 =	sadd.s32 s3, s24;
	s29 =	sand.u32 $0x1FFFFFF0, s25;
	s28 =	spop (v2sf)  }
0xb7: {  	[tilespmem:s0], [sflag:$0x1] =	stream.linear.gather [hbm4b:s26+s11], $0x80, $0x38;
	[tilespmem:$0x10200] =	vst v63  }
0xb8: {  	s19 =	sadd.s32 $0x4700, s12;
	(v2sf) =	vpush v0, $0xB;
	s22 =	sadd.s32 s3, s29;
	s30 =	spop (v2sf)  }
0xb9: {  	s0 =	sadd.s32 $0x4680, s12;
	s26 =	sadd.s32 $0x4380, s12;
	s25 =	sand.u32 $0x1FFFFFF0, s30  }
0xba: {  	(v2sf) =	vpush v0, $0xC;
	[tilespmem:s23], [sflag:$0x1] =	stream.linear.gather [hbm4b:s22+s11], $0x80, $0x38;
	[tilespmem:$0x10200] =	vst v63  }
0xbb: {  	s31 =	sand.u32 $0x1FFFFFF0, s28;
	s28 =	spop (v2sf);
	s29 =	sadd.s32 s3, s25  }
0xbc: {  	(v2sf) =	vpush v0, $0xD;
	[tilespmem:s26], [sflag:$0x1] =	stream.linear.gather [hbm4b:s29+s11], $0x80, $0x38;
	[tilespmem:$0x10200] =	vst v63  }
0xbd: {  	s22 =	sadd.s32 s3, s31;
	s23 =	sand.u32 $0x1FFFFFF0, s28;
	s30 =	spop (v2sf)  }
0xbe: {  	(v2sf) =	vpush v0, $0xE;
	[tilespmem:s20], [sflag:$0x1] =	stream.linear.gather [hbm4b:s22+s11], $0x80, $0x38;
	[tilespmem:$0x10200] =	vst v63  }
0xbf: {  	s23 =	sadd.s32 s3, s23;
	s31 =	sand.u32 $0x1FFFFFF0, s30;
	s24 =	spop (v2sf)  }
0xc0: {  	(v2sf) =	vpush v0, $0xF;
	[tilespmem:s17], [sflag:$0x1] =	stream.linear.gather [hbm4b:s23+s11], $0x80, $0x38;
	[tilespmem:$0x10200] =	vst v63  }
0xc1: {  	s25 =	sand.u32 $0x1FFFFFF0, s24;
	s26 =	spop (v2sf);
	s20 =	sadd.s32 s3, s31  }
0xc2: {  	[tilespmem:s21], [sflag:$0x1] =	stream.linear.gather [hbm4b:s20+s11], $0x80, $0x38;
	[tilespmem:$0x10200] =	vst v63  }
0xc3: {  	s28 =	sand.u32 $0x1FFFFFF0, s26;
	s17 =	sadd.s32 s3, s25;
	s29 =	spop (v2sf)  }
0xc4: {  	[tilespmem:s16], [sflag:$0x1] =	stream.linear.gather [hbm4b:s17+s11], $0x80, $0x38;
	[tilespmem:$0x10200] =	vst v63  }
0xc5: {  	s20 =	sadd.s32 s3, s28;
	s30 =	sand.u32 $0x1FFFFFF0, s29;
	s31 =	spop (v2sf)  }
0xc6: {  	[tilespmem:s18], [sflag:$0x1] =	stream.linear.gather [hbm4b:s20+s11], $0x80, $0x38;
	[tilespmem:$0x10200] =	vst v63  }
0xc7: {  	s17 =	sand.u32 $0x1FFFFFF0, s31;
	s16 =	sadd.s32 s3, s30;
	s20 =	spop (v2sf)  }
0xc8: {  	[tilespmem:s0], [sflag:$0x1] =	stream.linear.gather [hbm4b:s16+s11], $0x80, $0x38;
	[tilespmem:$0x10200] =	vst v63  }
0xc9: {  	s17 =	sadd.s32 s3, s17;
	s21 =	sand.u32 $0x1FFFFFF0, s20;
	s22 =	spop (v2sf)  }
0xca: {  	[tilespmem:s19], [sflag:$0x1] =	stream.linear.gather [hbm4b:s17+s11], $0x80, $0x38;
	[tilespmem:$0x10200] =	vst v63  }
0xcb: {  	s0 =	sadd.s32 s3, s21;
	s16 =	sand.u32 $0x1FFFFFF0, s22;
	s23 =	spop (v2sf)  }
0xcc: {  	[tilespmem:s15], [sflag:$0x1] =	stream.linear.gather [hbm4b:s0+s11], $0x80, $0x38;
	[tilespmem:$0x10200] =	vst v63  }
0xcd: {  	s24 =	sand.u32 $0x1FFFFFF0, s23;
	s16 =	sadd.s32 s3, s16;
	s25 =	spop (v2sf)  }
0xce: {  	[tilespmem:s13], [sflag:$0x1] =	stream.linear.gather [hbm4b:s16+s11], $0x80, $0x38;
	[tilespmem:$0x10200] =	vst v63  }
0xcf: {  	s26 =	sand.u32 $0x1FFFFFF0, s25;
	s28 =	spop (v2sf);
	s0 =	sadd.s32 s3, s24  }
0xd0: {  	[tilespmem:s14], [sflag:$0x1] =	stream.linear.gather [hbm4b:s0+s11], $0x80, $0x38;
	[tilespmem:$0x10200] =	vst v63  }
0xd1: {  	s30 =	sadd.s32 $0x4900, s12;
	s29 =	sand.u32 $0x1FFFFFF0, s28;
	s13 =	sadd.s32 s3, s26  }
0xd2: {  	[tilespmem:s30], [sflag:$0x1] =	stream.linear.gather [hbm4b:s13+s11], $0x80, $0x38;
	[tilespmem:$0x10200] =	vst v63  }
0xd3: {  	s31 =	sadd.s32 $0x4980, s12;
	s0 =	sadd.s32 s3, s29;
	s13 =	simm.s32 $0x100  }
0xd4: {  	[tilespmem:s31], [sflag:$0x1] =	stream.linear.gather [hbm4b:s0+s11], $0x80, $0x38;
	[tilespmem:$0x10200] =	vst v63  }
0xd5: {  	v0 =	vld [tilespmem:s13+$0x0];
	_ =	sdelay $0x4  }
0xd6: {  	v0 =	vshll.u32 v0, $0x4  }
0xd7: {  	(v2sf) =	vpush v0, $0x0  }
0xd8: {  	(v2sf) =	vpush v0, $0x1  }
0xd9: {  	(v2sf) =	vpush v0, $0x2;
	_ =	sdelay $0x1  }
0xda: {  	(v2sf) =	vpush v0, $0x4;
	_ =	sdelay $0x1  }
0xdb: {  	(v2sf) =	vpush v0, $0x3  }
0xdc: {  	(v2sf) =	vpush v0, $0x5  }
0xdd: {  	s12 =	simm.s32 $0x0;
	s14 =	simm.s32 $0x2000;
	(v2sf) =	vpush v0, $0x6  }
.LBB2_6:
0xde: {  	p0 =	sne.s32 s14, $0xE000  }
0xdf: {  	s0 =	sadd.s32 $0x8280, s12;
	s18 =	sadd.s32 $0x8780, s12;
	s15 =	smov.u32 s14  }
0xe0: {  	s14 =	sadd.s32 $0x2000, s14;
	s21 =	sadd.s32 $0x8580, s12;
	s16 =	sadd.s32 $0x8800, s12;
	(v2sf) =	vpush v0, $0x7  }
0xe1: {  	s23 =	sadd.s32 $0x8480, s12;
	s19 =	sadd.s32 $0x8600, s12;
	s17 =	sadd.s32 $0x8880, s12  }
0xe2: {  	s24 =	sadd.s32 $0x8200, s12;
	s25 =	sadd.s32 $0x8400, s12;
	(v2sf) =	vpush v0, $0x8  }
0xe3: {  	s11 =	simm.s32 $0x0;
	s26 =	sadd.s32 $0x8500, s12;
	s13 =	sadd.s32 $0x10, s13  }
0xe4: {  	s28 =	sadd.s32 $0x8300, s12;
	s20 =	sadd.s32 $0x8700, s12;
	s22 =	spop (v2sf);
	(v2sf) =	vpush v0, $0x9  }
0xe5: {  	s29 =	sand.u32 $0x1FFFFFF0, s22;
	s22 =	sadd.s32 $0x8680, s12;
	s30 =	spop (v2sf)  }
0xe6: {  	s29 =	sadd.s32 s3, s29;
	s30 =	sand.u32 $0x1FFFFFF0, s30;
	s31 =	spop (v2sf);
	(v2sf) =	vpush v0, $0xA  }
0xe7: {  	[tilespmem:s24], [sflag:$0x1] =	stream.linear.gather [hbm4b:s29+s11], $0x80, $0x38;
	[tilespmem:$0x10200] =	vst v63  }
0xe8: {  	s24 =	sadd.s32 s3, s30;
	s29 =	sadd.s32 $0x8380, s12;
	s30 =	spop (v2sf);
	(v2sf) =	vpush v0, $0xB  }
0xe9: {  	[tilespmem:s0], [sflag:$0x1] =	stream.linear.gather [hbm4b:s24+s11], $0x80, $0x38;
	[tilespmem:$0x10200] =	vst v63  }
0xea: {  	s0 =	sand.u32 $0x1FFFFFF0, s31;
	s24 =	sand.u32 $0x1FFFFFF0, s30;
	s30 =	spop (v2sf);
	(v2sf) =	vpush v0, $0xC  }
0xeb: {  	s0 =	sadd.s32 s3, s0;
	s30 =	sand.u32 $0x1FFFFFF0, s30;
	s31 =	spop (v2sf)  }
0xec: {  	[tilespmem:s28], [sflag:$0x1] =	stream.linear.gather [hbm4b:s0+s11], $0x80, $0x38;
	(v2sf) =	vpush v0, $0xD;
	[tilespmem:$0x10200] =	vst v63  }
0xed: {  	s0 =	sadd.s32 s3, s30;
	s28 =	sand.u32 $0x1FFFFFF0, s31;
	s30 =	spop (v2sf)  }
0xee: {  	[tilespmem:s29], [sflag:$0x1] =	stream.linear.gather [hbm4b:s0+s11], $0x80, $0x38;
	(v2sf) =	vpush v0, $0xE;
	[tilespmem:$0x10200] =	vst v63  }
0xef: {  	s0 =	sadd.s32 s3, s24;
	s24 =	sand.u32 $0x1FFFFFF0, s30;
	s29 =	spop (v2sf)  }
0xf0: {  	[tilespmem:s25], [sflag:$0x1] =	stream.linear.gather [hbm4b:s0+s11], $0x80, $0x38;
	(v2sf) =	vpush v0, $0xF;
	[tilespmem:$0x10200] =	vst v63  }
0xf1: {  	s0 =	sadd.s32 s3, s28;
	s25 =	sand.u32 $0x1FFFFFF0, s29;
	s28 =	spop (v2sf)  }
0xf2: {  	[tilespmem:s23], [sflag:$0x1] =	stream.linear.gather [hbm4b:s0+s11], $0x80, $0x38;
	[tilespmem:$0x10200] =	vst v63  }
0xf3: {  	s0 =	sadd.s32 s3, s24;
	s23 =	sand.u32 $0x1FFFFFF0, s28;
	s24 =	spop (v2sf)  }
0xf4: {  	[tilespmem:s26], [sflag:$0x1] =	stream.linear.gather [hbm4b:s0+s11], $0x80, $0x38;
	[tilespmem:$0x10200] =	vst v63  }
0xf5: {  	s0 =	sadd.s32 s3, s25;
	s24 =	sand.u32 $0x1FFFFFF0, s24;
	s25 =	spop (v2sf)  }
0xf6: {  	[tilespmem:s21], [sflag:$0x1] =	stream.linear.gather [hbm4b:s0+s11], $0x80, $0x38;
	[tilespmem:$0x10200] =	vst v63  }
0xf7: {  	s0 =	sadd.s32 s3, s23;
	s21 =	sand.u32 $0x1FFFFFF0, s25;
	s23 =	spop (v2sf)  }
0xf8: {  	[tilespmem:s19], [sflag:$0x1] =	stream.linear.gather [hbm4b:s0+s11], $0x80, $0x38;
	[tilespmem:$0x10200] =	vst v63  }
0xf9: {  	s0 =	sadd.s32 s3, s24;
	s19 =	sand.u32 $0x1FFFFFF0, s23;
	s23 =	spop (v2sf)  }
0xfa: {  	[tilespmem:s22], [sflag:$0x1] =	stream.linear.gather [hbm4b:s0+s11], $0x80, $0x38;
	[tilespmem:$0x10200] =	vst v63  }
0xfb: {  	s0 =	sadd.s32 s3, s21;
	s21 =	sand.u32 $0x1FFFFFF0, s23;
	s22 =	spop (v2sf)  }
0xfc: {  	[tilespmem:s20], [sflag:$0x1] =	stream.linear.gather [hbm4b:s0+s11], $0x80, $0x38;
	[tilespmem:$0x10200] =	vst v63  }
0xfd: {  	s0 =	sadd.s32 s3, s19;
	s19 =	sand.u32 $0x1FFFFFF0, s22;
	s20 =	spop (v2sf)  }
0xfe: {  	[tilespmem:s18], [sflag:$0x1] =	stream.linear.gather [hbm4b:s0+s11], $0x80, $0x38;
	[tilespmem:$0x10200] =	vst v63  }
0xff: {  	s0 =	sadd.s32 s3, s21;
	s18 =	sand.u32 $0x1FFFFFF0, s20;
	s20 =	spop (v2sf)  }
0x100: {  	[tilespmem:s16], [sflag:$0x1] =	stream.linear.gather [hbm4b:s0+s11], $0x80, $0x38;
	[tilespmem:$0x10200] =	vst v63  }
0x101: {  	s0 =	sadd.s32 s3, s19;
	s16 =	sand.u32 $0x1FFFFFF0, s20  }
0x102: {  	[tilespmem:s17], [sflag:$0x1] =	stream.linear.gather [hbm4b:s0+s11], $0x80, $0x38;
	[tilespmem:$0x10200] =	vst v63  }
0x103: {  	s0 =	sadd.s32 $0x8900, s12;
	s17 =	sadd.s32 s3, s18  }
0x104: {  	[tilespmem:s0], [sflag:$0x1] =	stream.linear.gather [hbm4b:s17+s11], $0x80, $0x38;
	[tilespmem:$0x10200] =	vst v63  }
0x105: {  	s0 =	sadd.s32 $0x8980, s12;
	s12 =	sadd.s32 s3, s16  }
0x106: {  	[tilespmem:s0], [sflag:$0x1] =	stream.linear.gather [hbm4b:s12+s11], $0x80, $0x38;
	[tilespmem:$0x10200] =	vst v63  }
0x107: {  	v0 =	vld [tilespmem:s13+$0x0];
	_ =	sdelay $0x4  }
0x108: {  	v0 =	vshll.u32 v0, $0x4  }
0x109: {  	(v2sf) =	vpush v0, $0x0  }
0x10a: {  	(v2sf) =	vpush v0, $0x1  }
0x10b: {  	(v2sf) =	vpush v0, $0x2;
	_ =	sdelay $0x1  }
0x10c: {  	(v2sf) =	vpush v0, $0x4  }
.Ltmp2:
0x10d: {  	(pc) =	sbr.rel @p0 .LBB2_6-.Ltmp2, $3  }
0x10e: {  	(v2sf) =	vpush v0, $0x3  }
0x10f: {  	(v2sf) =	vpush v0, $0x5;
	_ =	sdelay $0x1  }
0x110: {  	s12 =	sshra.s32 s15, $0x2;
	(v2sf) =	vpush v0, $0x6  }
0x111: {  	_ =	sdelay $0x1  }
0x112: {  	s0 =	sadd.s32 $0x8280, s12;
	s15 =	sadd.s32 $0x8780, s12  }
0x113: {  	s16 =	sadd.s32 $0x8580, s12;
	s13 =	sadd.s32 $0x8800, s12;
	(v2sf) =	vpush v0, $0x7;
	s17 =	sadd.s32 $0x8480, s12  }
0x114: {  	s18 =	sadd.s32 $0x8600, s12;
	s14 =	sadd.s32 $0x8880, s12;
	s19 =	sadd.s32 $0x8200, s12  }
0x115: {  	s20 =	sadd.s32 $0x8400, s12;
	s21 =	sadd.s32 $0x8500, s12;
	(v2sf) =	vpush v0, $0x8;
	s22 =	spop (v2sf)  }
0x116: {  	s23 =	sadd.s32 $0x8300, s12;
	s22 =	sand.u32 $0x1FFFFFF0, s22;
	s24 =	spop (v2sf)  }
0x117: {  	(v2sf) =	vpush v0, $0x9;
	s22 =	sadd.s32 s3, s22;
	s24 =	sand.u32 $0x1FFFFFF0, s24;
	s25 =	spop (v2sf)  }
0x118: {  	[tilespmem:s19], [sflag:$0x1] =	stream.linear.gather [hbm4b:s22+s11], $0x80, $0x38;
	[tilespmem:$0x10200] =	vst v63  }
0x119: {  	(v2sf) =	vpush v0, $0xA;
	s26 =	sadd.s32 s3, s24;
	s29 =	sand.u32 $0x1FFFFFF0, s25;
	s28 =	spop (v2sf)  }
0x11a: {  	[tilespmem:s0], [sflag:$0x1] =	stream.linear.gather [hbm4b:s26+s11], $0x80, $0x38;
	[tilespmem:$0x10200] =	vst v63  }
0x11b: {  	s19 =	sadd.s32 $0x8700, s12;
	(v2sf) =	vpush v0, $0xB;
	s22 =	sadd.s32 s3, s29;
	s30 =	spop (v2sf)  }
0x11c: {  	s0 =	sadd.s32 $0x8680, s12;
	s26 =	sadd.s32 $0x8380, s12;
	s25 =	sand.u32 $0x1FFFFFF0, s30  }
0x11d: {  	(v2sf) =	vpush v0, $0xC;
	[tilespmem:s23], [sflag:$0x1] =	stream.linear.gather [hbm4b:s22+s11], $0x80, $0x38;
	[tilespmem:$0x10200] =	vst v63  }
0x11e: {  	s31 =	sand.u32 $0x1FFFFFF0, s28;
	s28 =	spop (v2sf);
	s29 =	sadd.s32 s3, s25  }
0x11f: {  	(v2sf) =	vpush v0, $0xD;
	[tilespmem:s26], [sflag:$0x1] =	stream.linear.gather [hbm4b:s29+s11], $0x80, $0x38;
	[tilespmem:$0x10200] =	vst v63  }
0x120: {  	s22 =	sadd.s32 s3, s31;
	s23 =	sand.u32 $0x1FFFFFF0, s28;
	s30 =	spop (v2sf)  }
0x121: {  	(v2sf) =	vpush v0, $0xE;
	[tilespmem:s20], [sflag:$0x1] =	stream.linear.gather [hbm4b:s22+s11], $0x80, $0x38;
	[tilespmem:$0x10200] =	vst v63  }
0x122: {  	s23 =	sadd.s32 s3, s23;
	s31 =	sand.u32 $0x1FFFFFF0, s30;
	s24 =	spop (v2sf)  }
0x123: {  	(v2sf) =	vpush v0, $0xF;
	[tilespmem:s17], [sflag:$0x1] =	stream.linear.gather [hbm4b:s23+s11], $0x80, $0x38;
	[tilespmem:$0x10200] =	vst v63  }
0x124: {  	s25 =	sand.u32 $0x1FFFFFF0, s24;
	s26 =	spop (v2sf);
	s20 =	sadd.s32 s3, s31  }
0x125: {  	[tilespmem:s21], [sflag:$0x1] =	stream.linear.gather [hbm4b:s20+s11], $0x80, $0x38;
	[tilespmem:$0x10200] =	vst v63  }
0x126: {  	s28 =	sand.u32 $0x1FFFFFF0, s26;
	s17 =	sadd.s32 s3, s25;
	s29 =	spop (v2sf)  }
0x127: {  	[tilespmem:s16], [sflag:$0x1] =	stream.linear.gather [hbm4b:s17+s11], $0x80, $0x38;
	[tilespmem:$0x10200] =	vst v63  }
0x128: {  	s20 =	sadd.s32 s3, s28;
	s30 =	sand.u32 $0x1FFFFFF0, s29;
	s31 =	spop (v2sf)  }
0x129: {  	[tilespmem:s18], [sflag:$0x1] =	stream.linear.gather [hbm4b:s20+s11], $0x80, $0x38;
	[tilespmem:$0x10200] =	vst v63  }
0x12a: {  	s17 =	sand.u32 $0x1FFFFFF0, s31;
	s16 =	sadd.s32 s3, s30;
	s20 =	spop (v2sf)  }
0x12b: {  	[tilespmem:s0], [sflag:$0x1] =	stream.linear.gather [hbm4b:s16+s11], $0x80, $0x38;
	[tilespmem:$0x10200] =	vst v63  }
0x12c: {  	s17 =	sadd.s32 s3, s17;
	s21 =	sand.u32 $0x1FFFFFF0, s20;
	s22 =	spop (v2sf)  }
0x12d: {  	[tilespmem:s19], [sflag:$0x1] =	stream.linear.gather [hbm4b:s17+s11], $0x80, $0x38;
	[tilespmem:$0x10200] =	vst v63  }
0x12e: {  	s0 =	sadd.s32 s3, s21;
	s16 =	sand.u32 $0x1FFFFFF0, s22;
	s23 =	spop (v2sf)  }
0x12f: {  	[tilespmem:s15], [sflag:$0x1] =	stream.linear.gather [hbm4b:s0+s11], $0x80, $0x38;
	[tilespmem:$0x10200] =	vst v63  }
0x130: {  	s24 =	sand.u32 $0x1FFFFFF0, s23;
	s16 =	sadd.s32 s3, s16;
	s25 =	spop (v2sf)  }
0x131: {  	[tilespmem:s13], [sflag:$0x1] =	stream.linear.gather [hbm4b:s16+s11], $0x80, $0x38;
	[tilespmem:$0x10200] =	vst v63  }
0x132: {  	s26 =	sand.u32 $0x1FFFFFF0, s25;
	s28 =	spop (v2sf);
	s0 =	sadd.s32 s3, s24  }
0x133: {  	[tilespmem:s14], [sflag:$0x1] =	stream.linear.gather [hbm4b:s0+s11], $0x80, $0x38;
	[tilespmem:$0x10200] =	vst v63  }
0x134: {  	s30 =	sadd.s32 $0x8900, s12;
	s29 =	sand.u32 $0x1FFFFFF0, s28;
	s13 =	sadd.s32 s3, s26  }
0x135: {  	[tilespmem:s30], [sflag:$0x1] =	stream.linear.gather [hbm4b:s13+s11], $0x80, $0x38;
	[tilespmem:$0x10200] =	vst v63  }
0x136: {  	s31 =	sadd.s32 $0x8980, s12;
	s12 =	simm.s32 $0x180;
	s0 =	sadd.s32 s3, s29  }
0x137: {  	[tilespmem:s31], [sflag:$0x1] =	stream.linear.gather [hbm4b:s0+s11], $0x80, $0x38;
	[tilespmem:$0x10200] =	vst v63  }
0x138: {  	v0 =	vld [tilespmem:s12+$0x0];
	_ =	sdelay $0x4  }
0x139: {  	v0 =	vshll.u32 v0, $0x4  }
0x13a: {  	(v2sf) =	vpush v0, $0x0  }
0x13b: {  	(v2sf) =	vpush v0, $0x1  }
0x13c: {  	(v2sf) =	vpush v0, $0x2;
	_ =	sdelay $0x1  }
0x13d: {  	(v2sf) =	vpush v0, $0x4;
	_ =	sdelay $0x1  }
0x13e: {  	(v2sf) =	vpush v0, $0x3  }
0x13f: {  	(v2sf) =	vpush v0, $0x5  }
0x140: {  	s13 =	simm.s32 $0x2000;
	s11 =	simm.s32 $0x0;
	(v2sf) =	vpush v0, $0x6  }
.LBB2_8:
0x141: {  	p0 =	sne.s32 s13, $0xE000  }
0x142: {  	s0 =	sadd.s32 $0xC280, s11;
	s17 =	sadd.s32 $0xC780, s11;
	s14 =	smov.u32 s13  }
0x143: {  	s13 =	sadd.s32 $0x2000, s13;
	s20 =	sadd.s32 $0xC580, s11;
	s15 =	sadd.s32 $0xC800, s11;
	(v2sf) =	vpush v0, $0x7  }
0x144: {  	s22 =	sadd.s32 $0xC480, s11;
	s19 =	sadd.s32 $0xC600, s11;
	s16 =	sadd.s32 $0xC880, s11  }
0x145: {  	s23 =	sadd.s32 $0xC200, s11;
	s24 =	sadd.s32 $0xC400, s11;
	(v2sf) =	vpush v0, $0x8  }
0x146: {  	s25 =	sadd.s32 $0xC500, s11;
	s12 =	sadd.s32 $0x10, s12  }
0x147: {  	s26 =	sadd.s32 $0xC300, s11;
	s18 =	sadd.s32 $0xC700, s11;
	s21 =	spop (v2sf);
	(v2sf) =	vpush v0, $0x9  }
0x148: {  	s28 =	sand.u32 $0x1FFFFFF0, s21;
	s21 =	sadd.s32 $0xC680, s11;
	s29 =	spop (v2sf)  }
0x149: {  	s28 =	sadd.s32 s3, s28;
	s29 =	sand.u32 $0x1FFFFFF0, s29;
	s30 =	spop (v2sf);
	(v2sf) =	vpush v0, $0xA  }
0x14a: {  	[tilespmem:s23], [sflag:$0x1] =	stream.linear.gather [hbm4b:s28+s1], $0x80, $0x38;
	[tilespmem:$0x10200] =	vst v63  }
0x14b: {  	s23 =	sadd.s32 s3, s29;
	s28 =	sadd.s32 $0xC380, s11;
	s29 =	spop (v2sf);
	(v2sf) =	vpush v0, $0xB  }
0x14c: {  	[tilespmem:s0], [sflag:$0x1] =	stream.linear.gather [hbm4b:s23+s1], $0x80, $0x38;
	[tilespmem:$0x10200] =	vst v63  }
0x14d: {  	s0 =	sand.u32 $0x1FFFFFF0, s30;
	s23 =	sand.u32 $0x1FFFFFF0, s29;
	s29 =	spop (v2sf);
	(v2sf) =	vpush v0, $0xC  }
0x14e: {  	s0 =	sadd.s32 s3, s0;
	s29 =	sand.u32 $0x1FFFFFF0, s29;
	s30 =	spop (v2sf)  }
0x14f: {  	[tilespmem:s26], [sflag:$0x1] =	stream.linear.gather [hbm4b:s0+s1], $0x80, $0x38;
	(v2sf) =	vpush v0, $0xD;
	[tilespmem:$0x10200] =	vst v63  }
0x150: {  	s0 =	sadd.s32 s3, s29;
	s26 =	sand.u32 $0x1FFFFFF0, s30;
	s29 =	spop (v2sf)  }
0x151: {  	[tilespmem:s28], [sflag:$0x1] =	stream.linear.gather [hbm4b:s0+s1], $0x80, $0x38;
	(v2sf) =	vpush v0, $0xE;
	[tilespmem:$0x10200] =	vst v63  }
0x152: {  	s0 =	sadd.s32 s3, s23;
	s23 =	sand.u32 $0x1FFFFFF0, s29;
	s28 =	spop (v2sf)  }
0x153: {  	[tilespmem:s24], [sflag:$0x1] =	stream.linear.gather [hbm4b:s0+s1], $0x80, $0x38;
	(v2sf) =	vpush v0, $0xF;
	[tilespmem:$0x10200] =	vst v63  }
0x154: {  	s0 =	sadd.s32 s3, s26;
	s24 =	sand.u32 $0x1FFFFFF0, s28;
	s26 =	spop (v2sf)  }
0x155: {  	[tilespmem:s22], [sflag:$0x1] =	stream.linear.gather [hbm4b:s0+s1], $0x80, $0x38;
	[tilespmem:$0x10200] =	vst v63  }
0x156: {  	s0 =	sadd.s32 s3, s23;
	s22 =	sand.u32 $0x1FFFFFF0, s26;
	s23 =	spop (v2sf)  }
0x157: {  	[tilespmem:s25], [sflag:$0x1] =	stream.linear.gather [hbm4b:s0+s1], $0x80, $0x38;
	[tilespmem:$0x10200] =	vst v63  }
0x158: {  	s0 =	sadd.s32 s3, s24;
	s23 =	sand.u32 $0x1FFFFFF0, s23;
	s24 =	spop (v2sf)  }
0x159: {  	[tilespmem:s20], [sflag:$0x1] =	stream.linear.gather [hbm4b:s0+s1], $0x80, $0x38;
	[tilespmem:$0x10200] =	vst v63  }
0x15a: {  	s0 =	sadd.s32 s3, s22;
	s20 =	sand.u32 $0x1FFFFFF0, s24;
	s22 =	spop (v2sf)  }
0x15b: {  	[tilespmem:s19], [sflag:$0x1] =	stream.linear.gather [hbm4b:s0+s1], $0x80, $0x38;
	[tilespmem:$0x10200] =	vst v63  }
0x15c: {  	s0 =	sadd.s32 s3, s23;
	s19 =	sand.u32 $0x1FFFFFF0, s22;
	s22 =	spop (v2sf)  }
0x15d: {  	[tilespmem:s21], [sflag:$0x1] =	stream.linear.gather [hbm4b:s0+s1], $0x80, $0x38;
	[tilespmem:$0x10200] =	vst v63  }
0x15e: {  	s0 =	sadd.s32 s3, s20;
	s20 =	sand.u32 $0x1FFFFFF0, s22;
	s21 =	spop (v2sf)  }
0x15f: {  	[tilespmem:s18], [sflag:$0x1] =	stream.linear.gather [hbm4b:s0+s1], $0x80, $0x38;
	[tilespmem:$0x10200] =	vst v63  }
0x160: {  	s0 =	sadd.s32 s3, s19;
	s18 =	sand.u32 $0x1FFFFFF0, s21;
	s19 =	spop (v2sf)  }
0x161: {  	[tilespmem:s17], [sflag:$0x1] =	stream.linear.gather [hbm4b:s0+s1], $0x80, $0x38;
	[tilespmem:$0x10200] =	vst v63  }
0x162: {  	s0 =	sadd.s32 s3, s20;
	s17 =	sand.u32 $0x1FFFFFF0, s19;
	s19 =	spop (v2sf)  }
0x163: {  	[tilespmem:s15], [sflag:$0x1] =	stream.linear.gather [hbm4b:s0+s1], $0x80, $0x38;
	[tilespmem:$0x10200] =	vst v63  }
0x164: {  	s0 =	sadd.s32 s3, s18;
	s15 =	sand.u32 $0x1FFFFFF0, s19  }
0x165: {  	[tilespmem:s16], [sflag:$0x1] =	stream.linear.gather [hbm4b:s0+s1], $0x80, $0x38;
	[tilespmem:$0x10200] =	vst v63  }
0x166: {  	s0 =	sadd.s32 $0xC900, s11;
	s16 =	sadd.s32 s3, s17  }
0x167: {  	[tilespmem:s0], [sflag:$0x1] =	stream.linear.gather [hbm4b:s16+s1], $0x80, $0x38;
	[tilespmem:$0x10200] =	vst v63  }
0x168: {  	s0 =	sadd.s32 $0xC980, s11;
	s11 =	sadd.s32 s3, s15  }
0x169: {  	[tilespmem:s0], [sflag:$0x1] =	stream.linear.gather [hbm4b:s11+s1], $0x80, $0x38;
	[tilespmem:$0x10200] =	vst v63  }
0x16a: {  	v0 =	vld [tilespmem:s12+$0x0];
	_ =	sdelay $0x4  }
0x16b: {  	v0 =	vshll.u32 v0, $0x4  }
0x16c: {  	(v2sf) =	vpush v0, $0x0  }
0x16d: {  	(v2sf) =	vpush v0, $0x1  }
0x16e: {  	(v2sf) =	vpush v0, $0x2;
	_ =	sdelay $0x1  }
0x16f: {  	(v2sf) =	vpush v0, $0x4  }
.Ltmp3:
0x170: {  	(pc) =	sbr.rel @p0 .LBB2_8-.Ltmp3, $3  }
0x171: {  	(v2sf) =	vpush v0, $0x3  }
0x172: {  	(v2sf) =	vpush v0, $0x5;
	_ =	sdelay $0x1  }
0x173: {  	s11 =	sshra.s32 s14, $0x2;
	(v2sf) =	vpush v0, $0x6  }
0x174: {  	_ =	sdelay $0x1  }
0x175: {  	s0 =	sadd.s32 $0xC280, s11;
	s14 =	sadd.s32 $0xC780, s11  }
0x176: {  	s15 =	sadd.s32 $0xC580, s11;
	s12 =	sadd.s32 $0xC800, s11;
	(v2sf) =	vpush v0, $0x7;
	s16 =	sadd.s32 $0xC480, s11  }
0x177: {  	s17 =	sadd.s32 $0xC600, s11;
	s13 =	sadd.s32 $0xC880, s11;
	s18 =	sadd.s32 $0xC200, s11  }
0x178: {  	s19 =	sadd.s32 $0xC400, s11;
	s20 =	sadd.s32 $0xC500, s11;
	(v2sf) =	vpush v0, $0x8;
	s21 =	spop (v2sf)  }
0x179: {  	s22 =	sadd.s32 $0xC300, s11;
	s21 =	sand.u32 $0x1FFFFFF0, s21;
	s23 =	spop (v2sf)  }
0x17a: {  	(v2sf) =	vpush v0, $0x9;
	s21 =	sadd.s32 s3, s21;
	s23 =	sand.u32 $0x1FFFFFF0, s23;
	s24 =	spop (v2sf)  }
0x17b: {  	[tilespmem:s18], [sflag:$0x1] =	stream.linear.gather [hbm4b:s21+s1], $0x80, $0x38;
	[tilespmem:$0x10200] =	vst v63  }
0x17c: {  	s25 =	sadd.s32 $0xC380, s11;
	(v2sf) =	vpush v0, $0xA;
	s30 =	sadd.s32 s3, s23;
	s31 =	spop (v2sf)  }
0x17d: {  	[tilespmem:s0], [sflag:$0x1] =	stream.linear.gather [hbm4b:s30+s1], $0x80, $0x38;
	[tilespmem:$0x10200] =	vst v63  }
0x17e: {  	s18 =	sadd.s32 $0xC700, s11;
	s24 =	sand.u32 $0x1FFFFFF0, s24;
	(v2sf) =	vpush v0, $0xB;
	s26 =	spop (v2sf)  }
0x17f: {  	s21 =	sadd.s32 s3, s24;
	s0 =	sadd.s32 $0xC680, s11;
	s24 =	sand.u32 $0x1FFFFFF0, s26  }
0x180: {  	(v2sf) =	vpush v0, $0xC;
	[tilespmem:s22], [sflag:$0x1] =	stream.linear.gather [hbm4b:s21+s1], $0x80, $0x38;
	[tilespmem:$0x10200] =	vst v63  }
0x181: {  	s28 =	sand.u32 $0x1FFFFFF0, s31;
	s29 =	spop (v2sf);
	s30 =	sadd.s32 s3, s24  }
0x182: {  	(v2sf) =	vpush v0, $0xD;
	[tilespmem:s25], [sflag:$0x1] =	stream.linear.gather [hbm4b:s30+s1], $0x80, $0x38;
	[tilespmem:$0x10200] =	vst v63  }
0x183: {  	s21 =	sadd.s32 s3, s28;
	s22 =	sand.u32 $0x1FFFFFF0, s29;
	s31 =	spop (v2sf)  }
0x184: {  	(v2sf) =	vpush v0, $0xE;
	[tilespmem:s19], [sflag:$0x1] =	stream.linear.gather [hbm4b:s21+s1], $0x80, $0x38;
	[tilespmem:$0x10200] =	vst v63  }
0x185: {  	s22 =	sadd.s32 s3, s22;
	s23 =	sand.u32 $0x1FFFFFF0, s31;
	s24 =	spop (v2sf)  }
0x186: {  	(v2sf) =	vpush v0, $0xF;
	[tilespmem:s16], [sflag:$0x1] =	stream.linear.gather [hbm4b:s22+s1], $0x80, $0x38;
	[tilespmem:$0x10200] =	vst v63  }
0x187: {  	s25 =	sand.u32 $0x1FFFFFF0, s24;
	s26 =	spop (v2sf);
	s19 =	sadd.s32 s3, s23  }
0x188: {  	[tilespmem:s20], [sflag:$0x1] =	stream.linear.gather [hbm4b:s19+s1], $0x80, $0x38;
	[tilespmem:$0x10200] =	vst v63  }
0x189: {  	s28 =	sand.u32 $0x1FFFFFF0, s26;
	s16 =	sadd.s32 s3, s25;
	s29 =	spop (v2sf)  }
0x18a: {  	[tilespmem:s15], [sflag:$0x1] =	stream.linear.gather [hbm4b:s16+s1], $0x80, $0x38;
	[tilespmem:$0x10200] =	vst v63  }
0x18b: {  	s19 =	sadd.s32 s3, s28;
	s30 =	sand.u32 $0x1FFFFFF0, s29;
	s31 =	spop (v2sf)  }
0x18c: {  	[tilespmem:s17], [sflag:$0x1] =	stream.linear.gather [hbm4b:s19+s1], $0x80, $0x38;
	[tilespmem:$0x10200] =	vst v63  }
0x18d: {  	s16 =	sand.u32 $0x1FFFFFF0, s31;
	s15 =	sadd.s32 s3, s30;
	s20 =	spop (v2sf)  }
0x18e: {  	[tilespmem:s0], [sflag:$0x1] =	stream.linear.gather [hbm4b:s15+s1], $0x80, $0x38;
	[tilespmem:$0x10200] =	vst v63  }
0x18f: {  	s16 =	sadd.s32 s3, s16;
	s21 =	sand.u32 $0x1FFFFFF0, s20;
	s22 =	spop (v2sf)  }
0x190: {  	[tilespmem:s18], [sflag:$0x1] =	stream.linear.gather [hbm4b:s16+s1], $0x80, $0x38;
	[tilespmem:$0x10200] =	vst v63  }
0x191: {  	s0 =	sadd.s32 s3, s21;
	s15 =	sand.u32 $0x1FFFFFF0, s22;
	s23 =	spop (v2sf)  }
0x192: {  	[tilespmem:s14], [sflag:$0x1] =	stream.linear.gather [hbm4b:s0+s1], $0x80, $0x38;
	[tilespmem:$0x10200] =	vst v63  }
0x193: {  	s24 =	sand.u32 $0x1FFFFFF0, s23;
	s15 =	sadd.s32 s3, s15;
	s25 =	spop (v2sf)  }
0x194: {  	[tilespmem:s12], [sflag:$0x1] =	stream.linear.gather [hbm4b:s15+s1], $0x80, $0x38;
	[tilespmem:$0x10200] =	vst v63  }
0x195: {  	s26 =	sand.u32 $0x1FFFFFF0, s25;
	s28 =	spop (v2sf);
	s0 =	sadd.s32 s3, s24  }
0x196: {  	[tilespmem:s13], [sflag:$0x1] =	stream.linear.gather [hbm4b:s0+s1], $0x80, $0x38;
	[tilespmem:$0x10200] =	vst v63  }
0x197: {  	s30 =	sadd.s32 $0xC900, s11;
	s29 =	sand.u32 $0x1FFFFFF0, s28;
	s12 =	sadd.s32 s3, s26  }
0x198: {  	[tilespmem:s30], [sflag:$0x1] =	stream.linear.gather [hbm4b:s12+s1], $0x80, $0x38;
	[tilespmem:$0x10200] =	vst v63  }
0x199: {  	s31 =	sadd.s32 $0xC980, s11;
	s0 =	sadd.s32 s3, s29  }
0x19a: {  	[tilespmem:s31], [sflag:$0x1] =	stream.linear.gather [hbm4b:s0+s1], $0x80, $0x38;
	[tilespmem:$0x10200] =	vst v63  }
0x19b: {  	_ =	swait.ge [sflag:s8], $0x80  }
0x19c: {  	s11 =	simm.s32 $0x1FF;
	[sflag:s8] =	ssyncset.done $0x0  }
.LBB2_10:
0x19d: {  	p0 =	sne.s32 s11, $0x1;
	s11 =	sadd.s32 $0xFFFFFFFF, s11;
	[sflag:s8] =	ssyncadd.s32 $0xFFFFFF80  }
.Ltmp4:
0x19e: {  	(pc) =	sbr.rel @p0 .LBB2_10-.Ltmp4, $3  }
0x19f: {  	_ =	sdelay $0x1  }
0x1a0: {  	_ =	swait.ge [sflag:s8], $0x80  }
0x1a1: {  	[sflag:s8] =	ssyncset.done $0x0  }
0x1a2: {  	s10 =	sadd.s32 $0x1, s10  }
0x1a3: {  	p0 =	sne.s32 s10, s6  }
.Ltmp5:
0x1a4: {  	[sflag:s8] =	ssyncadd.s32 $0xFFFFFF80;
	(pc) =	sbr.rel @p0 .LBB2_1-.Ltmp5, $4  }
0x1a5: {  	[hbm4b:s5+s1] =	stream.linear.scatter [tilespmem:s9], [sflag:$0x2], $0x10000, $0x38;
	[tilespmem:$0x10200] =	vst v63  }
0x1a6: {  	_ =	swait.ge [sflag:s7], $0x10000  }
0x1a7: {  	[sflag:s7] =	ssyncset.done $0x0  }
0x1a8: {  	[sflag:s7] =	ssyncadd.s32 $0xFFFF0000  }
0x1a9: {  	_ =	sfence.sel $0x180000  }
0x1aa: {  	[bflag:$0x0] =	sbarrier.arrive $0xFFFF  }
0x1ab: {  	_ =	strace $0x90000047  }
0x1ac: {  	[bflag:$0x2] =	sbarrier.arrive $0xFFFF  }
0x1ad: {  	p0 =	sne.s32 s2, $0x0;
	s0 =	rddreg [dreg:$0x2]  }
0x1ae: {  	s0 =	sadd.s32 @!p0 $0x100000, s0  }
0x1af: {  	[sflag:s0] =	ssyncadd.tile.s32 @!p0 $0x1;
	_ =	shalt  }
.Lfunc_end2:
_tile_overlayer_lowered:
.L_overlay_start_2:
0x1b0: {  	(tag) =	ssettag $0x2  }
0x1b1: {  	s0 =	rddreg [dreg:$0x0];
	s2 =	stileid.u32  }
0x1b2: {  	s1 =	rddreg [dreg:$0x1];
	p0 =	sne.s32 s2, $0x0  }
0x1b3: {  	s3 =	rddreg [dreg:$0x2];
	[bflag:$0x3] =	sbarrier.arrive $0xFFFF;
	s2 =	simm.s32 @!p0 $0x1C02  }
0x1b4: {  	[timem:s3], [sflag:s2] =	dma.local @!p0 [hbm:s0], s1  }
0x1b5: {  	s0 =	simm.s32 @!p0 $0x2  }
0x1b6: {  	_ =	swait.ge @!p0 [sflag:s0], s1  }
0x1b7: {  	s1 =	ssub.s32 @!p0 $0x0, s1;
	[sflag:s0] =	ssyncset.done @!p0 $0x0  }
0x1b8: {  	[sflag:s0] =	ssyncadd.s32 @!p0 s1  }
0x1b9: {  	[bflag:$0x3] =	sbarrier.arrive $0xFFFF  }
0x1ba: {  	_ =	shalt  }

</sc_bundles>
